<compile_context>
chip_gen: v7x
topology: tpu7x:2x2x1
jax: 0.10.2.dev20260603
libtpu: 0.0.44.dev20260713+nightly
codegen_flags: <defaults>
</compile_context>

<pallas_src>
import functools

import jax
import jax.numpy as jnp
from jax import lax
from jax.experimental import pallas as pl
from jax.experimental.pallas import tpu as pltpu
from jax.experimental.pallas import tpu_sc as plsc

_MAXDET = 100
_NMS_T = 0.5
_THRES = 0.001
_NEG = -1e30
_NP = 1024
_CP = 96
_ND = _NP // 16
_SH = 24


def _sc_nms(logits_flat, boxes_flat, ts_pad, B):
    mesh = plsc.VectorSubcoreMesh(core_axis_name="c", subcore_axis_name="s")

    @functools.partial(
        pl.kernel,
        out_type=[
            jax.ShapeDtypeStruct((B, 128), jnp.float32),
            jax.ShapeDtypeStruct((B, 128), jnp.int32),
            jax.ShapeDtypeStruct((B, 512), jnp.float32),
            jax.ShapeDtypeStruct((B, 128), jnp.int32),
        ],
        mesh=mesh,
        scratch_types=[
            pltpu.VMEM((_CP * _NP,), jnp.float32),
            pltpu.VMEM((4 * _NP + 16,), jnp.float32),
            pltpu.VMEM((4 * _NP,), jnp.float32),
            pltpu.VMEM((_CP,), jnp.float32),
            pltpu.VMEM((_CP,), jnp.int32),
            pltpu.VMEM((128,), jnp.float32),
            pltpu.VMEM((128,), jnp.int32),
            pltpu.VMEM((512,), jnp.float32),
            pltpu.VMEM((128,), jnp.int32),
            pltpu.VMEM((16,), jnp.int32),
            pltpu.VMEM((32,), jnp.float32),
            pltpu.VMEM((32,), jnp.int32),
            pltpu.VMEM((32,), jnp.float32),
            pltpu.VMEM((32,), jnp.int32),
            pltpu.VMEM((128,), jnp.float32),
            pltpu.VMEM((128,), jnp.int32),
            pltpu.VMEM_SHARED((4, 3 * _SH * _NP), jnp.float32),
            pltpu.VMEM_SHARED((4, 128), jnp.float32),
            pltpu.VMEM_SHARED((4, 128), jnp.int32),
        ],
    )
    def k(logits_hbm, boxes_hbm, ts_hbm, osc_hbm, olb_hbm, obx_hbm, ovd_hbm,
          s_v, geom_v, bx_v, rmax_v, rarg_v, osc_v, olb_v, obx_v, ovd_v, ts_v,
          red_f, red_i, lrm_v, lra_v, tmpf, tmpi, slab, rm_sh, ra_sh):
        sidx = lax.axis_index("s")
        cidx = lax.axis_index("c")
        li = sidx // 4
        q = sidx - li * 4
        img = cidx * 4 + li
        sbase = q * _SH * _NP

        iota = lax.iota(jnp.int32, 16)
        neg16 = jnp.full((16,), _NEG, jnp.float32)
        zero16i = jnp.zeros((16,), jnp.int32)
        bigi = jnp.full((16,), 1 << 30, jnp.int32)

        def blend_store(ref, idx, val):
            base = (idx // 16) * 16
            lane = idx - base
            old = ref[pl.ds(base, 16)]
            ref[pl.ds(base, 16)] = jnp.where(iota == lane, val, old)

        red_f[pl.ds(16, 16)] = neg16
        red_i[pl.ds(16, 16)] = bigi

        def hargmax_pair(vals, keys):
            red_f[pl.ds(0, 16)] = vals
            red_i[pl.ds(0, 16)] = keys
            for sh in (8, 4, 2, 1):
                a = red_f[pl.ds(0, 16)]
                b = red_f[pl.ds(sh, 16)]
                ka = red_i[pl.ds(0, 16)]
                kb = red_i[pl.ds(sh, 16)]
                gt = a > b
                eq = a == b
                red_f[pl.ds(0, 16)] = jnp.maximum(a, b)
                red_i[pl.ds(0, 16)] = jnp.where(
                    gt, ka, jnp.where(eq, jnp.minimum(ka, kb), kb))
            return red_f[pl.ds(0, 16)][0], red_i[pl.ds(0, 16)][0]

        pltpu.sync_copy(logits_hbm.at[img, pl.ds(sbase, _SH * _NP)],
                        s_v.at[pl.ds(0, _SH * _NP)])

        def row_body(c, _):
            rb = c * _NP

            @plsc.parallel_loop(0, _ND // 8, carry=(neg16, zero16i))
            def init_carry(g, carry):
                vmax, varg = carry
                parts = []
                for u in range(8):
                    kk = g * 8 + u
                    x = s_v[pl.ds(rb + kk * 16, 16)]
                    sv = 1.0 / (1.0 + jnp.exp(-x))
                    parts.append((kk, sv, iota + kk * 16))
                for kk, sv, _ in parts:
                    s_v[pl.ds(rb + kk * 16, 16)] = sv
                for _, sv, nvec in parts:
                    m = sv > vmax
                    vmax = jnp.where(m, sv, vmax)
                    varg = jnp.where(m, nvec, varg)
                return vmax, varg

            mrow, nrow = hargmax_pair(*init_carry)
            blend_store(lrm_v, c, mrow)
            blend_store(lra_v, c, nrow)
            return 0

        lax.fori_loop(0, _SH, row_body, 0)

        @pl.when(q > 0)
        def _():
            pltpu.sync_copy(s_v.at[pl.ds(0, _SH * _NP)],
                            slab.at[li, pl.ds(sbase - _SH * _NP, _SH * _NP)])

        pltpu.sync_copy(lrm_v, rm_sh.at[li, pl.ds(q * 32, 32)])
        pltpu.sync_copy(lra_v, ra_sh.at[li, pl.ds(q * 32, 32)])

        plsc.subcore_barrier()

        @pl.when(q == 0)
        def _():
            pltpu.sync_copy(slab.at[li],
                            s_v.at[pl.ds(_SH * _NP, 3 * _SH * _NP)])
            pltpu.sync_copy(rm_sh.at[li], tmpf)
            pltpu.sync_copy(ra_sh.at[li], tmpi)
            pltpu.sync_copy(boxes_hbm.at[img], bx_v)
            pltpu.sync_copy(ts_hbm.at[img], ts_v)

            for j in range(_CP // 16):
                cv = iota + 16 * j
                mv = tmpf[pl.ds(16 * j, 16)]
                av = tmpi[pl.ds(16 * j, 16)]
                for qq in (1, 2, 3):
                    sel = cv >= qq * _SH
                    mv = jnp.where(sel, tmpf[pl.ds(8 * qq + 16 * j, 16)], mv)
                    av = jnp.where(sel, tmpi[pl.ds(8 * qq + 16 * j, 16)], av)
                rmax_v[pl.ds(16 * j, 16)] = mv
                rarg_v[pl.ds(16 * j, 16)] = av

            @plsc.parallel_loop(0, _ND, unroll=4)
            def geom_body(kk):
                o = kk * 16
                cx = bx_v[pl.ds(o, 16)]
                cy = bx_v[pl.ds(_NP + o, 16)]
                w = bx_v[pl.ds(2 * _NP + o, 16)]
                h = bx_v[pl.ds(3 * _NP + o, 16)]
                x0 = cx - 0.5 * w
                y0 = cy - 0.5 * h
                x1 = cx + 0.5 * w
                y1 = cy + 0.5 * h
                geom_v[pl.ds(o, 16)] = x0
                geom_v[pl.ds(_NP + o, 16)] = y0
                geom_v[pl.ds(2 * _NP + o, 16)] = x1
                geom_v[pl.ds(3 * _NP + o, 16)] = y1

            @plsc.parallel_loop(0, 8)
            def zo_body(kk):
                o = kk * 16
                osc_v[pl.ds(o, 16)] = jnp.zeros((16,), jnp.float32)
                olb_v[pl.ds(o, 16)] = zero16i
                ovd_v[pl.ds(o, 16)] = zero16i

            @plsc.parallel_loop(0, 32)
            def zb_body(kk):
                obx_v[pl.ds(kk * 16, 16)] = jnp.zeros((16,), jnp.float32)

            tsvec = ts_v[pl.ds(0, 16)]
            hf = tsvec[0].astype(jnp.float32)
            wf = tsvec[1].astype(jnp.float32)

            def it_body(i, _):
                @plsc.parallel_loop(0, _CP // 16, carry=(neg16, bigi))
                def mx_body(kk, carry):
                    vmax, vkey = carry
                    rm = rmax_v[pl.ds(kk * 16, 16)]
                    ra = rarg_v[pl.ds(kk * 16, 16)]
                    key = ra * 128 + (iota + kk * 16)
                    gt = rm > vmax
                    eq = rm == vmax
                    nkey = jnp.where(gt, key, jnp.where(eq, jnp.minimum(vkey, key), vkey))
                    return jnp.maximum(rm, vmax), nkey

                mglob, j2 = hargmax_pair(*mx_body)
                ok = mglob > _THRES

                @pl.when(ok)
                def _():
                    n = j2 // 128
                    c = j2 - n * 128
                    x0b = geom_v[pl.ds(n, 16)][0]
                    y0b = geom_v[pl.ds(_NP + n, 16)][0]
                    x1b = geom_v[pl.ds(2 * _NP + n, 16)][0]
                    y1b = geom_v[pl.ds(3 * _NP + n, 16)][0]
                    areab = (x1b - x0b) * (y1b - y0b)
                    rb = c * _NP

                    @plsc.parallel_loop(0, _ND // 8, carry=(neg16, zero16i))
                    def upd_body(g, carry):
                        vmax, varg = carry
                        parts = []
                        for u in range(8):
                            kk = g * 8 + u
                            o = kk * 16
                            x0 = geom_v[pl.ds(o, 16)]
                            y0 = geom_v[pl.ds(_NP + o, 16)]
                            x1 = geom_v[pl.ds(2 * _NP + o, 16)]
                            y1 = geom_v[pl.ds(3 * _NP + o, 16)]
                            ar = (x1 - x0) * (y1 - y0)
                            sc = s_v[pl.ds(rb + o, 16)]
                            inter = jnp.maximum(jnp.minimum(x1, x1b) - jnp.maximum(x0, x0b), 0.0)
                            inter = inter * jnp.maximum(jnp.minimum(y1, y1b) - jnp.maximum(y0, y0b), 0.0)
                            iou = inter / jnp.maximum(areab + ar - inter, 1e-9)
                            nvec = iota + o
                            ns = jnp.where((iou > _NMS_T) | (nvec == n), _NEG, sc)
                            parts.append((kk, ns, nvec))
                        for kk, ns, _ in parts:
                            s_v[pl.ds(rb + kk * 16, 16)] = ns
                        for _, ns, nvec in parts:
                            m = ns > vmax
                            vmax = jnp.where(m, ns, vmax)
                            varg = jnp.where(m, nvec, varg)
                        return vmax, varg

                    mrow, nrow = hargmax_pair(*upd_body)
                    blend_store(rmax_v, c, mrow)
                    blend_store(rarg_v, c, nrow)
                    blend_store(osc_v, i, mglob)
                    blend_store(olb_v, i, c)
                    blend_store(ovd_v, i, jnp.int32(1))
                    pos = 4 * i
                    bbase = (pos // 16) * 16
                    l0 = pos - bbase
                    old = obx_v[pl.ds(bbase, 16)]
                    bv = jnp.where(iota == l0, x0b * wf, old)
                    bv = jnp.where(iota == l0 + 1, y0b * hf, bv)
                    bv = jnp.where(iota == l0 + 2, x1b * wf, bv)
                    bv = jnp.where(iota == l0 + 3, y1b * hf, bv)
                    obx_v[pl.ds(bbase, 16)] = bv

                return 0

            lax.fori_loop(0, _MAXDET, it_body, 0)

            pltpu.sync_copy(osc_v, osc_hbm.at[img])
            pltpu.sync_copy(olb_v, olb_hbm.at[img])
            pltpu.sync_copy(obx_v, obx_hbm.at[img])
            pltpu.sync_copy(ovd_v, ovd_hbm.at[img])

    return k(logits_flat, boxes_flat, ts_pad)


def kernel(pred_logits, pred_boxes, target_sizes):
    B, N, C = pred_logits.shape
    lt = jnp.transpose(pred_logits, (0, 2, 1))
    lt = jnp.pad(lt, ((0, 0), (0, _CP - C), (0, _NP - N)),
                 constant_values=-1e9)
    lflat = lt.reshape(B, _CP * _NP)
    bt = jnp.transpose(pred_boxes, (0, 2, 1))
    bt = jnp.pad(bt, ((0, 0), (0, 0), (0, _NP - N)))
    bflat = bt.reshape(B, 4 * _NP)
    tsp = jnp.pad(target_sizes, ((0, 0), (0, 16 - target_sizes.shape[1])))
    osc, olb, obx, ovd = _sc_nms(lflat, bflat, tsp, B)
    return (
        osc[:, :_MAXDET],
        olb[:, :_MAXDET],
        obx.reshape(B, 128, 4)[:, :_MAXDET, :],
        ovd[:, :_MAXDET] != 0,
    )

# --- scband reference (transcript-rebuilt; emitter-appended) ---
"""Pipeline reference for scband-ovpost-process-66322884984855 (READ-ONLY COPY).

The authoritative reference and input builder live on the scoring server;
editing this copy changes nothing except your own understanding.
"""

import jax, jax.numpy as jnp
import numpy as np

MAX_DET = 100
NMS_THRES = 0.5
SCORE_THRESHOLD = 0.001


def box_cxcywh_to_xyxy(b):
    cx, cy, w, h = b[..., 0], b[..., 1], b[..., 2], b[..., 3]
    return jnp.stack([cx - 0.5 * w, cy - 0.5 * h, cx + 0.5 * w, cy + 0.5 * h], axis=-1)


def _iou_one_vs_all(box, boxes):
    # box: [B, 4], boxes: [B, M, 4] -> iou [B, M]
    x0 = jnp.maximum(box[:, None, 0], boxes[..., 0])
    y0 = jnp.maximum(box[:, None, 1], boxes[..., 1])
    x1 = jnp.minimum(box[:, None, 2], boxes[..., 2])
    y1 = jnp.minimum(box[:, None, 3], boxes[..., 3])
    inter = jnp.clip(x1 - x0, 0.0) * jnp.clip(y1 - y0, 0.0)
    area1 = (box[:, 2] - box[:, 0]) * (box[:, 3] - box[:, 1])
    area2 = (boxes[..., 2] - boxes[..., 0]) * (boxes[..., 3] - boxes[..., 1])
    union = area1[:, None] + area2 - inter
    return inter / jnp.maximum(union, 1e-9)


def _nms_indices(s, nms_boxes, valid):
    # Greedy batched NMS; iterating MAX_DET times yields exactly keep[:MAX_DET]
    # of full greedy NMS sorted by descending score.
    B, M = s.shape
    suppressed = ~valid
    keep_idx = jnp.zeros((B, MAX_DET), jnp.int32)
    keep_valid = jnp.zeros((B, MAX_DET), dtype=bool)

    def body(i, state):
        suppressed, keep_idx, keep_valid = state
        cur = jnp.where(suppressed, -jnp.inf, s)
        best = jnp.argmax(cur, axis=1)
        best_score = jnp.take_along_axis(cur, best[:, None], axis=1)[:, 0]
        ok = best_score > SCORE_THRESHOLD
        best_box = jnp.take_along_axis(nms_boxes, best[:, None, None], axis=1)[:, 0, :]
        iou = _iou_one_vs_all(best_box, nms_boxes)
        suppressed = suppressed | ((iou > NMS_THRES) & ok[:, None])
        suppressed = suppressed.at[jnp.arange(B), best].set(True)
        keep_idx = keep_idx.at[:, i].set(best.astype(jnp.int32))
        keep_valid = keep_valid.at[:, i].set(ok)
        return suppressed, keep_idx, keep_valid

    _, keep_idx, keep_valid = jax.lax.fori_loop(0, MAX_DET, body, (suppressed, keep_idx, keep_valid))
    return keep_idx, keep_valid


def setup_inputs(seed: int = 0):
    key = jax.random.key(seed)
    k1, k2, k3 = jax.random.split(key, 3)
    pred_logits = jax.random.normal(k1, (8, 1000, 91), dtype=jnp.float32)
    pred_boxes = jax.random.uniform(k2, (8, 1000, 4), dtype=jnp.float32)
    target_sizes = jax.random.randint(k3, (8, 2), 1, 1333, dtype=jnp.int32)
    return {"pred_logits": pred_logits, "pred_boxes": pred_boxes, "target_sizes": target_sizes}


def reference(pred_logits, pred_boxes, target_sizes):
    B, N, C = pred_logits.shape
    probs = jax.nn.sigmoid(pred_logits)
    xyxy = box_cxcywh_to_xyxy(pred_boxes)
    # Candidate expansion: candidate j = n*C + c (matches reshape order)
    scores = probs.reshape(B, N * C)
    labels = jnp.broadcast_to(jnp.tile(jnp.arange(C), N), (B, N * C))
    cand_boxes = jnp.repeat(xyxy, C, axis=1)
    valid = scores > SCORE_THRESHOLD
    s = jnp.where(valid, scores, -1.0)
    # batched_nms: offset boxes by class so NMS is per-class
    max_coord = jnp.max(jnp.where(valid[..., None], cand_boxes, 0.0), axis=(1, 2))
    offs = labels.astype(cand_boxes.dtype) * (max_coord[:, None] + 1.0)
    nms_boxes = cand_boxes + offs[..., None]
    keep_idx, keep_valid = _nms_indices(jax.lax.stop_gradient(s), jax.lax.stop_gradient(nms_boxes), valid)
    out_scores = jnp.take_along_axis(scores, keep_idx, axis=1) * keep_valid
    out_labels = jnp.take_along_axis(labels, keep_idx, axis=1) * keep_valid
    out_boxes = jnp.take_along_axis(cand_boxes, jnp.broadcast_to(keep_idx[..., None], (B, MAX_DET, 4)), axis=1)
    ts = target_sizes.astype(jnp.float32)
    img_h, img_w = ts[:, 0], ts[:, 1]
    scale = jnp.stack([img_w, img_h, img_w, img_h], axis=1)
    out_boxes = out_boxes * scale[:, None, :] * keep_valid[..., None]
    return out_scores, out_labels, out_boxes, keep_valid

if __name__ == "__main__":
    import jax
    _d = setup_inputs()
    print(jax.jit(kernel)(*tuple(_d.values())))

</pallas_src>

<mosaic_0001>
#map = affine_map<(d0, d1) -> (0, 0)>
module attributes {stable_mosaic.version = 14 : i64} {
  func.func @k(%arg0: i32, %arg1: i32, %arg2: memref<8x98304xf32, #tpu.memory_space<hbm>>, %arg3: memref<8x4096xf32, #tpu.memory_space<hbm>>, %arg4: memref<8x16xi32, #tpu.memory_space<hbm>>, %arg5: memref<8x128xf32, #tpu.memory_space<hbm>>, %arg6: memref<8x128xi32, #tpu.memory_space<hbm>>, %arg7: memref<8x512xf32, #tpu.memory_space<hbm>>, %arg8: memref<8x128xi32, #tpu.memory_space<hbm>>, %arg9: memref<98304xf32, #tpu.memory_space<vmem>>, %arg10: memref<4112xf32, #tpu.memory_space<vmem>>, %arg11: memref<4096xf32, #tpu.memory_space<vmem>>, %arg12: memref<96xf32, #tpu.memory_space<vmem>>, %arg13: memref<96xi32, #tpu.memory_space<vmem>>, %arg14: memref<128xf32, #tpu.memory_space<vmem>>, %arg15: memref<128xi32, #tpu.memory_space<vmem>>, %arg16: memref<512xf32, #tpu.memory_space<vmem>>, %arg17: memref<128xi32, #tpu.memory_space<vmem>>, %arg18: memref<16xi32, #tpu.memory_space<vmem>>, %arg19: memref<32xf32, #tpu.memory_space<vmem>>, %arg20: memref<32xi32, #tpu.memory_space<vmem>>, %arg21: memref<32xf32, #tpu.memory_space<vmem>>, %arg22: memref<32xi32, #tpu.memory_space<vmem>>, %arg23: memref<128xf32, #tpu.memory_space<vmem>>, %arg24: memref<128xi32, #tpu.memory_space<vmem>>, %arg25: memref<4x73728xf32, #tpu.memory_space<vmem_shared>>, %arg26: memref<4x128xf32, #tpu.memory_space<vmem_shared>>, %arg27: memref<4x128xi32, #tpu.memory_space<vmem_shared>>) attributes {dimension_semantics = [#tpu.dimension_semantics<core_parallel>, #tpu.dimension_semantics<subcore_parallel>], iteration_bounds = array<i64: 2, 16>, scalar_prefetch = 0 : i64, scratch_operands = 19 : i64, tpu.core_type = #tpu.core_type<sc_vector_subcore>, window_params = [{transform_indices = #map}, {transform_indices = #map}, {transform_indices = #map}, {transform_indices = #map}, {transform_indices = #map}, {transform_indices = #map}, {transform_indices = #map}]} {
    %jit3A = arith.constant 4 : i32
    %div3A = arith.divsi %arg1, %jit3A : i32
    %sign3A = arith.constant 0 : i32
    %sign3A_0 = arith.cmpi sgt, %arg1, %sign3A : i32
    %sign3A_1 = arith.extui %sign3A_0 : i1 to i32
    %sign3A_2 = arith.constant 0 : i32
    %sign3A_3 = arith.cmpi slt, %arg1, %sign3A_2 : i32
    %sign3A_4 = arith.extui %sign3A_3 : i1 to i32
    %sign3A_5 = arith.subi %sign3A_1, %sign3A_4 : i32
    %sign3A_6 = arith.constant 0 : i32
    %sign3A_7 = arith.cmpi sgt, %jit3A, %sign3A_6 : i32
    %sign3A_8 = arith.extui %sign3A_7 : i1 to i32
    %sign3A_9 = arith.constant 0 : i32
    %sign3A_10 = arith.cmpi slt, %jit3A, %sign3A_9 : i32
    %sign3A_11 = arith.extui %sign3A_10 : i1 to i32
    %sign3A_12 = arith.subi %sign3A_8, %sign3A_11 : i32
    %ne3A = arith.cmpi ne, %sign3A_5, %sign3A_12 : i32
    %rem3A = arith.remsi %arg1, %jit3A : i32
    %ne3A_13 = arith.constant 0 : i32
    %ne3A_14 = arith.cmpi ne, %rem3A, %ne3A_13 : i32
    %and3A = arith.andi %ne3A, %ne3A_14 : i1
    %sub3A = arith.constant 1 : i32
    %sub3A_15 = arith.subi %div3A, %sub3A : i32
    %select_n3A = arith.select %and3A, %sub3A_15, %div3A : i32
    %mul3A = arith.constant 4 : i32
    %mul3A_16 = arith.muli %select_n3A, %mul3A : i32
    %sub3A_17 = arith.subi %arg1, %mul3A_16 : i32
    %mul3A_18 = arith.constant 4 : i32
    %mul3A_19 = arith.muli %arg0, %mul3A_18 : i32
    %add3A = arith.addi %mul3A_19, %select_n3A : i32
    %mul3A_20 = arith.constant 24 : i32
    %mul3A_21 = arith.muli %sub3A_17, %mul3A_20 : i32
    %mul3A_22 = arith.constant 1024 : i32
    %mul3A_23 = arith.muli %mul3A_21, %mul3A_22 : i32
    %iota3A = tpu.iota {dimensions = array<i32: 0>} : vector<16xi32>
    %broadcast_in_dim3A = arith.constant -1.000000e+30 : f32
    %broadcast_in_dim3A_24 = vector.broadcast %broadcast_in_dim3A : f32 to vector<16xf32>
    %broadcast_in_dim3A_25 = arith.constant 0 : i32
    %broadcast_in_dim3A_26 = vector.broadcast %broadcast_in_dim3A_25 : i32 to vector<16xi32>
    %broadcast_in_dim3A_27 = arith.constant 1073741824 : i32
    %broadcast_in_dim3A_28 = vector.broadcast %broadcast_in_dim3A_27 : i32 to vector<16xi32>
    %swap3A = arith.constant 16 : index
    %swap3A_29 = tpu.vector_load %arg19[%swap3A] {strides = array<i32>} : memref<32xf32, #tpu.memory_space<vmem>>, vector<16xf32>,
    %swap3A_30 = vector.shape_cast %swap3A_29 : vector<16xf32> to vector<16xf32>
    %swap3A_31 = vector.shape_cast %broadcast_in_dim3A_24 : vector<16xf32> to vector<16xf32>
    tpu.vector_store %arg19[%swap3A], %swap3A_31 {strides = array<i32>} : memref<32xf32, #tpu.memory_space<vmem>>, vector<16xf32>,
    %swap3A_32 = arith.constant 16 : index
    %swap3A_33 = tpu.vector_load %arg20[%swap3A_32] {strides = array<i32>} : memref<32xi32, #tpu.memory_space<vmem>>, vector<16xi32>,
    %swap3A_34 = vector.shape_cast %swap3A_33 : vector<16xi32> to vector<16xi32>
    %swap3A_35 = vector.shape_cast %broadcast_in_dim3A_28 : vector<16xi32> to vector<16xi32>
    tpu.vector_store %arg20[%swap3A_32], %swap3A_35 {strides = array<i32>} : memref<32xi32, #tpu.memory_space<vmem>>, vector<16xi32>,
    "tpu.region"() ({
      %run_scoped3A = tpu.sem_alloc : memref<!tpu.dma_semaphore, #tpu.memory_space<semaphore_mem>>
      %dma_start3A = arith.constant 0 : i32
      %dma_start3A_52 = tpu.memref_slice %arg9[%dma_start3A] : memref<98304xf32, #tpu.memory_space<vmem>> -> memref<24576xf32, #tpu.memory_space<vmem>>
      %dma_start3A_53 = tpu.memref_slice %arg2[%add3A, %mul3A_23] : memref<8x98304xf32, #tpu.memory_space<hbm>> -> memref<1x24576xf32, #tpu.memory_space<hbm>>
      %dma_start3A_54 = tpu.memref_squeeze %dma_start3A_53 : memref<1x24576xf32, #tpu.memory_space<hbm>> -> memref<24576xf32, #tpu.memory_space<hbm>>
      %dma_start3A_55 = arith.constant 0 : i32
      %dma_start3A_56 = tpu.memref_slice %arg9[%dma_start3A_55] : memref<98304xf32, #tpu.memory_space<vmem>> -> memref<24576xf32, #tpu.memory_space<vmem>>
      %dma_start3A_57 = tpu.memref_slice %arg2[%add3A, %mul3A_23] : memref<8x98304xf32, #tpu.memory_space<hbm>> -> memref<1x24576xf32, #tpu.memory_space<hbm>>
      %dma_start3A_58 = tpu.memref_squeeze %dma_start3A_57 : memref<1x24576xf32, #tpu.memory_space<hbm>> -> memref<24576xf32, #tpu.memory_space<hbm>>
      tpu.enqueue_dma source(%dma_start3A_58 : memref<24576xf32, #tpu.memory_space<hbm>>) target(%dma_start3A_56 : memref<24576xf32, #tpu.memory_space<vmem>>) target_semaphore(%run_scoped3A : memref<!tpu.dma_semaphore, #tpu.memory_space<semaphore_mem>>)
      %dma_wait3A = arith.constant 0 : i32
      %dma_wait3A_59 = tpu.memref_slice %arg9[%dma_wait3A] : memref<98304xf32, #tpu.memory_space<vmem>> -> memref<24576xf32, #tpu.memory_space<vmem>>
      %dma_wait3A_60 = tpu.memref_slice %arg2[%add3A, %mul3A_23] : memref<8x98304xf32, #tpu.memory_space<hbm>> -> memref<1x24576xf32, #tpu.memory_space<hbm>>
      %dma_wait3A_61 = tpu.memref_squeeze %dma_wait3A_60 : memref<1x24576xf32, #tpu.memory_space<hbm>> -> memref<24576xf32, #tpu.memory_space<hbm>>
      %dma_wait3A_62 = arith.constant 0 : i32
      %dma_wait3A_63 = tpu.memref_slice %arg9[%dma_wait3A_62] : memref<98304xf32, #tpu.memory_space<vmem>> -> memref<24576xf32, #tpu.memory_space<vmem>>
      %dma_wait3A_64 = tpu.memref_slice %arg2[%add3A, %mul3A_23] : memref<8x98304xf32, #tpu.memory_space<hbm>> -> memref<1x24576xf32, #tpu.memory_space<hbm>>
      %dma_wait3A_65 = tpu.memref_squeeze %dma_wait3A_64 : memref<1x24576xf32, #tpu.memory_space<hbm>> -> memref<24576xf32, #tpu.memory_space<hbm>>
      tpu.wait_dma2 semaphore(%run_scoped3A : memref<!tpu.dma_semaphore, #tpu.memory_space<semaphore_mem>>) src(%dma_wait3A_65 : memref<24576xf32, #tpu.memory_space<hbm>>) dst(%dma_wait3A_63 : memref<24576xf32, #tpu.memory_space<vmem>>)
      tpu.yield
    }) : () -> ()
    %scan3A = arith.constant 0 : i32
    %scan3A_36 = arith.constant 0 : i32
    %scan3A_37 = arith.constant 24 : i32
    %scan3A_38 = arith.addi %scan3A_36, %scan3A_37 : i32
    %scan3A_39 = arith.constant 1 : i32
    %scan3A_40 = scf.for %scan3A_52 = %scan3A_36 to %scan3A_38 step %scan3A_39 iter_args(%scan3A_53 = %scan3A) -> (i32)  : i32 {
      %mul3A_54 = arith.constant 1024 : i32
      %mul3A_55 = arith.muli %scan3A_52, %mul3A_54 : i32
      %parallel_loop3A = arith.constant 0 : i32
      %parallel_loop3A_56 = arith.constant 8 : i32
      %parallel_loop3A_57 = arith.constant 1 : i32
      %parallel_loop3A_58:2 = scf.for %parallel_loop3A_253 = %parallel_loop3A to %parallel_loop3A_56 step %parallel_loop3A_57 iter_args(%parallel_loop3A_254 = %broadcast_in_dim3A_24, %parallel_loop3A_255 = %broadcast_in_dim3A_26) -> (vector<16xf32>, vector<16xi32>)  : i32 {
        %parallel_loop3A_256 = arith.constant 8 : i32
        %parallel_loop3A_257 = arith.muli %parallel_loop3A_253, %parallel_loop3A_256 : i32
        %parallel_loop3A_258 = arith.constant 0 : i32
        %parallel_loop3A_259 = arith.addi %parallel_loop3A_257, %parallel_loop3A_258 : i32
        %parallel_loop3A_260 = arith.constant 16 : i32
        %parallel_loop3A_261 = arith.muli %parallel_loop3A_259, %parallel_loop3A_260 : i32
        %parallel_loop3A_262 = arith.addi %mul3A_55, %parallel_loop3A_261 : i32
        %parallel_loop3A_263 = arith.index_cast %parallel_loop3A_262 : i32 to index
        %parallel_loop3A_264 = tpu.vector_load %arg9[%parallel_loop3A_263] {strides = array<i32>} : memref<98304xf32, #tpu.memory_space<vmem>>, vector<16xf32>,
        %parallel_loop3A_265 = vector.shape_cast %parallel_loop3A_264 : vector<16xf32> to vector<16xf32>
        %parallel_loop3A_266 = arith.constant 0.000000e+00 : f32
        %parallel_loop3A_267 = vector.broadcast %parallel_loop3A_266 : f32 to vector<16xf32>
        %parallel_loop3A_268 = arith.subf %parallel_loop3A_267, %parallel_loop3A_265 : vector<16xf32>
        %parallel_loop3A_269 = math.exp %parallel_loop3A_268 : vector<16xf32>
        %parallel_loop3A_270 = arith.constant 1.000000e+00 : f32
        %parallel_loop3A_271 = vector.broadcast %parallel_loop3A_270 : f32 to vector<16xf32>
        %parallel_loop3A_272 = arith.addf %parallel_loop3A_271, %parallel_loop3A_269 : vector<16xf32>
        %parallel_loop3A_273 = arith.constant 1.000000e+00 : f32
        %parallel_loop3A_274 = vector.broadcast %parallel_loop3A_273 : f32 to vector<16xf32>
        %parallel_loop3A_275 = arith.divf %parallel_loop3A_274, %parallel_loop3A_272 : vector<16xf32>
        %parallel_loop3A_276 = arith.constant 16 : i32
        %parallel_loop3A_277 = arith.muli %parallel_loop3A_259, %parallel_loop3A_276 : i32
        %parallel_loop3A_278 = vector.broadcast %parallel_loop3A_277 : i32 to vector<16xi32>
        %parallel_loop3A_279 = arith.addi %iota3A, %parallel_loop3A_278 : vector<16xi32>
        %parallel_loop3A_280 = arith.constant 8 : i32
        %parallel_loop3A_281 = arith.muli %parallel_loop3A_253, %parallel_loop3A_280 : i32
        %parallel_loop3A_282 = arith.constant 1 : i32
        %parallel_loop3A_283 = arith.addi %parallel_loop3A_281, %parallel_loop3A_282 : i32
        %parallel_loop3A_284 = arith.constant 16 : i32
        %parallel_loop3A_285 = arith.muli %parallel_loop3A_283, %parallel_loop3A_284 : i32
        %parallel_loop3A_286 = arith.addi %mul3A_55, %parallel_loop3A_285 : i32
        %parallel_loop3A_287 = arith.index_cast %parallel_loop3A_286 : i32 to index
        %parallel_loop3A_288 = tpu.vector_load %arg9[%parallel_loop3A_287] {strides = array<i32>} : memref<98304xf32, #tpu.memory_space<vmem>>, vector<16xf32>,
        %parallel_loop3A_289 = vector.shape_cast %parallel_loop3A_288 : vector<16xf32> to vector<16xf32>
        %parallel_loop3A_290 = arith.constant 0.000000e+00 : f32
        %parallel_loop3A_291 = vector.broadcast %parallel_loop3A_290 : f32 to vector<16xf32>
        %parallel_loop3A_292 = arith.subf %parallel_loop3A_291, %parallel_loop3A_289 : vector<16xf32>
        %parallel_loop3A_293 = math.exp %parallel_loop3A_292 : vector<16xf32>
        %parallel_loop3A_294 = arith.constant 1.000000e+00 : f32
        %parallel_loop3A_295 = vector.broadcast %parallel_loop3A_294 : f32 to vector<16xf32>
        %parallel_loop3A_296 = arith.addf %parallel_loop3A_295, %parallel_loop3A_293 : vector<16xf32>
        %parallel_loop3A_297 = arith.constant 1.000000e+00 : f32
        %parallel_loop3A_298 = vector.broadcast %parallel_loop3A_297 : f32 to vector<16xf32>
        %parallel_loop3A_299 = arith.divf %parallel_loop3A_298, %parallel_loop3A_296 : vector<16xf32>
        %parallel_loop3A_300 = arith.constant 16 : i32
        %parallel_loop3A_301 = arith.muli %parallel_loop3A_283, %parallel_loop3A_300 : i32
        %parallel_loop3A_302 = vector.broadcast %parallel_loop3A_301 : i32 to vector<16xi32>
        %parallel_loop3A_303 = arith.addi %iota3A, %parallel_loop3A_302 : vector<16xi32>
        %parallel_loop3A_304 = arith.constant 8 : i32
        %parallel_loop3A_305 = arith.muli %parallel_loop3A_253, %parallel_loop3A_304 : i32
        %parallel_loop3A_306 = arith.constant 2 : i32
        %parallel_loop3A_307 = arith.addi %parallel_loop3A_305, %parallel_loop3A_306 : i32
        %parallel_loop3A_308 = arith.constant 16 : i32
        %parallel_loop3A_309 = arith.muli %parallel_loop3A_307, %parallel_loop3A_308 : i32
        %parallel_loop3A_310 = arith.addi %mul3A_55, %parallel_loop3A_309 : i32
        %parallel_loop3A_311 = arith.index_cast %parallel_loop3A_310 : i32 to index
        %parallel_loop3A_312 = tpu.vector_load %arg9[%parallel_loop3A_311] {strides = array<i32>} : memref<98304xf32, #tpu.memory_space<vmem>>, vector<16xf32>,
        %parallel_loop3A_313 = vector.shape_cast %parallel_loop3A_312 : vector<16xf32> to vector<16xf32>
        %parallel_loop3A_314 = arith.constant 0.000000e+00 : f32
        %parallel_loop3A_315 = vector.broadcast %parallel_loop3A_314 : f32 to vector<16xf32>
        %parallel_loop3A_316 = arith.subf %parallel_loop3A_315, %parallel_loop3A_313 : vector<16xf32>
        %parallel_loop3A_317 = math.exp %parallel_loop3A_316 : vector<16xf32>
        %parallel_loop3A_318 = arith.constant 1.000000e+00 : f32
        %parallel_loop3A_319 = vector.broadcast %parallel_loop3A_318 : f32 to vector<16xf32>
        %parallel_loop3A_320 = arith.addf %parallel_loop3A_319, %parallel_loop3A_317 : vector<16xf32>
        %parallel_loop3A_321 = arith.constant 1.000000e+00 : f32
        %parallel_loop3A_322 = vector.broadcast %parallel_loop3A_321 : f32 to vector<16xf32>
        %parallel_loop3A_323 = arith.divf %parallel_loop3A_322, %parallel_loop3A_320 : vector<16xf32>
        %parallel_loop3A_324 = arith.constant 16 : i32
        %parallel_loop3A_325 = arith.muli %parallel_loop3A_307, %parallel_loop3A_324 : i32
        %parallel_loop3A_326 = vector.broadcast %parallel_loop3A_325 : i32 to vector<16xi32>
        %parallel_loop3A_327 = arith.addi %iota3A, %parallel_loop3A_326 : vector<16xi32>
        %parallel_loop3A_328 = arith.constant 8 : i32
        %parallel_loop3A_329 = arith.muli %parallel_loop3A_253, %parallel_loop3A_328 : i32
        %parallel_loop3A_330 = arith.constant 3 : i32
        %parallel_loop3A_331 = arith.addi %parallel_loop3A_329, %parallel_loop3A_330 : i32
        %parallel_loop3A_332 = arith.constant 16 : i32
        %parallel_loop3A_333 = arith.muli %parallel_loop3A_331, %parallel_loop3A_332 : i32
        %parallel_loop3A_334 = arith.addi %mul3A_55, %parallel_loop3A_333 : i32
        %parallel_loop3A_335 = arith.index_cast %parallel_loop3A_334 : i32 to index
        %parallel_loop3A_336 = tpu.vector_load %arg9[%parallel_loop3A_335] {strides = array<i32>} : memref<98304xf32, #tpu.memory_space<vmem>>, vector<16xf32>,
        %parallel_loop3A_337 = vector.shape_cast %parallel_loop3A_336 : vector<16xf32> to vector<16xf32>
        %parallel_loop3A_338 = arith.constant 0.000000e+00 : f32
        %parallel_loop3A_339 = vector.broadcast %parallel_loop3A_338 : f32 to vector<16xf32>
        %parallel_loop3A_340 = arith.subf %parallel_loop3A_339, %parallel_loop3A_337 : vector<16xf32>
        %parallel_loop3A_341 = math.exp %parallel_loop3A_340 : vector<16xf32>
        %parallel_loop3A_342 = arith.constant 1.000000e+00 : f32
        %parallel_loop3A_343 = vector.broadcast %parallel_loop3A_342 : f32 to vector<16xf32>
        %parallel_loop3A_344 = arith.addf %parallel_loop3A_343, %parallel_loop3A_341 : vector<16xf32>
        %parallel_loop3A_345 = arith.constant 1.000000e+00 : f32
        %parallel_loop3A_346 = vector.broadcast %parallel_loop3A_345 : f32 to vector<16xf32>
        %parallel_loop3A_347 = arith.divf %parallel_loop3A_346, %parallel_loop3A_344 : vector<16xf32>
        %parallel_loop3A_348 = arith.constant 16 : i32
        %parallel_loop3A_349 = arith.muli %parallel_loop3A_331, %parallel_loop3A_348 : i32
        %parallel_loop3A_350 = vector.broadcast %parallel_loop3A_349 : i32 to vector<16xi32>
        %parallel_loop3A_351 = arith.addi %iota3A, %parallel_loop3A_350 : vector<16xi32>
        %parallel_loop3A_352 = arith.constant 8 : i32
        %parallel_loop3A_353 = arith.muli %parallel_loop3A_253, %parallel_loop3A_352 : i32
        %parallel_loop3A_354 = arith.constant 4 : i32
        %parallel_loop3A_355 = arith.addi %parallel_loop3A_353, %parallel_loop3A_354 : i32
        %parallel_loop3A_356 = arith.constant 16 : i32
        %parallel_loop3A_357 = arith.muli %parallel_loop3A_355, %parallel_loop3A_356 : i32
        %parallel_loop3A_358 = arith.addi %mul3A_55, %parallel_loop3A_357 : i32
        %parallel_loop3A_359 = arith.index_cast %parallel_loop3A_358 : i32 to index
        %parallel_loop3A_360 = tpu.vector_load %arg9[%parallel_loop3A_359] {strides = array<i32>} : memref<98304xf32, #tpu.memory_space<vmem>>, vector<16xf32>,
        %parallel_loop3A_361 = vector.shape_cast %parallel_loop3A_360 : vector<16xf32> to vector<16xf32>
        %parallel_loop3A_362 = arith.constant 0.000000e+00 : f32
        %parallel_loop3A_363 = vector.broadcast %parallel_loop3A_362 : f32 to vector<16xf32>
        %parallel_loop3A_364 = arith.subf %parallel_loop3A_363, %parallel_loop3A_361 : vector<16xf32>
        %parallel_loop3A_365 = math.exp %parallel_loop3A_364 : vector<16xf32>
        %parallel_loop3A_366 = arith.constant 1.000000e+00 : f32
        %parallel_loop3A_367 = vector.broadcast %parallel_loop3A_366 : f32 to vector<16xf32>
        %parallel_loop3A_368 = arith.addf %parallel_loop3A_367, %parallel_loop3A_365 : vector<16xf32>
        %parallel_loop3A_369 = arith.constant 1.000000e+00 : f32
        %parallel_loop3A_370 = vector.broadcast %parallel_loop3A_369 : f32 to vector<16xf32>
        %parallel_loop3A_371 = arith.divf %parallel_loop3A_370, %parallel_loop3A_368 : vector<16xf32>
        %parallel_loop3A_372 = arith.constant 16 : i32
        %parallel_loop3A_373 = arith.muli %parallel_loop3A_355, %parallel_loop3A_372 : i32
        %parallel_loop3A_374 = vector.broadcast %parallel_loop3A_373 : i32 to vector<16xi32>
        %parallel_loop3A_375 = arith.addi %iota3A, %parallel_loop3A_374 : vector<16xi32>
        %parallel_loop3A_376 = arith.constant 8 : i32
        %parallel_loop3A_377 = arith.muli %parallel_loop3A_253, %parallel_loop3A_376 : i32
        %parallel_loop3A_378 = arith.constant 5 : i32
        %parallel_loop3A_379 = arith.addi %parallel_loop3A_377, %parallel_loop3A_378 : i32
        %parallel_loop3A_380 = arith.constant 16 : i32
        %parallel_loop3A_381 = arith.muli %parallel_loop3A_379, %parallel_loop3A_380 : i32
        %parallel_loop3A_382 = arith.addi %mul3A_55, %parallel_loop3A_381 : i32
        %parallel_loop3A_383 = arith.index_cast %parallel_loop3A_382 : i32 to index
        %parallel_loop3A_384 = tpu.vector_load %arg9[%parallel_loop3A_383] {strides = array<i32>} : memref<98304xf32, #tpu.memory_space<vmem>>, vector<16xf32>,
        %parallel_loop3A_385 = vector.shape_cast %parallel_loop3A_384 : vector<16xf32> to vector<16xf32>
        %parallel_loop3A_386 = arith.constant 0.000000e+00 : f32
        %parallel_loop3A_387 = vector.broadcast %parallel_loop3A_386 : f32 to vector<16xf32>
        %parallel_loop3A_388 = arith.subf %parallel_loop3A_387, %parallel_loop3A_385 : vector<16xf32>
        %parallel_loop3A_389 = math.exp %parallel_loop3A_388 : vector<16xf32>
        %parallel_loop3A_390 = arith.constant 1.000000e+00 : f32
        %parallel_loop3A_391 = vector.broadcast %parallel_loop3A_390 : f32 to vector<16xf32>
        %parallel_loop3A_392 = arith.addf %parallel_loop3A_391, %parallel_loop3A_389 : vector<16xf32>
        %parallel_loop3A_393 = arith.constant 1.000000e+00 : f32
        %parallel_loop3A_394 = vector.broadcast %parallel_loop3A_393 : f32 to vector<16xf32>
        %parallel_loop3A_395 = arith.divf %parallel_loop3A_394, %parallel_loop3A_392 : vector<16xf32>
        %parallel_loop3A_396 = arith.constant 16 : i32
        %parallel_loop3A_397 = arith.muli %parallel_loop3A_379, %parallel_loop3A_396 : i32
        %parallel_loop3A_398 = vector.broadcast %parallel_loop3A_397 : i32 to vector<16xi32>
        %parallel_loop3A_399 = arith.addi %iota3A, %parallel_loop3A_398 : vector<16xi32>
        %parallel_loop3A_400 = arith.constant 8 : i32
        %parallel_loop3A_401 = arith.muli %parallel_loop3A_253, %parallel_loop3A_400 : i32
        %parallel_loop3A_402 = arith.constant 6 : i32
        %parallel_loop3A_403 = arith.addi %parallel_loop3A_401, %parallel_loop3A_402 : i32
        %parallel_loop3A_404 = arith.constant 16 : i32
        %parallel_loop3A_405 = arith.muli %parallel_loop3A_403, %parallel_loop3A_404 : i32
        %parallel_loop3A_406 = arith.addi %mul3A_55, %parallel_loop3A_405 : i32
        %parallel_loop3A_407 = arith.index_cast %parallel_loop3A_406 : i32 to index
        %parallel_loop3A_408 = tpu.vector_load %arg9[%parallel_loop3A_407] {strides = array<i32>} : memref<98304xf32, #tpu.memory_space<vmem>>, vector<16xf32>,
        %parallel_loop3A_409 = vector.shape_cast %parallel_loop3A_408 : vector<16xf32> to vector<16xf32>
        %parallel_loop3A_410 = arith.constant 0.000000e+00 : f32
        %parallel_loop3A_411 = vector.broadcast %parallel_loop3A_410 : f32 to vector<16xf32>
        %parallel_loop3A_412 = arith.subf %parallel_loop3A_411, %parallel_loop3A_409 : vector<16xf32>
        %parallel_loop3A_413 = math.exp %parallel_loop3A_412 : vector<16xf32>
        %parallel_loop3A_414 = arith.constant 1.000000e+00 : f32
        %parallel_loop3A_415 = vector.broadcast %parallel_loop3A_414 : f32 to vector<16xf32>
        %parallel_loop3A_416 = arith.addf %parallel_loop3A_415, %parallel_loop3A_413 : vector<16xf32>
        %parallel_loop3A_417 = arith.constant 1.000000e+00 : f32
        %parallel_loop3A_418 = vector.broadcast %parallel_loop3A_417 : f32 to vector<16xf32>
        %parallel_loop3A_419 = arith.divf %parallel_loop3A_418, %parallel_loop3A_416 : vector<16xf32>
        %parallel_loop3A_420 = arith.constant 16 : i32
        %parallel_loop3A_421 = arith.muli %parallel_loop3A_403, %parallel_loop3A_420 : i32
        %parallel_loop3A_422 = vector.broadcast %parallel_loop3A_421 : i32 to vector<16xi32>
        %parallel_loop3A_423 = arith.addi %iota3A, %parallel_loop3A_422 : vector<16xi32>
        %parallel_loop3A_424 = arith.constant 8 : i32
        %parallel_loop3A_425 = arith.muli %parallel_loop3A_253, %parallel_loop3A_424 : i32
        %parallel_loop3A_426 = arith.constant 7 : i32
        %parallel_loop3A_427 = arith.addi %parallel_loop3A_425, %parallel_loop3A_426 : i32
        %parallel_loop3A_428 = arith.constant 16 : i32
        %parallel_loop3A_429 = arith.muli %parallel_loop3A_427, %parallel_loop3A_428 : i32
        %parallel_loop3A_430 = arith.addi %mul3A_55, %parallel_loop3A_429 : i32
        %parallel_loop3A_431 = arith.index_cast %parallel_loop3A_430 : i32 to index
        %parallel_loop3A_432 = tpu.vector_load %arg9[%parallel_loop3A_431] {strides = array<i32>} : memref<98304xf32, #tpu.memory_space<vmem>>, vector<16xf32>,
        %parallel_loop3A_433 = vector.shape_cast %parallel_loop3A_432 : vector<16xf32> to vector<16xf32>
        %parallel_loop3A_434 = arith.constant 0.000000e+00 : f32
        %parallel_loop3A_435 = vector.broadcast %parallel_loop3A_434 : f32 to vector<16xf32>
        %parallel_loop3A_436 = arith.subf %parallel_loop3A_435, %parallel_loop3A_433 : vector<16xf32>
        %parallel_loop3A_437 = math.exp %parallel_loop3A_436 : vector<16xf32>
        %parallel_loop3A_438 = arith.constant 1.000000e+00 : f32
        %parallel_loop3A_439 = vector.broadcast %parallel_loop3A_438 : f32 to vector<16xf32>
        %parallel_loop3A_440 = arith.addf %parallel_loop3A_439, %parallel_loop3A_437 : vector<16xf32>
        %parallel_loop3A_441 = arith.constant 1.000000e+00 : f32
        %parallel_loop3A_442 = vector.broadcast %parallel_loop3A_441 : f32 to vector<16xf32>
        %parallel_loop3A_443 = arith.divf %parallel_loop3A_442, %parallel_loop3A_440 : vector<16xf32>
        %parallel_loop3A_444 = arith.constant 16 : i32
        %parallel_loop3A_445 = arith.muli %parallel_loop3A_427, %parallel_loop3A_444 : i32
        %parallel_loop3A_446 = vector.broadcast %parallel_loop3A_445 : i32 to vector<16xi32>
        %parallel_loop3A_447 = arith.addi %iota3A, %parallel_loop3A_446 : vector<16xi32>
        %parallel_loop3A_448 = arith.constant 16 : i32
        %parallel_loop3A_449 = arith.muli %parallel_loop3A_259, %parallel_loop3A_448 : i32
        %parallel_loop3A_450 = arith.addi %mul3A_55, %parallel_loop3A_449 : i32
        %parallel_loop3A_451 = arith.index_cast %parallel_loop3A_450 : i32 to index
        %parallel_loop3A_452 = tpu.vector_load %arg9[%parallel_loop3A_451] {strides = array<i32>} : memref<98304xf32, #tpu.memory_space<vmem>>, vector<16xf32>,
        %parallel_loop3A_453 = vector.shape_cast %parallel_loop3A_452 : vector<16xf32> to vector<16xf32>
        %parallel_loop3A_454 = vector.shape_cast %parallel_loop3A_275 : vector<16xf32> to vector<16xf32>
        tpu.vector_store %arg9[%parallel_loop3A_451], %parallel_loop3A_454 {strides = array<i32>} : memref<98304xf32, #tpu.memory_space<vmem>>, vector<16xf32>,
        %parallel_loop3A_455 = arith.constant 16 : i32
        %parallel_loop3A_456 = arith.muli %parallel_loop3A_283, %parallel_loop3A_455 : i32
        %parallel_loop3A_457 = arith.addi %mul3A_55, %parallel_loop3A_456 : i32
        %parallel_loop3A_458 = arith.index_cast %parallel_loop3A_457 : i32 to index
        %parallel_loop3A_459 = tpu.vector_load %arg9[%parallel_loop3A_458] {strides = array<i32>} : memref<98304xf32, #tpu.memory_space<vmem>>, vector<16xf32>,
        %parallel_loop3A_460 = vector.shape_cast %parallel_loop3A_459 : vector<16xf32> to vector<16xf32>
        %parallel_loop3A_461 = vector.shape_cast %parallel_loop3A_299 : vector<16xf32> to vector<16xf32>
        tpu.vector_store %arg9[%parallel_loop3A_458], %parallel_loop3A_461 {strides = array<i32>} : memref<98304xf32, #tpu.memory_space<vmem>>, vector<16xf32>,
        %parallel_loop3A_462 = arith.constant 16 : i32
        %parallel_loop3A_463 = arith.muli %parallel_loop3A_307, %parallel_loop3A_462 : i32
        %parallel_loop3A_464 = arith.addi %mul3A_55, %parallel_loop3A_463 : i32
        %parallel_loop3A_465 = arith.index_cast %parallel_loop3A_464 : i32 to index
        %parallel_loop3A_466 = tpu.vector_load %arg9[%parallel_loop3A_465] {strides = array<i32>} : memref<98304xf32, #tpu.memory_space<vmem>>, vector<16xf32>,
        %parallel_loop3A_467 = vector.shape_cast %parallel_loop3A_466 : vector<16xf32> to vector<16xf32>
        %parallel_loop3A_468 = vector.shape_cast %parallel_loop3A_323 : vector<16xf32> to vector<16xf32>
        tpu.vector_store %arg9[%parallel_loop3A_465], %parallel_loop3A_468 {strides = array<i32>} : memref<98304xf32, #tpu.memory_space<vmem>>, vector<16xf32>,
        %parallel_loop3A_469 = arith.constant 16 : i32
        %parallel_loop3A_470 = arith.muli %parallel_loop3A_331, %parallel_loop3A_469 : i32
        %parallel_loop3A_471 = arith.addi %mul3A_55, %parallel_loop3A_470 : i32
        %parallel_loop3A_472 = arith.index_cast %parallel_loop3A_471 : i32 to index
        %parallel_loop3A_473 = tpu.vector_load %arg9[%parallel_loop3A_472] {strides = array<i32>} : memref<98304xf32, #tpu.memory_space<vmem>>, vector<16xf32>,
        %parallel_loop3A_474 = vector.shape_cast %parallel_loop3A_473 : vector<16xf32> to vector<16xf32>
        %parallel_loop3A_475 = vector.shape_cast %parallel_loop3A_347 : vector<16xf32> to vector<16xf32>
        tpu.vector_store %arg9[%parallel_loop3A_472], %parallel_loop3A_475 {strides = array<i32>} : memref<98304xf32, #tpu.memory_space<vmem>>, vector<16xf32>,
        %parallel_loop3A_476 = arith.constant 16 : i32
        %parallel_loop3A_477 = arith.muli %parallel_loop3A_355, %parallel_loop3A_476 : i32
        %parallel_loop3A_478 = arith.addi %mul3A_55, %parallel_loop3A_477 : i32
        %parallel_loop3A_479 = arith.index_cast %parallel_loop3A_478 : i32 to index
        %parallel_loop3A_480 = tpu.vector_load %arg9[%parallel_loop3A_479] {strides = array<i32>} : memref<98304xf32, #tpu.memory_space<vmem>>, vector<16xf32>,
        %parallel_loop3A_481 = vector.shape_cast %parallel_loop3A_480 : vector<16xf32> to vector<16xf32>
        %parallel_loop3A_482 = vector.shape_cast %parallel_loop3A_371 : vector<16xf32> to vector<16xf32>
        tpu.vector_store %arg9[%parallel_loop3A_479], %parallel_loop3A_482 {strides = array<i32>} : memref<98304xf32, #tpu.memory_space<vmem>>, vector<16xf32>,
        %parallel_loop3A_483 = arith.constant 16 : i32
        %parallel_loop3A_484 = arith.muli %parallel_loop3A_379, %parallel_loop3A_483 : i32
        %parallel_loop3A_485 = arith.addi %mul3A_55, %parallel_loop3A_484 : i32
        %parallel_loop3A_486 = arith.index_cast %parallel_loop3A_485 : i32 to index
        %parallel_loop3A_487 = tpu.vector_load %arg9[%parallel_loop3A_486] {strides = array<i32>} : memref<98304xf32, #tpu.memory_space<vmem>>, vector<16xf32>,
        %parallel_loop3A_488 = vector.shape_cast %parallel_loop3A_487 : vector<16xf32> to vector<16xf32>
        %parallel_loop3A_489 = vector.shape_cast %parallel_loop3A_395 : vector<16xf32> to vector<16xf32>
        tpu.vector_store %arg9[%parallel_loop3A_486], %parallel_loop3A_489 {strides = array<i32>} : memref<98304xf32, #tpu.memory_space<vmem>>, vector<16xf32>,
        %parallel_loop3A_490 = arith.constant 16 : i32
        %parallel_loop3A_491 = arith.muli %parallel_loop3A_403, %parallel_loop3A_490 : i32
        %parallel_loop3A_492 = arith.addi %mul3A_55, %parallel_loop3A_491 : i32
        %parallel_loop3A_493 = arith.index_cast %parallel_loop3A_492 : i32 to index
        %parallel_loop3A_494 = tpu.vector_load %arg9[%parallel_loop3A_493] {strides = array<i32>} : memref<98304xf32, #tpu.memory_space<vmem>>, vector<16xf32>,
        %parallel_loop3A_495 = vector.shape_cast %parallel_loop3A_494 : vector<16xf32> to vector<16xf32>
        %parallel_loop3A_496 = vector.shape_cast %parallel_loop3A_419 : vector<16xf32> to vector<16xf32>
        tpu.vector_store %arg9[%parallel_loop3A_493], %parallel_loop3A_496 {strides = array<i32>} : memref<98304xf32, #tpu.memory_space<vmem>>, vector<16xf32>,
        %parallel_loop3A_497 = arith.constant 16 : i32
        %parallel_loop3A_498 = arith.muli %parallel_loop3A_427, %parallel_loop3A_497 : i32
        %parallel_loop3A_499 = arith.addi %mul3A_55, %parallel_loop3A_498 : i32
        %parallel_loop3A_500 = arith.index_cast %parallel_loop3A_499 : i32 to index
        %parallel_loop3A_501 = tpu.vector_load %arg9[%parallel_loop3A_500] {strides = array<i32>} : memref<98304xf32, #tpu.memory_space<vmem>>, vector<16xf32>,
        %parallel_loop3A_502 = vector.shape_cast %parallel_loop3A_501 : vector<16xf32> to vector<16xf32>
        %parallel_loop3A_503 = vector.shape_cast %parallel_loop3A_443 : vector<16xf32> to vector<16xf32>
        tpu.vector_store %arg9[%parallel_loop3A_500], %parallel_loop3A_503 {strides = array<i32>} : memref<98304xf32, #tpu.memory_space<vmem>>, vector<16xf32>,
        %parallel_loop3A_504 = arith.cmpf ogt, %parallel_loop3A_275, %parallel_loop3A_254 : vector<16xf32>
        %parallel_loop3A_505 = arith.select %parallel_loop3A_504, %parallel_loop3A_275, %parallel_loop3A_254 : vector<16xi1>, vector<16xf32>
        %parallel_loop3A_506 = arith.select %parallel_loop3A_504, %parallel_loop3A_279, %parallel_loop3A_255 : vector<16xi1>, vector<16xi32>
        %parallel_loop3A_507 = arith.cmpf ogt, %parallel_loop3A_299, %parallel_loop3A_505 : vector<16xf32>
        %parallel_loop3A_508 = arith.select %parallel_loop3A_507, %parallel_loop3A_299, %parallel_loop3A_505 : vector<16xi1>, vector<16xf32>
        %parallel_loop3A_509 = arith.select %parallel_loop3A_507, %parallel_loop3A_303, %parallel_loop3A_506 : vector<16xi1>, vector<16xi32>
        %parallel_loop3A_510 = arith.cmpf ogt, %parallel_loop3A_323, %parallel_loop3A_508 : vector<16xf32>
        %parallel_loop3A_511 = arith.select %parallel_loop3A_510, %parallel_loop3A_323, %parallel_loop3A_508 : vector<16xi1>, vector<16xf32>
        %parallel_loop3A_512 = arith.select %parallel_loop3A_510, %parallel_loop3A_327, %parallel_loop3A_509 : vector<16xi1>, vector<16xi32>
        %parallel_loop3A_513 = arith.cmpf ogt, %parallel_loop3A_347, %parallel_loop3A_511 : vector<16xf32>
        %parallel_loop3A_514 = arith.select %parallel_loop3A_513, %parallel_loop3A_347, %parallel_loop3A_511 : vector<16xi1>, vector<16xf32>
        %parallel_loop3A_515 = arith.select %parallel_loop3A_513, %parallel_loop3A_351, %parallel_loop3A_512 : vector<16xi1>, vector<16xi32>
        %parallel_loop3A_516 = arith.cmpf ogt, %parallel_loop3A_371, %parallel_loop3A_514 : vector<16xf32>
        %parallel_loop3A_517 = arith.select %parallel_loop3A_516, %parallel_loop3A_371, %parallel_loop3A_514 : vector<16xi1>, vector<16xf32>
        %parallel_loop3A_518 = arith.select %parallel_loop3A_516, %parallel_loop3A_375, %parallel_loop3A_515 : vector<16xi1>, vector<16xi32>
        %parallel_loop3A_519 = arith.cmpf ogt, %parallel_loop3A_395, %parallel_loop3A_517 : vector<16xf32>
        %parallel_loop3A_520 = arith.select %parallel_loop3A_519, %parallel_loop3A_395, %parallel_loop3A_517 : vector<16xi1>, vector<16xf32>
        %parallel_loop3A_521 = arith.select %parallel_loop3A_519, %parallel_loop3A_399, %parallel_loop3A_518 : vector<16xi1>, vector<16xi32>
        %parallel_loop3A_522 = arith.cmpf ogt, %parallel_loop3A_419, %parallel_loop3A_520 : vector<16xf32>
        %parallel_loop3A_523 = arith.select %parallel_loop3A_522, %parallel_loop3A_419, %parallel_loop3A_520 : vector<16xi1>, vector<16xf32>
        %parallel_loop3A_524 = arith.select %parallel_loop3A_522, %parallel_loop3A_423, %parallel_loop3A_521 : vector<16xi1>, vector<16xi32>
        %parallel_loop3A_525 = arith.cmpf ogt, %parallel_loop3A_443, %parallel_loop3A_523 : vector<16xf32>
        %parallel_loop3A_526 = arith.select %parallel_loop3A_525, %parallel_loop3A_443, %parallel_loop3A_523 : vector<16xi1>, vector<16xf32>
        %parallel_loop3A_527 = arith.select %parallel_loop3A_525, %parallel_loop3A_447, %parallel_loop3A_524 : vector<16xi1>, vector<16xi32>
        scf.yield %parallel_loop3A_526, %parallel_loop3A_527 : vector<16xf32>, vector<16xi32>
      } {sc.loop_unroll_factor = 1 : i64, sc.parallel_access}
      %swap3A_59 = arith.constant 0 : index
      %swap3A_60 = tpu.vector_load %arg19[%swap3A_59] {strides = array<i32>} : memref<32xf32, #tpu.memory_space<vmem>>, vector<16xf32>,
      %swap3A_61 = vector.shape_cast %swap3A_60 : vector<16xf32> to vector<16xf32>
      %swap3A_62 = vector.shape_cast %parallel_loop3A_58#0 : vector<16xf32> to vector<16xf32>
      tpu.vector_store %arg19[%swap3A_59], %swap3A_62 {strides = array<i32>} : memref<32xf32, #tpu.memory_space<vmem>>, vector<16xf32>,
      %swap3A_63 = arith.constant 0 : index
      %swap3A_64 = tpu.vector_load %arg20[%swap3A_63] {strides = array<i32>} : memref<32xi32, #tpu.memory_space<vmem>>, vector<16xi32>,
      %swap3A_65 = vector.shape_cast %swap3A_64 : vector<16xi32> to vector<16xi32>
      %swap3A_66 = vector.shape_cast %parallel_loop3A_58#1 : vector<16xi32> to vector<16xi32>
      tpu.vector_store %arg20[%swap3A_63], %swap3A_66 {strides = array<i32>} : memref<32xi32, #tpu.memory_space<vmem>>, vector<16xi32>,
      %get3A = arith.constant 0 : index
      %get3A_67 = tpu.vector_load %arg19[%get3A] {strides = array<i32>} : memref<32xf32, #tpu.memory_space<vmem>>, vector<16xf32>,
      %get3A_68 = vector.shape_cast %get3A_67 : vector<16xf32> to vector<16xf32>
      %get3A_69 = arith.constant 8 : index
      %get3A_70 = tpu.vector_load %arg19[%get3A_69] {strides = array<i32>} : memref<32xf32, #tpu.memory_space<vmem>>, vector<16xf32>,
      %get3A_71 = vector.shape_cast %get3A_70 : vector<16xf32> to vector<16xf32>
      %get3A_72 = arith.constant 0 : index
      %get3A_73 = tpu.vector_load %arg20[%get3A_72] {strides = array<i32>} : memref<32xi32, #tpu.memory_space<vmem>>, vector<16xi32>,
      %get3A_74 = vector.shape_cast %get3A_73 : vector<16xi32> to vector<16xi32>
      %get3A_75 = arith.constant 8 : index
      %get3A_76 = tpu.vector_load %arg20[%get3A_75] {strides = array<i32>} : memref<32xi32, #tpu.memory_space<vmem>>, vector<16xi32>,
      %get3A_77 = vector.shape_cast %get3A_76 : vector<16xi32> to vector<16xi32>
      %gt3A_78 = arith.cmpf ogt, %get3A_68, %get3A_71 : vector<16xf32>
      %eq3A_79 = arith.cmpf oeq, %get3A_68, %get3A_71 : vector<16xf32>
      %max3A = arith.maximumf %get3A_68, %get3A_71 : vector<16xf32>
      %swap3A_80 = arith.constant 0 : index
      %swap3A_81 = tpu.vector_load %arg19[%swap3A_80] {strides = array<i32>} : memref<32xf32, #tpu.memory_space<vmem>>, vector<16xf32>,
      %swap3A_82 = vector.shape_cast %swap3A_81 : vector<16xf32> to vector<16xf32>
      %swap3A_83 = vector.shape_cast %max3A : vector<16xf32> to vector<16xf32>
      tpu.vector_store %arg19[%swap3A_80], %swap3A_83 {strides = array<i32>} : memref<32xf32, #tpu.memory_space<vmem>>, vector<16xf32>,
      %min3A = arith.minsi %get3A_74, %get3A_77 : vector<16xi32>
      %select_n3A_84 = arith.select %eq3A_79, %min3A, %get3A_77 : vector<16xi1>, vector<16xi32>
      %select_n3A_85 = arith.select %gt3A_78, %get3A_74, %select_n3A_84 : vector<16xi1>, vector<16xi32>
      %swap3A_86 = arith.constant 0 : index
      %swap3A_87 = tpu.vector_load %arg20[%swap3A_86] {strides = array<i32>} : memref<32xi32, #tpu.memory_space<vmem>>, vector<16xi32>,
      %swap3A_88 = vector.shape_cast %swap3A_87 : vector<16xi32> to vector<16xi32>
      %swap3A_89 = vector.shape_cast %select_n3A_85 : vector<16xi32> to vector<16xi32>
      tpu.vector_store %arg20[%swap3A_86], %swap3A_89 {strides = array<i32>} : memref<32xi32, #tpu.memory_space<vmem>>, vector<16xi32>,
      %get3A_90 = arith.constant 0 : index
      %get3A_91 = tpu.vector_load %arg19[%get3A_90] {strides = array<i32>} : memref<32xf32, #tpu.memory_space<vmem>>, vector<16xf32>,
      %get3A_92 = vector.shape_cast %get3A_91 : vector<16xf32> to vector<16xf32>
      %get3A_93 = arith.constant 4 : index
      %get3A_94 = tpu.vector_load %arg19[%get3A_93] {strides = array<i32>} : memref<32xf32, #tpu.memory_space<vmem>>, vector<16xf32>,
      %get3A_95 = vector.shape_cast %get3A_94 : vector<16xf32> to vector<16xf32>
      %get3A_96 = arith.constant 0 : index
      %get3A_97 = tpu.vector_load %arg20[%get3A_96] {strides = array<i32>} : memref<32xi32, #tpu.memory_space<vmem>>, vector<16xi32>,
      %get3A_98 = vector.shape_cast %get3A_97 : vector<16xi32> to vector<16xi32>
      %get3A_99 = arith.constant 4 : index
      %get3A_100 = tpu.vector_load %arg20[%get3A_99] {strides = array<i32>} : memref<32xi32, #tpu.memory_space<vmem>>, vector<16xi32>,
      %get3A_101 = vector.shape_cast %get3A_100 : vector<16xi32> to vector<16xi32>
      %gt3A_102 = arith.cmpf ogt, %get3A_92, %get3A_95 : vector<16xf32>
      %eq3A_103 = arith.cmpf oeq, %get3A_92, %get3A_95 : vector<16xf32>
      %max3A_104 = arith.maximumf %get3A_92, %get3A_95 : vector<16xf32>
      %swap3A_105 = arith.constant 0 : index
      %swap3A_106 = tpu.vector_load %arg19[%swap3A_105] {strides = array<i32>} : memref<32xf32, #tpu.memory_space<vmem>>, vector<16xf32>,
      %swap3A_107 = vector.shape_cast %swap3A_106 : vector<16xf32> to vector<16xf32>
      %swap3A_108 = vector.shape_cast %max3A_104 : vector<16xf32> to vector<16xf32>
      tpu.vector_store %arg19[%swap3A_105], %swap3A_108 {strides = array<i32>} : memref<32xf32, #tpu.memory_space<vmem>>, vector<16xf32>,
      %min3A_109 = arith.minsi %get3A_98, %get3A_101 : vector<16xi32>
      %select_n3A_110 = arith.select %eq3A_103, %min3A_109, %get3A_101 : vector<16xi1>, vector<16xi32>
      %select_n3A_111 = arith.select %gt3A_102, %get3A_98, %select_n3A_110 : vector<16xi1>, vector<16xi32>
      %swap3A_112 = arith.constant 0 : index
      %swap3A_113 = tpu.vector_load %arg20[%swap3A_112] {strides = array<i32>} : memref<32xi32, #tpu.memory_space<vmem>>, vector<16xi32>,
      %swap3A_114 = vector.shape_cast %swap3A_113 : vector<16xi32> to vector<16xi32>
      %swap3A_115 = vector.shape_cast %select_n3A_111 : vector<16xi32> to vector<16xi32>
      tpu.vector_store %arg20[%swap3A_112], %swap3A_115 {strides = array<i32>} : memref<32xi32, #tpu.memory_space<vmem>>, vector<16xi32>,
      %get3A_116 = arith.constant 0 : index
      %get3A_117 = tpu.vector_load %arg19[%get3A_116] {strides = array<i32>} : memref<32xf32, #tpu.memory_space<vmem>>, vector<16xf32>,
      %get3A_118 = vector.shape_cast %get3A_117 : vector<16xf32> to vector<16xf32>
      %get3A_119 = arith.constant 2 : index
      %get3A_120 = tpu.vector_load %arg19[%get3A_119] {strides = array<i32>} : memref<32xf32, #tpu.memory_space<vmem>>, vector<16xf32>,
      %get3A_121 = vector.shape_cast %get3A_120 : vector<16xf32> to vector<16xf32>
      %get3A_122 = arith.constant 0 : index
      %get3A_123 = tpu.vector_load %arg20[%get3A_122] {strides = array<i32>} : memref<32xi32, #tpu.memory_space<vmem>>, vector<16xi32>,
      %get3A_124 = vector.shape_cast %get3A_123 : vector<16xi32> to vector<16xi32>
      %get3A_125 = arith.constant 2 : index
      %get3A_126 = tpu.vector_load %arg20[%get3A_125] {strides = array<i32>} : memref<32xi32, #tpu.memory_space<vmem>>, vector<16xi32>,
      %get3A_127 = vector.shape_cast %get3A_126 : vector<16xi32> to vector<16xi32>
      %gt3A_128 = arith.cmpf ogt, %get3A_118, %get3A_121 : vector<16xf32>
      %eq3A_129 = arith.cmpf oeq, %get3A_118, %get3A_121 : vector<16xf32>
      %max3A_130 = arith.maximumf %get3A_118, %get3A_121 : vector<16xf32>
      %swap3A_131 = arith.constant 0 : index
      %swap3A_132 = tpu.vector_load %arg19[%swap3A_131] {strides = array<i32>} : memref<32xf32, #tpu.memory_space<vmem>>, vector<16xf32>,
      %swap3A_133 = vector.shape_cast %swap3A_132 : vector<16xf32> to vector<16xf32>
      %swap3A_134 = vector.shape_cast %max3A_130 : vector<16xf32> to vector<16xf32>
      tpu.vector_store %arg19[%swap3A_131], %swap3A_134 {strides = array<i32>} : memref<32xf32, #tpu.memory_space<vmem>>, vector<16xf32>,
      %min3A_135 = arith.minsi %get3A_124, %get3A_127 : vector<16xi32>
      %select_n3A_136 = arith.select %eq3A_129, %min3A_135, %get3A_127 : vector<16xi1>, vector<16xi32>
      %select_n3A_137 = arith.select %gt3A_128, %get3A_124, %select_n3A_136 : vector<16xi1>, vector<16xi32>
      %swap3A_138 = arith.constant 0 : index
      %swap3A_139 = tpu.vector_load %arg20[%swap3A_138] {strides = array<i32>} : memref<32xi32, #tpu.memory_space<vmem>>, vector<16xi32>,
      %swap3A_140 = vector.shape_cast %swap3A_139 : vector<16xi32> to vector<16xi32>
      %swap3A_141 = vector.shape_cast %select_n3A_137 : vector<16xi32> to vector<16xi32>
      tpu.vector_store %arg20[%swap3A_138], %swap3A_141 {strides = array<i32>} : memref<32xi32, #tpu.memory_space<vmem>>, vector<16xi32>,
      %get3A_142 = arith.constant 0 : index
      %get3A_143 = tpu.vector_load %arg19[%get3A_142] {strides = array<i32>} : memref<32xf32, #tpu.memory_space<vmem>>, vector<16xf32>,
      %get3A_144 = vector.shape_cast %get3A_143 : vector<16xf32> to vector<16xf32>
      %get3A_145 = arith.constant 1 : index
      %get3A_146 = tpu.vector_load %arg19[%get3A_145] {strides = array<i32>} : memref<32xf32, #tpu.memory_space<vmem>>, vector<16xf32>,
      %get3A_147 = vector.shape_cast %get3A_146 : vector<16xf32> to vector<16xf32>
      %get3A_148 = arith.constant 0 : index
      %get3A_149 = tpu.vector_load %arg20[%get3A_148] {strides = array<i32>} : memref<32xi32, #tpu.memory_space<vmem>>, vector<16xi32>,
      %get3A_150 = vector.shape_cast %get3A_149 : vector<16xi32> to vector<16xi32>
      %get3A_151 = arith.constant 1 : index
      %get3A_152 = tpu.vector_load %arg20[%get3A_151] {strides = array<i32>} : memref<32xi32, #tpu.memory_space<vmem>>, vector<16xi32>,
      %get3A_153 = vector.shape_cast %get3A_152 : vector<16xi32> to vector<16xi32>
      %gt3A_154 = arith.cmpf ogt, %get3A_144, %get3A_147 : vector<16xf32>
      %eq3A_155 = arith.cmpf oeq, %get3A_144, %get3A_147 : vector<16xf32>
      %max3A_156 = arith.maximumf %get3A_144, %get3A_147 : vector<16xf32>
      %swap3A_157 = arith.constant 0 : index
      %swap3A_158 = tpu.vector_load %arg19[%swap3A_157] {strides = array<i32>} : memref<32xf32, #tpu.memory_space<vmem>>, vector<16xf32>,
      %swap3A_159 = vector.shape_cast %swap3A_158 : vector<16xf32> to vector<16xf32>
      %swap3A_160 = vector.shape_cast %max3A_156 : vector<16xf32> to vector<16xf32>
      tpu.vector_store %arg19[%swap3A_157], %swap3A_160 {strides = array<i32>} : memref<32xf32, #tpu.memory_space<vmem>>, vector<16xf32>,
      %min3A_161 = arith.minsi %get3A_150, %get3A_153 : vector<16xi32>
      %select_n3A_162 = arith.select %eq3A_155, %min3A_161, %get3A_153 : vector<16xi1>, vector<16xi32>
      %select_n3A_163 = arith.select %gt3A_154, %get3A_150, %select_n3A_162 : vector<16xi1>, vector<16xi32>
      %swap3A_164 = arith.constant 0 : index
      %swap3A_165 = tpu.vector_load %arg20[%swap3A_164] {strides = array<i32>} : memref<32xi32, #tpu.memory_space<vmem>>, vector<16xi32>,
      %swap3A_166 = vector.shape_cast %swap3A_165 : vector<16xi32> to vector<16xi32>
      %swap3A_167 = vector.shape_cast %select_n3A_163 : vector<16xi32> to vector<16xi32>
      tpu.vector_store %arg20[%swap3A_164], %swap3A_167 {strides = array<i32>} : memref<32xi32, #tpu.memory_space<vmem>>, vector<16xi32>,
      %get3A_168 = arith.constant 0 : index
      %get3A_169 = tpu.vector_load %arg19[%get3A_168] {strides = array<i32>} : memref<32xf32, #tpu.memory_space<vmem>>, vector<16xf32>,
      %get3A_170 = vector.shape_cast %get3A_169 : vector<16xf32> to vector<16xf32>
      %slice3A = vector.extract_strided_slice %get3A_170 {offsets = [0], sizes = [1], strides = [1]} : vector<16xf32> to vector<1xf32>
      %squeeze3A = vector.extract %slice3A[0] : f32 from vector<1xf32>
      %get3A_171 = arith.constant 0 : index
      %get3A_172 = tpu.vector_load %arg20[%get3A_171] {strides = array<i32>} : memref<32xi32, #tpu.memory_space<vmem>>, vector<16xi32>,
      %get3A_173 = vector.shape_cast %get3A_172 : vector<16xi32> to vector<16xi32>
      %slice3A_174 = vector.extract_strided_slice %get3A_173 {offsets = [0], sizes = [1], strides = [1]} : vector<16xi32> to vector<1xi32>
      %squeeze3A_175 = vector.extract %slice3A_174[0] : i32 from vector<1xi32>
      %jit3A_176 = arith.constant 16 : i32
      %div3A_177 = arith.divsi %scan3A_52, %jit3A_176 : i32
      %sign3A_178 = arith.constant 0 : i32
      %sign3A_179 = arith.cmpi sgt, %scan3A_52, %sign3A_178 : i32
      %sign3A_180 = arith.extui %sign3A_179 : i1 to i32
      %sign3A_181 = arith.constant 0 : i32
      %sign3A_182 = arith.cmpi slt, %scan3A_52, %sign3A_181 : i32
      %sign3A_183 = arith.extui %sign3A_182 : i1 to i32
      %sign3A_184 = arith.subi %sign3A_180, %sign3A_183 : i32
      %sign3A_185 = arith.constant 0 : i32
      %sign3A_186 = arith.cmpi sgt, %jit3A_176, %sign3A_185 : i32
      %sign3A_187 = arith.extui %sign3A_186 : i1 to i32
      %sign3A_188 = arith.constant 0 : i32
      %sign3A_189 = arith.cmpi slt, %jit3A_176, %sign3A_188 : i32
      %sign3A_190 = arith.extui %sign3A_189 : i1 to i32
      %sign3A_191 = arith.subi %sign3A_187, %sign3A_190 : i32
      %ne3A_192 = arith.cmpi ne, %sign3A_184, %sign3A_191 : i32
      %rem3A_193 = arith.remsi %scan3A_52, %jit3A_176 : i32
      %ne3A_194 = arith.constant 0 : i32
      %ne3A_195 = arith.cmpi ne, %rem3A_193, %ne3A_194 : i32
      %and3A_196 = arith.andi %ne3A_192, %ne3A_195 : i1
      %sub3A_197 = arith.constant 1 : i32
      %sub3A_198 = arith.subi %div3A_177, %sub3A_197 : i32
      %select_n3A_199 = arith.select %and3A_196, %sub3A_198, %div3A_177 : i32
      %mul3A_200 = arith.constant 16 : i32
      %mul3A_201 = arith.muli %select_n3A_199, %mul3A_200 : i32
      %sub3A_202 = arith.subi %scan3A_52, %mul3A_201 : i32
      %get3A_203 = arith.index_cast %mul3A_201 : i32 to index
      %get3A_204 = tpu.vector_load %arg21[%get3A_203] {strides = array<i32>} : memref<32xf32, #tpu.memory_space<vmem>>, vector<16xf32>,
      %get3A_205 = vector.shape_cast %get3A_204 : vector<16xf32> to vector<16xf32>
      %eq3A_206 = vector.broadcast %sub3A_202 : i32 to vector<16xi32>
      %eq3A_207 = arith.cmpi eq, %iota3A, %eq3A_206 : vector<16xi32>
      %broadcast_in_dim3A_208 = vector.broadcast %squeeze3A : f32 to vector<16xf32>
      %select_n3A_209 = arith.select %eq3A_207, %broadcast_in_dim3A_208, %get3A_205 : vector<16xi1>, vector<16xf32>
      %swap3A_210 = arith.index_cast %mul3A_201 : i32 to index
      %swap3A_211 = tpu.vector_load %arg21[%swap3A_210] {strides = array<i32>} : memref<32xf32, #tpu.memory_space<vmem>>, vector<16xf32>,
      %swap3A_212 = vector.shape_cast %swap3A_211 : vector<16xf32> to vector<16xf32>
      %swap3A_213 = vector.shape_cast %select_n3A_209 : vector<16xf32> to vector<16xf32>
      tpu.vector_store %arg21[%swap3A_210], %swap3A_213 {strides = array<i32>} : memref<32xf32, #tpu.memory_space<vmem>>, vector<16xf32>,
      %jit3A_214 = arith.constant 16 : i32
      %div3A_215 = arith.divsi %scan3A_52, %jit3A_214 : i32
      %sign3A_216 = arith.constant 0 : i32
      %sign3A_217 = arith.cmpi sgt, %scan3A_52, %sign3A_216 : i32
      %sign3A_218 = arith.extui %sign3A_217 : i1 to i32
      %sign3A_219 = arith.constant 0 : i32
      %sign3A_220 = arith.cmpi slt, %scan3A_52, %sign3A_219 : i32
      %sign3A_221 = arith.extui %sign3A_220 : i1 to i32
      %sign3A_222 = arith.subi %sign3A_218, %sign3A_221 : i32
      %sign3A_223 = arith.constant 0 : i32
      %sign3A_224 = arith.cmpi sgt, %jit3A_214, %sign3A_223 : i32
      %sign3A_225 = arith.extui %sign3A_224 : i1 to i32
      %sign3A_226 = arith.constant 0 : i32
      %sign3A_227 = arith.cmpi slt, %jit3A_214, %sign3A_226 : i32
      %sign3A_228 = arith.extui %sign3A_227 : i1 to i32
      %sign3A_229 = arith.subi %sign3A_225, %sign3A_228 : i32
      %ne3A_230 = arith.cmpi ne, %sign3A_222, %sign3A_229 : i32
      %rem3A_231 = arith.remsi %scan3A_52, %jit3A_214 : i32
      %ne3A_232 = arith.constant 0 : i32
      %ne3A_233 = arith.cmpi ne, %rem3A_231, %ne3A_232 : i32
      %and3A_234 = arith.andi %ne3A_230, %ne3A_233 : i1
      %sub3A_235 = arith.constant 1 : i32
      %sub3A_236 = arith.subi %div3A_215, %sub3A_235 : i32
      %select_n3A_237 = arith.select %and3A_234, %sub3A_236, %div3A_215 : i32
      %mul3A_238 = arith.constant 16 : i32
      %mul3A_239 = arith.muli %select_n3A_237, %mul3A_238 : i32
      %sub3A_240 = arith.subi %scan3A_52, %mul3A_239 : i32
      %get3A_241 = arith.index_cast %mul3A_239 : i32 to index
      %get3A_242 = tpu.vector_load %arg22[%get3A_241] {strides = array<i32>} : memref<32xi32, #tpu.memory_space<vmem>>, vector<16xi32>,
      %get3A_243 = vector.shape_cast %get3A_242 : vector<16xi32> to vector<16xi32>
      %eq3A_244 = vector.broadcast %sub3A_240 : i32 to vector<16xi32>
      %eq3A_245 = arith.cmpi eq, %iota3A, %eq3A_244 : vector<16xi32>
      %broadcast_in_dim3A_246 = vector.broadcast %squeeze3A_175 : i32 to vector<16xi32>
      %select_n3A_247 = arith.select %eq3A_245, %broadcast_in_dim3A_246, %get3A_243 : vector<16xi1>, vector<16xi32>
      %swap3A_248 = arith.index_cast %mul3A_239 : i32 to index
      %swap3A_249 = tpu.vector_load %arg22[%swap3A_248] {strides = array<i32>} : memref<32xi32, #tpu.memory_space<vmem>>, vector<16xi32>,
      %swap3A_250 = vector.shape_cast %swap3A_249 : vector<16xi32> to vector<16xi32>
      %swap3A_251 = vector.shape_cast %select_n3A_247 : vector<16xi32> to vector<16xi32>
      tpu.vector_store %arg22[%swap3A_248], %swap3A_251 {strides = array<i32>} : memref<32xi32, #tpu.memory_space<vmem>>, vector<16xi32>,
      %scan3A_252 = arith.constant 0 : i32
      scf.yield %scan3A_252 : i32
    }
    %scan3A_41 = arith.constant 24 : i32
    %gt3A = arith.constant 0 : i32
    %gt3A_42 = arith.cmpi sgt, %sub3A_17, %gt3A : i32
    %convert_element_type3A = arith.extui %gt3A_42 : i1 to i32
    %cond3A = arith.constant 0 : i32
    %cond3A_43 = arith.cmpi ne, %convert_element_type3A, %cond3A : i32
    scf.if %cond3A_43 {
      %sub3A_52 = arith.constant 24576 : i32
      %sub3A_53 = arith.subi %mul3A_23, %sub3A_52 : i32
      "tpu.region"() ({
        %run_scoped3A = tpu.sem_alloc : memref<!tpu.dma_semaphore, #tpu.memory_space<semaphore_mem>>
        %dma_start3A = arith.constant 0 : i32
        %dma_start3A_54 = tpu.memref_slice %arg9[%dma_start3A] : memref<98304xf32, #tpu.memory_space<vmem>> -> memref<24576xf32, #tpu.memory_space<vmem>>
        %dma_start3A_55 = tpu.memref_slice %arg25[%select_n3A, %sub3A_53] : memref<4x73728xf32, #tpu.memory_space<vmem_shared>> -> memref<1x24576xf32, #tpu.memory_space<vmem_shared>>
        %dma_start3A_56 = tpu.memref_squeeze %dma_start3A_55 : memref<1x24576xf32, #tpu.memory_space<vmem_shared>> -> memref<24576xf32, #tpu.memory_space<vmem_shared>>
        %dma_start3A_57 = tpu.memref_slice %arg25[%select_n3A, %sub3A_53] : memref<4x73728xf32, #tpu.memory_space<vmem_shared>> -> memref<1x24576xf32, #tpu.memory_space<vmem_shared>>
        %dma_start3A_58 = tpu.memref_squeeze %dma_start3A_57 : memref<1x24576xf32, #tpu.memory_space<vmem_shared>> -> memref<24576xf32, #tpu.memory_space<vmem_shared>>
        %dma_start3A_59 = arith.constant 0 : i32
        %dma_start3A_60 = tpu.memref_slice %arg9[%dma_start3A_59] : memref<98304xf32, #tpu.memory_space<vmem>> -> memref<24576xf32, #tpu.memory_space<vmem>>
        tpu.enqueue_dma source(%dma_start3A_60 : memref<24576xf32, #tpu.memory_space<vmem>>) target(%dma_start3A_58 : memref<24576xf32, #tpu.memory_space<vmem_shared>>) target_semaphore(%run_scoped3A : memref<!tpu.dma_semaphore, #tpu.memory_space<semaphore_mem>>)
        %dma_wait3A = arith.constant 0 : i32
        %dma_wait3A_61 = tpu.memref_slice %arg9[%dma_wait3A] : memref<98304xf32, #tpu.memory_space<vmem>> -> memref<24576xf32, #tpu.memory_space<vmem>>
        %dma_wait3A_62 = tpu.memref_slice %arg25[%select_n3A, %sub3A_53] : memref<4x73728xf32, #tpu.memory_space<vmem_shared>> -> memref<1x24576xf32, #tpu.memory_space<vmem_shared>>
        %dma_wait3A_63 = tpu.memref_squeeze %dma_wait3A_62 : memref<1x24576xf32, #tpu.memory_space<vmem_shared>> -> memref<24576xf32, #tpu.memory_space<vmem_shared>>
        %dma_wait3A_64 = tpu.memref_slice %arg25[%select_n3A, %sub3A_53] : memref<4x73728xf32, #tpu.memory_space<vmem_shared>> -> memref<1x24576xf32, #tpu.memory_space<vmem_shared>>
        %dma_wait3A_65 = tpu.memref_squeeze %dma_wait3A_64 : memref<1x24576xf32, #tpu.memory_space<vmem_shared>> -> memref<24576xf32, #tpu.memory_space<vmem_shared>>
        %dma_wait3A_66 = arith.constant 0 : i32
        %dma_wait3A_67 = tpu.memref_slice %arg9[%dma_wait3A_66] : memref<98304xf32, #tpu.memory_space<vmem>> -> memref<24576xf32, #tpu.memory_space<vmem>>
        tpu.wait_dma2 semaphore(%run_scoped3A : memref<!tpu.dma_semaphore, #tpu.memory_space<semaphore_mem>>) src(%dma_wait3A_67 : memref<24576xf32, #tpu.memory_space<vmem>>) dst(%dma_wait3A_65 : memref<24576xf32, #tpu.memory_space<vmem_shared>>)
        tpu.yield
      }) : () -> ()
    } else {
    }
    %mul3A_44 = arith.constant 32 : i32
    %mul3A_45 = arith.muli %sub3A_17, %mul3A_44 : i32
    "tpu.region"() ({
      %run_scoped3A = tpu.sem_alloc : memref<!tpu.dma_semaphore, #tpu.memory_space<semaphore_mem>>
      %dma_start3A = tpu.memref_slice %arg26[%select_n3A, %mul3A_45] : memref<4x128xf32, #tpu.memory_space<vmem_shared>> -> memref<1x32xf32, #tpu.memory_space<vmem_shared>>
      %dma_start3A_52 = tpu.memref_squeeze %dma_start3A : memref<1x32xf32, #tpu.memory_space<vmem_shared>> -> memref<32xf32, #tpu.memory_space<vmem_shared>>
      %dma_start3A_53 = tpu.memref_slice %arg26[%select_n3A, %mul3A_45] : memref<4x128xf32, #tpu.memory_space<vmem_shared>> -> memref<1x32xf32, #tpu.memory_space<vmem_shared>>
      %dma_start3A_54 = tpu.memref_squeeze %dma_start3A_53 : memref<1x32xf32, #tpu.memory_space<vmem_shared>> -> memref<32xf32, #tpu.memory_space<vmem_shared>>
      tpu.enqueue_dma source(%arg21 : memref<32xf32, #tpu.memory_space<vmem>>) target(%dma_start3A_54 : memref<32xf32, #tpu.memory_space<vmem_shared>>) target_semaphore(%run_scoped3A : memref<!tpu.dma_semaphore, #tpu.memory_space<semaphore_mem>>)
      %dma_wait3A = tpu.memref_slice %arg26[%select_n3A, %mul3A_45] : memref<4x128xf32, #tpu.memory_space<vmem_shared>> -> memref<1x32xf32, #tpu.memory_space<vmem_shared>>
      %dma_wait3A_55 = tpu.memref_squeeze %dma_wait3A : memref<1x32xf32, #tpu.memory_space<vmem_shared>> -> memref<32xf32, #tpu.memory_space<vmem_shared>>
      %dma_wait3A_56 = tpu.memref_slice %arg26[%select_n3A, %mul3A_45] : memref<4x128xf32, #tpu.memory_space<vmem_shared>> -> memref<1x32xf32, #tpu.memory_space<vmem_shared>>
      %dma_wait3A_57 = tpu.memref_squeeze %dma_wait3A_56 : memref<1x32xf32, #tpu.memory_space<vmem_shared>> -> memref<32xf32, #tpu.memory_space<vmem_shared>>
      tpu.wait_dma2 semaphore(%run_scoped3A : memref<!tpu.dma_semaphore, #tpu.memory_space<semaphore_mem>>) src(%arg21 : memref<32xf32, #tpu.memory_space<vmem>>) dst(%dma_wait3A_57 : memref<32xf32, #tpu.memory_space<vmem_shared>>)
      tpu.yield
    }) : () -> ()
    %mul3A_46 = arith.constant 32 : i32
    %mul3A_47 = arith.muli %sub3A_17, %mul3A_46 : i32
    "tpu.region"() ({
      %run_scoped3A = tpu.sem_alloc : memref<!tpu.dma_semaphore, #tpu.memory_space<semaphore_mem>>
      %dma_start3A = tpu.memref_slice %arg27[%select_n3A, %mul3A_47] : memref<4x128xi32, #tpu.memory_space<vmem_shared>> -> memref<1x32xi32, #tpu.memory_space<vmem_shared>>
      %dma_start3A_52 = tpu.memref_squeeze %dma_start3A : memref<1x32xi32, #tpu.memory_space<vmem_shared>> -> memref<32xi32, #tpu.memory_space<vmem_shared>>
      %dma_start3A_53 = tpu.memref_slice %arg27[%select_n3A, %mul3A_47] : memref<4x128xi32, #tpu.memory_space<vmem_shared>> -> memref<1x32xi32, #tpu.memory_space<vmem_shared>>
      %dma_start3A_54 = tpu.memref_squeeze %dma_start3A_53 : memref<1x32xi32, #tpu.memory_space<vmem_shared>> -> memref<32xi32, #tpu.memory_space<vmem_shared>>
      tpu.enqueue_dma source(%arg22 : memref<32xi32, #tpu.memory_space<vmem>>) target(%dma_start3A_54 : memref<32xi32, #tpu.memory_space<vmem_shared>>) target_semaphore(%run_scoped3A : memref<!tpu.dma_semaphore, #tpu.memory_space<semaphore_mem>>)
      %dma_wait3A = tpu.memref_slice %arg27[%select_n3A, %mul3A_47] : memref<4x128xi32, #tpu.memory_space<vmem_shared>> -> memref<1x32xi32, #tpu.memory_space<vmem_shared>>
      %dma_wait3A_55 = tpu.memref_squeeze %dma_wait3A : memref<1x32xi32, #tpu.memory_space<vmem_shared>> -> memref<32xi32, #tpu.memory_space<vmem_shared>>
      %dma_wait3A_56 = tpu.memref_slice %arg27[%select_n3A, %mul3A_47] : memref<4x128xi32, #tpu.memory_space<vmem_shared>> -> memref<1x32xi32, #tpu.memory_space<vmem_shared>>
      %dma_wait3A_57 = tpu.memref_squeeze %dma_wait3A_56 : memref<1x32xi32, #tpu.memory_space<vmem_shared>> -> memref<32xi32, #tpu.memory_space<vmem_shared>>
      tpu.wait_dma2 semaphore(%run_scoped3A : memref<!tpu.dma_semaphore, #tpu.memory_space<semaphore_mem>>) src(%arg22 : memref<32xi32, #tpu.memory_space<vmem>>) dst(%dma_wait3A_57 : memref<32xi32, #tpu.memory_space<vmem_shared>>)
      tpu.yield
    }) : () -> ()
    %barrier3A = arith.constant 0 : index
    tpu.barrier barrier_id(%barrier3A)
    %eq3A = arith.constant 0 : i32
    %eq3A_48 = arith.cmpi eq, %sub3A_17, %eq3A : i32
    %convert_element_type3A_49 = arith.extui %eq3A_48 : i1 to i32
    %cond3A_50 = arith.constant 0 : i32
    %cond3A_51 = arith.cmpi ne, %convert_element_type3A_49, %cond3A_50 : i32
    scf.if %cond3A_51 {
      "tpu.region"() ({
        %run_scoped3A = tpu.sem_alloc : memref<!tpu.dma_semaphore, #tpu.memory_space<semaphore_mem>>
        %dma_start3A = arith.constant 24576 : i32
        %dma_start3A_372 = tpu.memref_slice %arg9[%dma_start3A] : memref<98304xf32, #tpu.memory_space<vmem>> -> memref<73728xf32, #tpu.memory_space<vmem>>
        %dma_start3A_373 = arith.constant 0 : i32
        %dma_start3A_374 = tpu.memref_slice %arg25[%select_n3A, %dma_start3A_373] : memref<4x73728xf32, #tpu.memory_space<vmem_shared>> -> memref<1x73728xf32, #tpu.memory_space<vmem_shared>>
        %dma_start3A_375 = tpu.memref_squeeze %dma_start3A_374 : memref<1x73728xf32, #tpu.memory_space<vmem_shared>> -> memref<73728xf32, #tpu.memory_space<vmem_shared>>
        %dma_start3A_376 = arith.constant 24576 : i32
        %dma_start3A_377 = tpu.memref_slice %arg9[%dma_start3A_376] : memref<98304xf32, #tpu.memory_space<vmem>> -> memref<73728xf32, #tpu.memory_space<vmem>>
        %dma_start3A_378 = arith.constant 0 : i32
        %dma_start3A_379 = tpu.memref_slice %arg25[%select_n3A, %dma_start3A_378] : memref<4x73728xf32, #tpu.memory_space<vmem_shared>> -> memref<1x73728xf32, #tpu.memory_space<vmem_shared>>
        %dma_start3A_380 = tpu.memref_squeeze %dma_start3A_379 : memref<1x73728xf32, #tpu.memory_space<vmem_shared>> -> memref<73728xf32, #tpu.memory_space<vmem_shared>>
        tpu.enqueue_dma source(%dma_start3A_380 : memref<73728xf32, #tpu.memory_space<vmem_shared>>) target(%dma_start3A_377 : memref<73728xf32, #tpu.memory_space<vmem>>) target_semaphore(%run_scoped3A : memref<!tpu.dma_semaphore, #tpu.memory_space<semaphore_mem>>)
        %dma_wait3A = arith.constant 24576 : i32
        %dma_wait3A_381 = tpu.memref_slice %arg9[%dma_wait3A] : memref<98304xf32, #tpu.memory_space<vmem>> -> memref<73728xf32, #tpu.memory_space<vmem>>
        %dma_wait3A_382 = arith.constant 0 : i32
        %dma_wait3A_383 = tpu.memref_slice %arg25[%select_n3A, %dma_wait3A_382] : memref<4x73728xf32, #tpu.memory_space<vmem_shared>> -> memref<1x73728xf32, #tpu.memory_space<vmem_shared>>
        %dma_wait3A_384 = tpu.memref_squeeze %dma_wait3A_383 : memref<1x73728xf32, #tpu.memory_space<vmem_shared>> -> memref<73728xf32, #tpu.memory_space<vmem_shared>>
        %dma_wait3A_385 = arith.constant 24576 : i32
        %dma_wait3A_386 = tpu.memref_slice %arg9[%dma_wait3A_385] : memref<98304xf32, #tpu.memory_space<vmem>> -> memref<73728xf32, #tpu.memory_space<vmem>>
        %dma_wait3A_387 = arith.constant 0 : i32
        %dma_wait3A_388 = tpu.memref_slice %arg25[%select_n3A, %dma_wait3A_387] : memref<4x73728xf32, #tpu.memory_space<vmem_shared>> -> memref<1x73728xf32, #tpu.memory_space<vmem_shared>>
        %dma_wait3A_389 = tpu.memref_squeeze %dma_wait3A_388 : memref<1x73728xf32, #tpu.memory_space<vmem_shared>> -> memref<73728xf32, #tpu.memory_space<vmem_shared>>
        tpu.wait_dma2 semaphore(%run_scoped3A : memref<!tpu.dma_semaphore, #tpu.memory_space<semaphore_mem>>) src(%dma_wait3A_389 : memref<73728xf32, #tpu.memory_space<vmem_shared>>) dst(%dma_wait3A_386 : memref<73728xf32, #tpu.memory_space<vmem>>)
        tpu.yield
      }) : () -> ()
      "tpu.region"() ({
        %run_scoped3A = tpu.sem_alloc : memref<!tpu.dma_semaphore, #tpu.memory_space<semaphore_mem>>
        %dma_start3A = arith.constant 0 : i32
        %dma_start3A_372 = tpu.memref_slice %arg26[%select_n3A, %dma_start3A] : memref<4x128xf32, #tpu.memory_space<vmem_shared>> -> memref<1x128xf32, #tpu.memory_space<vmem_shared>>
        %dma_start3A_373 = tpu.memref_squeeze %dma_start3A_372 : memref<1x128xf32, #tpu.memory_space<vmem_shared>> -> memref<128xf32, #tpu.memory_space<vmem_shared>>
        %dma_start3A_374 = arith.constant 0 : i32
        %dma_start3A_375 = tpu.memref_slice %arg26[%select_n3A, %dma_start3A_374] : memref<4x128xf32, #tpu.memory_space<vmem_shared>> -> memref<1x128xf32, #tpu.memory_space<vmem_shared>>
        %dma_start3A_376 = tpu.memref_squeeze %dma_start3A_375 : memref<1x128xf32, #tpu.memory_space<vmem_shared>> -> memref<128xf32, #tpu.memory_space<vmem_shared>>
        tpu.enqueue_dma source(%dma_start3A_376 : memref<128xf32, #tpu.memory_space<vmem_shared>>) target(%arg23 : memref<128xf32, #tpu.memory_space<vmem>>) target_semaphore(%run_scoped3A : memref<!tpu.dma_semaphore, #tpu.memory_space<semaphore_mem>>)
        %dma_wait3A = arith.constant 0 : i32
        %dma_wait3A_377 = tpu.memref_slice %arg26[%select_n3A, %dma_wait3A] : memref<4x128xf32, #tpu.memory_space<vmem_shared>> -> memref<1x128xf32, #tpu.memory_space<vmem_shared>>
        %dma_wait3A_378 = tpu.memref_squeeze %dma_wait3A_377 : memref<1x128xf32, #tpu.memory_space<vmem_shared>> -> memref<128xf32, #tpu.memory_space<vmem_shared>>
        %dma_wait3A_379 = arith.constant 0 : i32
        %dma_wait3A_380 = tpu.memref_slice %arg26[%select_n3A, %dma_wait3A_379] : memref<4x128xf32, #tpu.memory_space<vmem_shared>> -> memref<1x128xf32, #tpu.memory_space<vmem_shared>>
        %dma_wait3A_381 = tpu.memref_squeeze %dma_wait3A_380 : memref<1x128xf32, #tpu.memory_space<vmem_shared>> -> memref<128xf32, #tpu.memory_space<vmem_shared>>
        tpu.wait_dma2 semaphore(%run_scoped3A : memref<!tpu.dma_semaphore, #tpu.memory_space<semaphore_mem>>) src(%dma_wait3A_381 : memref<128xf32, #tpu.memory_space<vmem_shared>>) dst(%arg23 : memref<128xf32, #tpu.memory_space<vmem>>)
        tpu.yield
      }) : () -> ()
      "tpu.region"() ({
        %run_scoped3A = tpu.sem_alloc : memref<!tpu.dma_semaphore, #tpu.memory_space<semaphore_mem>>
        %dma_start3A = arith.constant 0 : i32
        %dma_start3A_372 = tpu.memref_slice %arg27[%select_n3A, %dma_start3A] : memref<4x128xi32, #tpu.memory_space<vmem_shared>> -> memref<1x128xi32, #tpu.memory_space<vmem_shared>>
        %dma_start3A_373 = tpu.memref_squeeze %dma_start3A_372 : memref<1x128xi32, #tpu.memory_space<vmem_shared>> -> memref<128xi32, #tpu.memory_space<vmem_shared>>
        %dma_start3A_374 = arith.constant 0 : i32
        %dma_start3A_375 = tpu.memref_slice %arg27[%select_n3A, %dma_start3A_374] : memref<4x128xi32, #tpu.memory_space<vmem_shared>> -> memref<1x128xi32, #tpu.memory_space<vmem_shared>>
        %dma_start3A_376 = tpu.memref_squeeze %dma_start3A_375 : memref<1x128xi32, #tpu.memory_space<vmem_shared>> -> memref<128xi32, #tpu.memory_space<vmem_shared>>
        tpu.enqueue_dma source(%dma_start3A_376 : memref<128xi32, #tpu.memory_space<vmem_shared>>) target(%arg24 : memref<128xi32, #tpu.memory_space<vmem>>) target_semaphore(%run_scoped3A : memref<!tpu.dma_semaphore, #tpu.memory_space<semaphore_mem>>)
        %dma_wait3A = arith.constant 0 : i32
        %dma_wait3A_377 = tpu.memref_slice %arg27[%select_n3A, %dma_wait3A] : memref<4x128xi32, #tpu.memory_space<vmem_shared>> -> memref<1x128xi32, #tpu.memory_space<vmem_shared>>
        %dma_wait3A_378 = tpu.memref_squeeze %dma_wait3A_377 : memref<1x128xi32, #tpu.memory_space<vmem_shared>> -> memref<128xi32, #tpu.memory_space<vmem_shared>>
        %dma_wait3A_379 = arith.constant 0 : i32
        %dma_wait3A_380 = tpu.memref_slice %arg27[%select_n3A, %dma_wait3A_379] : memref<4x128xi32, #tpu.memory_space<vmem_shared>> -> memref<1x128xi32, #tpu.memory_space<vmem_shared>>
        %dma_wait3A_381 = tpu.memref_squeeze %dma_wait3A_380 : memref<1x128xi32, #tpu.memory_space<vmem_shared>> -> memref<128xi32, #tpu.memory_space<vmem_shared>>
        tpu.wait_dma2 semaphore(%run_scoped3A : memref<!tpu.dma_semaphore, #tpu.memory_space<semaphore_mem>>) src(%dma_wait3A_381 : memref<128xi32, #tpu.memory_space<vmem_shared>>) dst(%arg24 : memref<128xi32, #tpu.memory_space<vmem>>)
        tpu.yield
      }) : () -> ()
      "tpu.region"() ({
        %run_scoped3A = tpu.sem_alloc : memref<!tpu.dma_semaphore, #tpu.memory_space<semaphore_mem>>
        %dma_start3A = arith.constant 0 : i32
        %dma_start3A_372 = tpu.memref_slice %arg3[%add3A, %dma_start3A] : memref<8x4096xf32, #tpu.memory_space<hbm>> -> memref<1x4096xf32, #tpu.memory_space<hbm>>
        %dma_start3A_373 = tpu.memref_squeeze %dma_start3A_372 : memref<1x4096xf32, #tpu.memory_space<hbm>> -> memref<4096xf32, #tpu.memory_space<hbm>>
        %dma_start3A_374 = arith.constant 0 : i32
        %dma_start3A_375 = tpu.memref_slice %arg3[%add3A, %dma_start3A_374] : memref<8x4096xf32, #tpu.memory_space<hbm>> -> memref<1x4096xf32, #tpu.memory_space<hbm>>
        %dma_start3A_376 = tpu.memref_squeeze %dma_start3A_375 : memref<1x4096xf32, #tpu.memory_space<hbm>> -> memref<4096xf32, #tpu.memory_space<hbm>>
        tpu.enqueue_dma source(%dma_start3A_376 : memref<4096xf32, #tpu.memory_space<hbm>>) target(%arg11 : memref<4096xf32, #tpu.memory_space<vmem>>) target_semaphore(%run_scoped3A : memref<!tpu.dma_semaphore, #tpu.memory_space<semaphore_mem>>)
        %dma_wait3A = arith.constant 0 : i32
        %dma_wait3A_377 = tpu.memref_slice %arg3[%add3A, %dma_wait3A] : memref<8x4096xf32, #tpu.memory_space<hbm>> -> memref<1x4096xf32, #tpu.memory_space<hbm>>
        %dma_wait3A_378 = tpu.memref_squeeze %dma_wait3A_377 : memref<1x4096xf32, #tpu.memory_space<hbm>> -> memref<4096xf32, #tpu.memory_space<hbm>>
        %dma_wait3A_379 = arith.constant 0 : i32
        %dma_wait3A_380 = tpu.memref_slice %arg3[%add3A, %dma_wait3A_379] : memref<8x4096xf32, #tpu.memory_space<hbm>> -> memref<1x4096xf32, #tpu.memory_space<hbm>>
        %dma_wait3A_381 = tpu.memref_squeeze %dma_wait3A_380 : memref<1x4096xf32, #tpu.memory_space<hbm>> -> memref<4096xf32, #tpu.memory_space<hbm>>
        tpu.wait_dma2 semaphore(%run_scoped3A : memref<!tpu.dma_semaphore, #tpu.memory_space<semaphore_mem>>) src(%dma_wait3A_381 : memref<4096xf32, #tpu.memory_space<hbm>>) dst(%arg11 : memref<4096xf32, #tpu.memory_space<vmem>>)
        tpu.yield
      }) : () -> ()
      "tpu.region"() ({
        %run_scoped3A = tpu.sem_alloc : memref<!tpu.dma_semaphore, #tpu.memory_space<semaphore_mem>>
        %dma_start3A = arith.constant 0 : i32
        %dma_start3A_372 = tpu.memref_slice %arg4[%add3A, %dma_start3A] : memref<8x16xi32, #tpu.memory_space<hbm>> -> memref<1x16xi32, #tpu.memory_space<hbm>>
        %dma_start3A_373 = tpu.memref_squeeze %dma_start3A_372 : memref<1x16xi32, #tpu.memory_space<hbm>> -> memref<16xi32, #tpu.memory_space<hbm>>
        %dma_start3A_374 = arith.constant 0 : i32
        %dma_start3A_375 = tpu.memref_slice %arg4[%add3A, %dma_start3A_374] : memref<8x16xi32, #tpu.memory_space<hbm>> -> memref<1x16xi32, #tpu.memory_space<hbm>>
        %dma_start3A_376 = tpu.memref_squeeze %dma_start3A_375 : memref<1x16xi32, #tpu.memory_space<hbm>> -> memref<16xi32, #tpu.memory_space<hbm>>
        tpu.enqueue_dma source(%dma_start3A_376 : memref<16xi32, #tpu.memory_space<hbm>>) target(%arg18 : memref<16xi32, #tpu.memory_space<vmem>>) target_semaphore(%run_scoped3A : memref<!tpu.dma_semaphore, #tpu.memory_space<semaphore_mem>>)
        %dma_wait3A = arith.constant 0 : i32
        %dma_wait3A_377 = tpu.memref_slice %arg4[%add3A, %dma_wait3A] : memref<8x16xi32, #tpu.memory_space<hbm>> -> memref<1x16xi32, #tpu.memory_space<hbm>>
        %dma_wait3A_378 = tpu.memref_squeeze %dma_wait3A_377 : memref<1x16xi32, #tpu.memory_space<hbm>> -> memref<16xi32, #tpu.memory_space<hbm>>
        %dma_wait3A_379 = arith.constant 0 : i32
        %dma_wait3A_380 = tpu.memref_slice %arg4[%add3A, %dma_wait3A_379] : memref<8x16xi32, #tpu.memory_space<hbm>> -> memref<1x16xi32, #tpu.memory_space<hbm>>
        %dma_wait3A_381 = tpu.memref_squeeze %dma_wait3A_380 : memref<1x16xi32, #tpu.memory_space<hbm>> -> memref<16xi32, #tpu.memory_space<hbm>>
        tpu.wait_dma2 semaphore(%run_scoped3A : memref<!tpu.dma_semaphore, #tpu.memory_space<semaphore_mem>>) src(%dma_wait3A_381 : memref<16xi32, #tpu.memory_space<hbm>>) dst(%arg18 : memref<16xi32, #tpu.memory_space<vmem>>)
        tpu.yield
      }) : () -> ()
      %add3A_52 = arith.constant 0 : i32
      %add3A_53 = vector.broadcast %add3A_52 : i32 to vector<16xi32>
      %add3A_54 = arith.addi %iota3A, %add3A_53 : vector<16xi32>
      %get3A = arith.constant 0 : index
      %get3A_55 = tpu.vector_load %arg23[%get3A] {strides = array<i32>} : memref<128xf32, #tpu.memory_space<vmem>>, vector<16xf32>,
      %get3A_56 = vector.shape_cast %get3A_55 : vector<16xf32> to vector<16xf32>
      %get3A_57 = arith.constant 0 : index
      %get3A_58 = tpu.vector_load %arg24[%get3A_57] {strides = array<i32>} : memref<128xi32, #tpu.memory_space<vmem>>, vector<16xi32>,
      %get3A_59 = vector.shape_cast %get3A_58 : vector<16xi32> to vector<16xi32>
      %ge3A = arith.constant 24 : i32
      %ge3A_60 = vector.broadcast %ge3A : i32 to vector<16xi32>
      %ge3A_61 = arith.cmpi sge, %add3A_54, %ge3A_60 : vector<16xi32>
      %get3A_62 = arith.constant 8 : index
      %get3A_63 = tpu.vector_load %arg23[%get3A_62] {strides = array<i32>} : memref<128xf32, #tpu.memory_space<vmem>>, vector<16xf32>,
      %get3A_64 = vector.shape_cast %get3A_63 : vector<16xf32> to vector<16xf32>
      %select_n3A_65 = arith.select %ge3A_61, %get3A_64, %get3A_56 : vector<16xi1>, vector<16xf32>
      %get3A_66 = arith.constant 8 : index
      %get3A_67 = tpu.vector_load %arg24[%get3A_66] {strides = array<i32>} : memref<128xi32, #tpu.memory_space<vmem>>, vector<16xi32>,
      %get3A_68 = vector.shape_cast %get3A_67 : vector<16xi32> to vector<16xi32>
      %select_n3A_69 = arith.select %ge3A_61, %get3A_68, %get3A_59 : vector<16xi1>, vector<16xi32>
      %ge3A_70 = arith.constant 48 : i32
      %ge3A_71 = vector.broadcast %ge3A_70 : i32 to vector<16xi32>
      %ge3A_72 = arith.cmpi sge, %add3A_54, %ge3A_71 : vector<16xi32>
      %get3A_73 = arith.constant 16 : index
      %get3A_74 = tpu.vector_load %arg23[%get3A_73] {strides = array<i32>} : memref<128xf32, #tpu.memory_space<vmem>>, vector<16xf32>,
      %get3A_75 = vector.shape_cast %get3A_74 : vector<16xf32> to vector<16xf32>
      %select_n3A_76 = arith.select %ge3A_72, %get3A_75, %select_n3A_65 : vector<16xi1>, vector<16xf32>
      %get3A_77 = arith.constant 16 : index
      %get3A_78 = tpu.vector_load %arg24[%get3A_77] {strides = array<i32>} : memref<128xi32, #tpu.memory_space<vmem>>, vector<16xi32>,
      %get3A_79 = vector.shape_cast %get3A_78 : vector<16xi32> to vector<16xi32>
      %select_n3A_80 = arith.select %ge3A_72, %get3A_79, %select_n3A_69 : vector<16xi1>, vector<16xi32>
      %ge3A_81 = arith.constant 72 : i32
      %ge3A_82 = vector.broadcast %ge3A_81 : i32 to vector<16xi32>
      %ge3A_83 = arith.cmpi sge, %add3A_54, %ge3A_82 : vector<16xi32>
      %get3A_84 = arith.constant 24 : index
      %get3A_85 = tpu.vector_load %arg23[%get3A_84] {strides = array<i32>} : memref<128xf32, #tpu.memory_space<vmem>>, vector<16xf32>,
      %get3A_86 = vector.shape_cast %get3A_85 : vector<16xf32> to vector<16xf32>
      %select_n3A_87 = arith.select %ge3A_83, %get3A_86, %select_n3A_76 : vector<16xi1>, vector<16xf32>
      %get3A_88 = arith.constant 24 : index
      %get3A_89 = tpu.vector_load %arg24[%get3A_88] {strides = array<i32>} : memref<128xi32, #tpu.memory_space<vmem>>, vector<16xi32>,
      %get3A_90 = vector.shape_cast %get3A_89 : vector<16xi32> to vector<16xi32>
      %select_n3A_91 = arith.select %ge3A_83, %get3A_90, %select_n3A_80 : vector<16xi1>, vector<16xi32>
      %swap3A_92 = arith.constant 0 : index
      %swap3A_93 = tpu.vector_load %arg12[%swap3A_92] {strides = array<i32>} : memref<96xf32, #tpu.memory_space<vmem>>, vector<16xf32>,
      %swap3A_94 = vector.shape_cast %swap3A_93 : vector<16xf32> to vector<16xf32>
      %swap3A_95 = vector.shape_cast %select_n3A_87 : vector<16xf32> to vector<16xf32>
      tpu.vector_store %arg12[%swap3A_92], %swap3A_95 {strides = array<i32>} : memref<96xf32, #tpu.memory_space<vmem>>, vector<16xf32>,
      %swap3A_96 = arith.constant 0 : index
      %swap3A_97 = tpu.vector_load %arg13[%swap3A_96] {strides = array<i32>} : memref<96xi32, #tpu.memory_space<vmem>>, vector<16xi32>,
      %swap3A_98 = vector.shape_cast %swap3A_97 : vector<16xi32> to vector<16xi32>
      %swap3A_99 = vector.shape_cast %select_n3A_91 : vector<16xi32> to vector<16xi32>
      tpu.vector_store %arg13[%swap3A_96], %swap3A_99 {strides = array<i32>} : memref<96xi32, #tpu.memory_space<vmem>>, vector<16xi32>,
      %add3A_100 = arith.constant 16 : i32
      %add3A_101 = vector.broadcast %add3A_100 : i32 to vector<16xi32>
      %add3A_102 = arith.addi %iota3A, %add3A_101 : vector<16xi32>
      %get3A_103 = arith.constant 16 : index
      %get3A_104 = tpu.vector_load %arg23[%get3A_103] {strides = array<i32>} : memref<128xf32, #tpu.memory_space<vmem>>, vector<16xf32>,
      %get3A_105 = vector.shape_cast %get3A_104 : vector<16xf32> to vector<16xf32>
      %get3A_106 = arith.constant 16 : index
      %get3A_107 = tpu.vector_load %arg24[%get3A_106] {strides = array<i32>} : memref<128xi32, #tpu.memory_space<vmem>>, vector<16xi32>,
      %get3A_108 = vector.shape_cast %get3A_107 : vector<16xi32> to vector<16xi32>
      %ge3A_109 = arith.constant 24 : i32
      %ge3A_110 = vector.broadcast %ge3A_109 : i32 to vector<16xi32>
      %ge3A_111 = arith.cmpi sge, %add3A_102, %ge3A_110 : vector<16xi32>
      %get3A_112 = arith.constant 24 : index
      %get3A_113 = tpu.vector_load %arg23[%get3A_112] {strides = array<i32>} : memref<128xf32, #tpu.memory_space<vmem>>, vector<16xf32>,
      %get3A_114 = vector.shape_cast %get3A_113 : vector<16xf32> to vector<16xf32>
      %select_n3A_115 = arith.select %ge3A_111, %get3A_114, %get3A_105 : vector<16xi1>, vector<16xf32>
      %get3A_116 = arith.constant 24 : index
      %get3A_117 = tpu.vector_load %arg24[%get3A_116] {strides = array<i32>} : memref<128xi32, #tpu.memory_space<vmem>>, vector<16xi32>,
      %get3A_118 = vector.shape_cast %get3A_117 : vector<16xi32> to vector<16xi32>
      %select_n3A_119 = arith.select %ge3A_111, %get3A_118, %get3A_108 : vector<16xi1>, vector<16xi32>
      %ge3A_120 = arith.constant 48 : i32
      %ge3A_121 = vector.broadcast %ge3A_120 : i32 to vector<16xi32>
      %ge3A_122 = arith.cmpi sge, %add3A_102, %ge3A_121 : vector<16xi32>
      %get3A_123 = arith.constant 32 : index
      %get3A_124 = tpu.vector_load %arg23[%get3A_123] {strides = array<i32>} : memref<128xf32, #tpu.memory_space<vmem>>, vector<16xf32>,
      %get3A_125 = vector.shape_cast %get3A_124 : vector<16xf32> to vector<16xf32>
      %select_n3A_126 = arith.select %ge3A_122, %get3A_125, %select_n3A_115 : vector<16xi1>, vector<16xf32>
      %get3A_127 = arith.constant 32 : index
      %get3A_128 = tpu.vector_load %arg24[%get3A_127] {strides = array<i32>} : memref<128xi32, #tpu.memory_space<vmem>>, vector<16xi32>,
      %get3A_129 = vector.shape_cast %get3A_128 : vector<16xi32> to vector<16xi32>
      %select_n3A_130 = arith.select %ge3A_122, %get3A_129, %select_n3A_119 : vector<16xi1>, vector<16xi32>
      %ge3A_131 = arith.constant 72 : i32
      %ge3A_132 = vector.broadcast %ge3A_131 : i32 to vector<16xi32>
      %ge3A_133 = arith.cmpi sge, %add3A_102, %ge3A_132 : vector<16xi32>
      %get3A_134 = arith.constant 40 : index
      %get3A_135 = tpu.vector_load %arg23[%get3A_134] {strides = array<i32>} : memref<128xf32, #tpu.memory_space<vmem>>, vector<16xf32>,
      %get3A_136 = vector.shape_cast %get3A_135 : vector<16xf32> to vector<16xf32>
      %select_n3A_137 = arith.select %ge3A_133, %get3A_136, %select_n3A_126 : vector<16xi1>, vector<16xf32>
      %get3A_138 = arith.constant 40 : index
      %get3A_139 = tpu.vector_load %arg24[%get3A_138] {strides = array<i32>} : memref<128xi32, #tpu.memory_space<vmem>>, vector<16xi32>,
      %get3A_140 = vector.shape_cast %get3A_139 : vector<16xi32> to vector<16xi32>
      %select_n3A_141 = arith.select %ge3A_133, %get3A_140, %select_n3A_130 : vector<16xi1>, vector<16xi32>
      %swap3A_142 = arith.constant 16 : index
      %swap3A_143 = tpu.vector_load %arg12[%swap3A_142] {strides = array<i32>} : memref<96xf32, #tpu.memory_space<vmem>>, vector<16xf32>,
      %swap3A_144 = vector.shape_cast %swap3A_143 : vector<16xf32> to vector<16xf32>
      %swap3A_145 = vector.shape_cast %select_n3A_137 : vector<16xf32> to vector<16xf32>
      tpu.vector_store %arg12[%swap3A_142], %swap3A_145 {strides = array<i32>} : memref<96xf32, #tpu.memory_space<vmem>>, vector<16xf32>,
      %swap3A_146 = arith.constant 16 : index
      %swap3A_147 = tpu.vector_load %arg13[%swap3A_146] {strides = array<i32>} : memref<96xi32, #tpu.memory_space<vmem>>, vector<16xi32>,
      %swap3A_148 = vector.shape_cast %swap3A_147 : vector<16xi32> to vector<16xi32>
      %swap3A_149 = vector.shape_cast %select_n3A_141 : vector<16xi32> to vector<16xi32>
      tpu.vector_store %arg13[%swap3A_146], %swap3A_149 {strides = array<i32>} : memref<96xi32, #tpu.memory_space<vmem>>, vector<16xi32>,
      %add3A_150 = arith.constant 32 : i32
      %add3A_151 = vector.broadcast %add3A_150 : i32 to vector<16xi32>
      %add3A_152 = arith.addi %iota3A, %add3A_151 : vector<16xi32>
      %get3A_153 = arith.constant 32 : index
      %get3A_154 = tpu.vector_load %arg23[%get3A_153] {strides = array<i32>} : memref<128xf32, #tpu.memory_space<vmem>>, vector<16xf32>,
      %get3A_155 = vector.shape_cast %get3A_154 : vector<16xf32> to vector<16xf32>
      %get3A_156 = arith.constant 32 : index
      %get3A_157 = tpu.vector_load %arg24[%get3A_156] {strides = array<i32>} : memref<128xi32, #tpu.memory_space<vmem>>, vector<16xi32>,
      %get3A_158 = vector.shape_cast %get3A_157 : vector<16xi32> to vector<16xi32>
      %ge3A_159 = arith.constant 24 : i32
      %ge3A_160 = vector.broadcast %ge3A_159 : i32 to vector<16xi32>
      %ge3A_161 = arith.cmpi sge, %add3A_152, %ge3A_160 : vector<16xi32>
      %get3A_162 = arith.constant 40 : index
      %get3A_163 = tpu.vector_load %arg23[%get3A_162] {strides = array<i32>} : memref<128xf32, #tpu.memory_space<vmem>>, vector<16xf32>,
      %get3A_164 = vector.shape_cast %get3A_163 : vector<16xf32> to vector<16xf32>
      %select_n3A_165 = arith.select %ge3A_161, %get3A_164, %get3A_155 : vector<16xi1>, vector<16xf32>
      %get3A_166 = arith.constant 40 : index
      %get3A_167 = tpu.vector_load %arg24[%get3A_166] {strides = array<i32>} : memref<128xi32, #tpu.memory_space<vmem>>, vector<16xi32>,
      %get3A_168 = vector.shape_cast %get3A_167 : vector<16xi32> to vector<16xi32>
      %select_n3A_169 = arith.select %ge3A_161, %get3A_168, %get3A_158 : vector<16xi1>, vector<16xi32>
      %ge3A_170 = arith.constant 48 : i32
      %ge3A_171 = vector.broadcast %ge3A_170 : i32 to vector<16xi32>
      %ge3A_172 = arith.cmpi sge, %add3A_152, %ge3A_171 : vector<16xi32>
      %get3A_173 = arith.constant 48 : index
      %get3A_174 = tpu.vector_load %arg23[%get3A_173] {strides = array<i32>} : memref<128xf32, #tpu.memory_space<vmem>>, vector<16xf32>,
      %get3A_175 = vector.shape_cast %get3A_174 : vector<16xf32> to vector<16xf32>
      %select_n3A_176 = arith.select %ge3A_172, %get3A_175, %select_n3A_165 : vector<16xi1>, vector<16xf32>
      %get3A_177 = arith.constant 48 : index
      %get3A_178 = tpu.vector_load %arg24[%get3A_177] {strides = array<i32>} : memref<128xi32, #tpu.memory_space<vmem>>, vector<16xi32>,
      %get3A_179 = vector.shape_cast %get3A_178 : vector<16xi32> to vector<16xi32>
      %select_n3A_180 = arith.select %ge3A_172, %get3A_179, %select_n3A_169 : vector<16xi1>, vector<16xi32>
      %ge3A_181 = arith.constant 72 : i32
      %ge3A_182 = vector.broadcast %ge3A_181 : i32 to vector<16xi32>
      %ge3A_183 = arith.cmpi sge, %add3A_152, %ge3A_182 : vector<16xi32>
      %get3A_184 = arith.constant 56 : index
      %get3A_185 = tpu.vector_load %arg23[%get3A_184] {strides = array<i32>} : memref<128xf32, #tpu.memory_space<vmem>>, vector<16xf32>,
      %get3A_186 = vector.shape_cast %get3A_185 : vector<16xf32> to vector<16xf32>
      %select_n3A_187 = arith.select %ge3A_183, %get3A_186, %select_n3A_176 : vector<16xi1>, vector<16xf32>
      %get3A_188 = arith.constant 56 : index
      %get3A_189 = tpu.vector_load %arg24[%get3A_188] {strides = array<i32>} : memref<128xi32, #tpu.memory_space<vmem>>, vector<16xi32>,
      %get3A_190 = vector.shape_cast %get3A_189 : vector<16xi32> to vector<16xi32>
      %select_n3A_191 = arith.select %ge3A_183, %get3A_190, %select_n3A_180 : vector<16xi1>, vector<16xi32>
      %swap3A_192 = arith.constant 32 : index
      %swap3A_193 = tpu.vector_load %arg12[%swap3A_192] {strides = array<i32>} : memref<96xf32, #tpu.memory_space<vmem>>, vector<16xf32>,
      %swap3A_194 = vector.shape_cast %swap3A_193 : vector<16xf32> to vector<16xf32>
      %swap3A_195 = vector.shape_cast %select_n3A_187 : vector<16xf32> to vector<16xf32>
      tpu.vector_store %arg12[%swap3A_192], %swap3A_195 {strides = array<i32>} : memref<96xf32, #tpu.memory_space<vmem>>, vector<16xf32>,
      %swap3A_196 = arith.constant 32 : index
      %swap3A_197 = tpu.vector_load %arg13[%swap3A_196] {strides = array<i32>} : memref<96xi32, #tpu.memory_space<vmem>>, vector<16xi32>,
      %swap3A_198 = vector.shape_cast %swap3A_197 : vector<16xi32> to vector<16xi32>
      %swap3A_199 = vector.shape_cast %select_n3A_191 : vector<16xi32> to vector<16xi32>
      tpu.vector_store %arg13[%swap3A_196], %swap3A_199 {strides = array<i32>} : memref<96xi32, #tpu.memory_space<vmem>>, vector<16xi32>,
      %add3A_200 = arith.constant 48 : i32
      %add3A_201 = vector.broadcast %add3A_200 : i32 to vector<16xi32>
      %add3A_202 = arith.addi %iota3A, %add3A_201 : vector<16xi32>
      %get3A_203 = arith.constant 48 : index
      %get3A_204 = tpu.vector_load %arg23[%get3A_203] {strides = array<i32>} : memref<128xf32, #tpu.memory_space<vmem>>, vector<16xf32>,
      %get3A_205 = vector.shape_cast %get3A_204 : vector<16xf32> to vector<16xf32>
      %get3A_206 = arith.constant 48 : index
      %get3A_207 = tpu.vector_load %arg24[%get3A_206] {strides = array<i32>} : memref<128xi32, #tpu.memory_space<vmem>>, vector<16xi32>,
      %get3A_208 = vector.shape_cast %get3A_207 : vector<16xi32> to vector<16xi32>
      %ge3A_209 = arith.constant 24 : i32
      %ge3A_210 = vector.broadcast %ge3A_209 : i32 to vector<16xi32>
      %ge3A_211 = arith.cmpi sge, %add3A_202, %ge3A_210 : vector<16xi32>
      %get3A_212 = arith.constant 56 : index
      %get3A_213 = tpu.vector_load %arg23[%get3A_212] {strides = array<i32>} : memref<128xf32, #tpu.memory_space<vmem>>, vector<16xf32>,
      %get3A_214 = vector.shape_cast %get3A_213 : vector<16xf32> to vector<16xf32>
      %select_n3A_215 = arith.select %ge3A_211, %get3A_214, %get3A_205 : vector<16xi1>, vector<16xf32>
      %get3A_216 = arith.constant 56 : index
      %get3A_217 = tpu.vector_load %arg24[%get3A_216] {strides = array<i32>} : memref<128xi32, #tpu.memory_space<vmem>>, vector<16xi32>,
      %get3A_218 = vector.shape_cast %get3A_217 : vector<16xi32> to vector<16xi32>
      %select_n3A_219 = arith.select %ge3A_211, %get3A_218, %get3A_208 : vector<16xi1>, vector<16xi32>
      %ge3A_220 = arith.constant 48 : i32
      %ge3A_221 = vector.broadcast %ge3A_220 : i32 to vector<16xi32>
      %ge3A_222 = arith.cmpi sge, %add3A_202, %ge3A_221 : vector<16xi32>
      %get3A_223 = arith.constant 64 : index
      %get3A_224 = tpu.vector_load %arg23[%get3A_223] {strides = array<i32>} : memref<128xf32, #tpu.memory_space<vmem>>, vector<16xf32>,
      %get3A_225 = vector.shape_cast %get3A_224 : vector<16xf32> to vector<16xf32>
      %select_n3A_226 = arith.select %ge3A_222, %get3A_225, %select_n3A_215 : vector<16xi1>, vector<16xf32>
      %get3A_227 = arith.constant 64 : index
      %get3A_228 = tpu.vector_load %arg24[%get3A_227] {strides = array<i32>} : memref<128xi32, #tpu.memory_space<vmem>>, vector<16xi32>,
      %get3A_229 = vector.shape_cast %get3A_228 : vector<16xi32> to vector<16xi32>
      %select_n3A_230 = arith.select %ge3A_222, %get3A_229, %select_n3A_219 : vector<16xi1>, vector<16xi32>
      %ge3A_231 = arith.constant 72 : i32
      %ge3A_232 = vector.broadcast %ge3A_231 : i32 to vector<16xi32>
      %ge3A_233 = arith.cmpi sge, %add3A_202, %ge3A_232 : vector<16xi32>
      %get3A_234 = arith.constant 72 : index
      %get3A_235 = tpu.vector_load %arg23[%get3A_234] {strides = array<i32>} : memref<128xf32, #tpu.memory_space<vmem>>, vector<16xf32>,
      %get3A_236 = vector.shape_cast %get3A_235 : vector<16xf32> to vector<16xf32>
      %select_n3A_237 = arith.select %ge3A_233, %get3A_236, %select_n3A_226 : vector<16xi1>, vector<16xf32>
      %get3A_238 = arith.constant 72 : index
      %get3A_239 = tpu.vector_load %arg24[%get3A_238] {strides = array<i32>} : memref<128xi32, #tpu.memory_space<vmem>>, vector<16xi32>,
      %get3A_240 = vector.shape_cast %get3A_239 : vector<16xi32> to vector<16xi32>
      %select_n3A_241 = arith.select %ge3A_233, %get3A_240, %select_n3A_230 : vector<16xi1>, vector<16xi32>
      %swap3A_242 = arith.constant 48 : index
      %swap3A_243 = tpu.vector_load %arg12[%swap3A_242] {strides = array<i32>} : memref<96xf32, #tpu.memory_space<vmem>>, vector<16xf32>,
      %swap3A_244 = vector.shape_cast %swap3A_243 : vector<16xf32> to vector<16xf32>
      %swap3A_245 = vector.shape_cast %select_n3A_237 : vector<16xf32> to vector<16xf32>
      tpu.vector_store %arg12[%swap3A_242], %swap3A_245 {strides = array<i32>} : memref<96xf32, #tpu.memory_space<vmem>>, vector<16xf32>,
      %swap3A_246 = arith.constant 48 : index
      %swap3A_247 = tpu.vector_load %arg13[%swap3A_246] {strides = array<i32>} : memref<96xi32, #tpu.memory_space<vmem>>, vector<16xi32>,
      %swap3A_248 = vector.shape_cast %swap3A_247 : vector<16xi32> to vector<16xi32>
      %swap3A_249 = vector.shape_cast %select_n3A_241 : vector<16xi32> to vector<16xi32>
      tpu.vector_store %arg13[%swap3A_246], %swap3A_249 {strides = array<i32>} : memref<96xi32, #tpu.memory_space<vmem>>, vector<16xi32>,
      %add3A_250 = arith.constant 64 : i32
      %add3A_251 = vector.broadcast %add3A_250 : i32 to vector<16xi32>
      %add3A_252 = arith.addi %iota3A, %add3A_251 : vector<16xi32>
      %get3A_253 = arith.constant 64 : index
      %get3A_254 = tpu.vector_load %arg23[%get3A_253] {strides = array<i32>} : memref<128xf32, #tpu.memory_space<vmem>>, vector<16xf32>,
      %get3A_255 = vector.shape_cast %get3A_254 : vector<16xf32> to vector<16xf32>
      %get3A_256 = arith.constant 64 : index
      %get3A_257 = tpu.vector_load %arg24[%get3A_256] {strides = array<i32>} : memref<128xi32, #tpu.memory_space<vmem>>, vector<16xi32>,
      %get3A_258 = vector.shape_cast %get3A_257 : vector<16xi32> to vector<16xi32>
      %ge3A_259 = arith.constant 24 : i32
      %ge3A_260 = vector.broadcast %ge3A_259 : i32 to vector<16xi32>
      %ge3A_261 = arith.cmpi sge, %add3A_252, %ge3A_260 : vector<16xi32>
      %get3A_262 = arith.constant 72 : index
      %get3A_263 = tpu.vector_load %arg23[%get3A_262] {strides = array<i32>} : memref<128xf32, #tpu.memory_space<vmem>>, vector<16xf32>,
      %get3A_264 = vector.shape_cast %get3A_263 : vector<16xf32> to vector<16xf32>
      %select_n3A_265 = arith.select %ge3A_261, %get3A_264, %get3A_255 : vector<16xi1>, vector<16xf32>
      %get3A_266 = arith.constant 72 : index
      %get3A_267 = tpu.vector_load %arg24[%get3A_266] {strides = array<i32>} : memref<128xi32, #tpu.memory_space<vmem>>, vector<16xi32>,
      %get3A_268 = vector.shape_cast %get3A_267 : vector<16xi32> to vector<16xi32>
      %select_n3A_269 = arith.select %ge3A_261, %get3A_268, %get3A_258 : vector<16xi1>, vector<16xi32>
      %ge3A_270 = arith.constant 48 : i32
      %ge3A_271 = vector.broadcast %ge3A_270 : i32 to vector<16xi32>
      %ge3A_272 = arith.cmpi sge, %add3A_252, %ge3A_271 : vector<16xi32>
      %get3A_273 = arith.constant 80 : index
      %get3A_274 = tpu.vector_load %arg23[%get3A_273] {strides = array<i32>} : memref<128xf32, #tpu.memory_space<vmem>>, vector<16xf32>,
      %get3A_275 = vector.shape_cast %get3A_274 : vector<16xf32> to vector<16xf32>
      %select_n3A_276 = arith.select %ge3A_272, %get3A_275, %select_n3A_265 : vector<16xi1>, vector<16xf32>
      %get3A_277 = arith.constant 80 : index
      %get3A_278 = tpu.vector_load %arg24[%get3A_277] {strides = array<i32>} : memref<128xi32, #tpu.memory_space<vmem>>, vector<16xi32>,
      %get3A_279 = vector.shape_cast %get3A_278 : vector<16xi32> to vector<16xi32>
      %select_n3A_280 = arith.select %ge3A_272, %get3A_279, %select_n3A_269 : vector<16xi1>, vector<16xi32>
      %ge3A_281 = arith.constant 72 : i32
      %ge3A_282 = vector.broadcast %ge3A_281 : i32 to vector<16xi32>
      %ge3A_283 = arith.cmpi sge, %add3A_252, %ge3A_282 : vector<16xi32>
      %get3A_284 = arith.constant 88 : index
      %get3A_285 = tpu.vector_load %arg23[%get3A_284] {strides = array<i32>} : memref<128xf32, #tpu.memory_space<vmem>>, vector<16xf32>,
      %get3A_286 = vector.shape_cast %get3A_285 : vector<16xf32> to vector<16xf32>
      %select_n3A_287 = arith.select %ge3A_283, %get3A_286, %select_n3A_276 : vector<16xi1>, vector<16xf32>
      %get3A_288 = arith.constant 88 : index
      %get3A_289 = tpu.vector_load %arg24[%get3A_288] {strides = array<i32>} : memref<128xi32, #tpu.memory_space<vmem>>, vector<16xi32>,
      %get3A_290 = vector.shape_cast %get3A_289 : vector<16xi32> to vector<16xi32>
      %select_n3A_291 = arith.select %ge3A_283, %get3A_290, %select_n3A_280 : vector<16xi1>, vector<16xi32>
      %swap3A_292 = arith.constant 64 : index
      %swap3A_293 = tpu.vector_load %arg12[%swap3A_292] {strides = array<i32>} : memref<96xf32, #tpu.memory_space<vmem>>, vector<16xf32>,
      %swap3A_294 = vector.shape_cast %swap3A_293 : vector<16xf32> to vector<16xf32>
      %swap3A_295 = vector.shape_cast %select_n3A_287 : vector<16xf32> to vector<16xf32>
      tpu.vector_store %arg12[%swap3A_292], %swap3A_295 {strides = array<i32>} : memref<96xf32, #tpu.memory_space<vmem>>, vector<16xf32>,
      %swap3A_296 = arith.constant 64 : index
      %swap3A_297 = tpu.vector_load %arg13[%swap3A_296] {strides = array<i32>} : memref<96xi32, #tpu.memory_space<vmem>>, vector<16xi32>,
      %swap3A_298 = vector.shape_cast %swap3A_297 : vector<16xi32> to vector<16xi32>
      %swap3A_299 = vector.shape_cast %select_n3A_291 : vector<16xi32> to vector<16xi32>
      tpu.vector_store %arg13[%swap3A_296], %swap3A_299 {strides = array<i32>} : memref<96xi32, #tpu.memory_space<vmem>>, vector<16xi32>,
      %add3A_300 = arith.constant 80 : i32
      %add3A_301 = vector.broadcast %add3A_300 : i32 to vector<16xi32>
      %add3A_302 = arith.addi %iota3A, %add3A_301 : vector<16xi32>
      %get3A_303 = arith.constant 80 : index
      %get3A_304 = tpu.vector_load %arg23[%get3A_303] {strides = array<i32>} : memref<128xf32, #tpu.memory_space<vmem>>, vector<16xf32>,
      %get3A_305 = vector.shape_cast %get3A_304 : vector<16xf32> to vector<16xf32>
      %get3A_306 = arith.constant 80 : index
      %get3A_307 = tpu.vector_load %arg24[%get3A_306] {strides = array<i32>} : memref<128xi32, #tpu.memory_space<vmem>>, vector<16xi32>,
      %get3A_308 = vector.shape_cast %get3A_307 : vector<16xi32> to vector<16xi32>
      %ge3A_309 = arith.constant 24 : i32
      %ge3A_310 = vector.broadcast %ge3A_309 : i32 to vector<16xi32>
      %ge3A_311 = arith.cmpi sge, %add3A_302, %ge3A_310 : vector<16xi32>
      %get3A_312 = arith.constant 88 : index
      %get3A_313 = tpu.vector_load %arg23[%get3A_312] {strides = array<i32>} : memref<128xf32, #tpu.memory_space<vmem>>, vector<16xf32>,
      %get3A_314 = vector.shape_cast %get3A_313 : vector<16xf32> to vector<16xf32>
      %select_n3A_315 = arith.select %ge3A_311, %get3A_314, %get3A_305 : vector<16xi1>, vector<16xf32>
      %get3A_316 = arith.constant 88 : index
      %get3A_317 = tpu.vector_load %arg24[%get3A_316] {strides = array<i32>} : memref<128xi32, #tpu.memory_space<vmem>>, vector<16xi32>,
      %get3A_318 = vector.shape_cast %get3A_317 : vector<16xi32> to vector<16xi32>
      %select_n3A_319 = arith.select %ge3A_311, %get3A_318, %get3A_308 : vector<16xi1>, vector<16xi32>
      %ge3A_320 = arith.constant 48 : i32
      %ge3A_321 = vector.broadcast %ge3A_320 : i32 to vector<16xi32>
      %ge3A_322 = arith.cmpi sge, %add3A_302, %ge3A_321 : vector<16xi32>
      %get3A_323 = arith.constant 96 : index
      %get3A_324 = tpu.vector_load %arg23[%get3A_323] {strides = array<i32>} : memref<128xf32, #tpu.memory_space<vmem>>, vector<16xf32>,
      %get3A_325 = vector.shape_cast %get3A_324 : vector<16xf32> to vector<16xf32>
      %select_n3A_326 = arith.select %ge3A_322, %get3A_325, %select_n3A_315 : vector<16xi1>, vector<16xf32>
      %get3A_327 = arith.constant 96 : index
      %get3A_328 = tpu.vector_load %arg24[%get3A_327] {strides = array<i32>} : memref<128xi32, #tpu.memory_space<vmem>>, vector<16xi32>,
      %get3A_329 = vector.shape_cast %get3A_328 : vector<16xi32> to vector<16xi32>
      %select_n3A_330 = arith.select %ge3A_322, %get3A_329, %select_n3A_319 : vector<16xi1>, vector<16xi32>
      %ge3A_331 = arith.constant 72 : i32
      %ge3A_332 = vector.broadcast %ge3A_331 : i32 to vector<16xi32>
      %ge3A_333 = arith.cmpi sge, %add3A_302, %ge3A_332 : vector<16xi32>
      %get3A_334 = arith.constant 104 : index
      %get3A_335 = tpu.vector_load %arg23[%get3A_334] {strides = array<i32>} : memref<128xf32, #tpu.memory_space<vmem>>, vector<16xf32>,
      %get3A_336 = vector.shape_cast %get3A_335 : vector<16xf32> to vector<16xf32>
      %select_n3A_337 = arith.select %ge3A_333, %get3A_336, %select_n3A_326 : vector<16xi1>, vector<16xf32>
      %get3A_338 = arith.constant 104 : index
      %get3A_339 = tpu.vector_load %arg24[%get3A_338] {strides = array<i32>} : memref<128xi32, #tpu.memory_space<vmem>>, vector<16xi32>,
      %get3A_340 = vector.shape_cast %get3A_339 : vector<16xi32> to vector<16xi32>
      %select_n3A_341 = arith.select %ge3A_333, %get3A_340, %select_n3A_330 : vector<16xi1>, vector<16xi32>
      %swap3A_342 = arith.constant 80 : index
      %swap3A_343 = tpu.vector_load %arg12[%swap3A_342] {strides = array<i32>} : memref<96xf32, #tpu.memory_space<vmem>>, vector<16xf32>,
      %swap3A_344 = vector.shape_cast %swap3A_343 : vector<16xf32> to vector<16xf32>
      %swap3A_345 = vector.shape_cast %select_n3A_337 : vector<16xf32> to vector<16xf32>
      tpu.vector_store %arg12[%swap3A_342], %swap3A_345 {strides = array<i32>} : memref<96xf32, #tpu.memory_space<vmem>>, vector<16xf32>,
      %swap3A_346 = arith.constant 80 : index
      %swap3A_347 = tpu.vector_load %arg13[%swap3A_346] {strides = array<i32>} : memref<96xi32, #tpu.memory_space<vmem>>, vector<16xi32>,
      %swap3A_348 = vector.shape_cast %swap3A_347 : vector<16xi32> to vector<16xi32>
      %swap3A_349 = vector.shape_cast %select_n3A_341 : vector<16xi32> to vector<16xi32>
      tpu.vector_store %arg13[%swap3A_346], %swap3A_349 {strides = array<i32>} : memref<96xi32, #tpu.memory_space<vmem>>, vector<16xi32>,
      %parallel_loop3A = arith.constant 0 : i32
      %parallel_loop3A_350 = arith.constant 64 : i32
      %parallel_loop3A_351 = arith.constant 1 : i32
      scf.for %parallel_loop3A_372 = %parallel_loop3A to %parallel_loop3A_350 step %parallel_loop3A_351  : i32 {
        %parallel_loop3A_373 = arith.constant 16 : i32
        %parallel_loop3A_374 = arith.muli %parallel_loop3A_372, %parallel_loop3A_373 : i32
        %parallel_loop3A_375 = arith.index_cast %parallel_loop3A_374 : i32 to index
        %parallel_loop3A_376 = tpu.vector_load %arg11[%parallel_loop3A_375] {strides = array<i32>} : memref<4096xf32, #tpu.memory_space<vmem>>, vector<16xf32>,
        %parallel_loop3A_377 = vector.shape_cast %parallel_loop3A_376 : vector<16xf32> to vector<16xf32>
        %parallel_loop3A_378 = arith.constant 1024 : i32
        %parallel_loop3A_379 = arith.addi %parallel_loop3A_378, %parallel_loop3A_374 : i32
        %parallel_loop3A_380 = arith.index_cast %parallel_loop3A_379 : i32 to index
        %parallel_loop3A_381 = tpu.vector_load %arg11[%parallel_loop3A_380] {strides = array<i32>} : memref<4096xf32, #tpu.memory_space<vmem>>, vector<16xf32>,
        %parallel_loop3A_382 = vector.shape_cast %parallel_loop3A_381 : vector<16xf32> to vector<16xf32>
        %parallel_loop3A_383 = arith.constant 2048 : i32
        %parallel_loop3A_384 = arith.addi %parallel_loop3A_383, %parallel_loop3A_374 : i32
        %parallel_loop3A_385 = arith.index_cast %parallel_loop3A_384 : i32 to index
        %parallel_loop3A_386 = tpu.vector_load %arg11[%parallel_loop3A_385] {strides = array<i32>} : memref<4096xf32, #tpu.memory_space<vmem>>, vector<16xf32>,
        %parallel_loop3A_387 = vector.shape_cast %parallel_loop3A_386 : vector<16xf32> to vector<16xf32>
        %parallel_loop3A_388 = arith.constant 3072 : i32
        %parallel_loop3A_389 = arith.addi %parallel_loop3A_388, %parallel_loop3A_374 : i32
        %parallel_loop3A_390 = arith.index_cast %parallel_loop3A_389 : i32 to index
        %parallel_loop3A_391 = tpu.vector_load %arg11[%parallel_loop3A_390] {strides = array<i32>} : memref<4096xf32, #tpu.memory_space<vmem>>, vector<16xf32>,
        %parallel_loop3A_392 = vector.shape_cast %parallel_loop3A_391 : vector<16xf32> to vector<16xf32>
        %parallel_loop3A_393 = arith.constant 5.000000e-01 : f32
        %parallel_loop3A_394 = vector.broadcast %parallel_loop3A_393 : f32 to vector<16xf32>
        %parallel_loop3A_395 = arith.mulf %parallel_loop3A_394, %parallel_loop3A_387 : vector<16xf32>
        %parallel_loop3A_396 = arith.subf %parallel_loop3A_377, %parallel_loop3A_395 : vector<16xf32>
        %parallel_loop3A_397 = arith.constant 5.000000e-01 : f32
        %parallel_loop3A_398 = vector.broadcast %parallel_loop3A_397 : f32 to vector<16xf32>
        %parallel_loop3A_399 = arith.mulf %parallel_loop3A_398, %parallel_loop3A_392 : vector<16xf32>
        %parallel_loop3A_400 = arith.subf %parallel_loop3A_382, %parallel_loop3A_399 : vector<16xf32>
        %parallel_loop3A_401 = arith.constant 5.000000e-01 : f32
        %parallel_loop3A_402 = vector.broadcast %parallel_loop3A_401 : f32 to vector<16xf32>
        %parallel_loop3A_403 = arith.mulf %parallel_loop3A_402, %parallel_loop3A_387 : vector<16xf32>
        %parallel_loop3A_404 = arith.addf %parallel_loop3A_377, %parallel_loop3A_403 : vector<16xf32>
        %parallel_loop3A_405 = arith.constant 5.000000e-01 : f32
        %parallel_loop3A_406 = vector.broadcast %parallel_loop3A_405 : f32 to vector<16xf32>
        %parallel_loop3A_407 = arith.mulf %parallel_loop3A_406, %parallel_loop3A_392 : vector<16xf32>
        %parallel_loop3A_408 = arith.addf %parallel_loop3A_382, %parallel_loop3A_407 : vector<16xf32>
        %parallel_loop3A_409 = arith.index_cast %parallel_loop3A_374 : i32 to index
        %parallel_loop3A_410 = tpu.vector_load %arg10[%parallel_loop3A_409] {strides = array<i32>} : memref<4112xf32, #tpu.memory_space<vmem>>, vector<16xf32>,
        %parallel_loop3A_411 = vector.shape_cast %parallel_loop3A_410 : vector<16xf32> to vector<16xf32>
        %parallel_loop3A_412 = vector.shape_cast %parallel_loop3A_396 : vector<16xf32> to vector<16xf32>
        tpu.vector_store %arg10[%parallel_loop3A_409], %parallel_loop3A_412 {strides = array<i32>} : memref<4112xf32, #tpu.memory_space<vmem>>, vector<16xf32>,
        %parallel_loop3A_413 = arith.constant 1024 : i32
        %parallel_loop3A_414 = arith.addi %parallel_loop3A_413, %parallel_loop3A_374 : i32
        %parallel_loop3A_415 = arith.index_cast %parallel_loop3A_414 : i32 to index
        %parallel_loop3A_416 = tpu.vector_load %arg10[%parallel_loop3A_415] {strides = array<i32>} : memref<4112xf32, #tpu.memory_space<vmem>>, vector<16xf32>,
        %parallel_loop3A_417 = vector.shape_cast %parallel_loop3A_416 : vector<16xf32> to vector<16xf32>
        %parallel_loop3A_418 = vector.shape_cast %parallel_loop3A_400 : vector<16xf32> to vector<16xf32>
        tpu.vector_store %arg10[%parallel_loop3A_415], %parallel_loop3A_418 {strides = array<i32>} : memref<4112xf32, #tpu.memory_space<vmem>>, vector<16xf32>,
        %parallel_loop3A_419 = arith.constant 2048 : i32
        %parallel_loop3A_420 = arith.addi %parallel_loop3A_419, %parallel_loop3A_374 : i32
        %parallel_loop3A_421 = arith.index_cast %parallel_loop3A_420 : i32 to index
        %parallel_loop3A_422 = tpu.vector_load %arg10[%parallel_loop3A_421] {strides = array<i32>} : memref<4112xf32, #tpu.memory_space<vmem>>, vector<16xf32>,
        %parallel_loop3A_423 = vector.shape_cast %parallel_loop3A_422 : vector<16xf32> to vector<16xf32>
        %parallel_loop3A_424 = vector.shape_cast %parallel_loop3A_404 : vector<16xf32> to vector<16xf32>
        tpu.vector_store %arg10[%parallel_loop3A_421], %parallel_loop3A_424 {strides = array<i32>} : memref<4112xf32, #tpu.memory_space<vmem>>, vector<16xf32>,
        %parallel_loop3A_425 = arith.constant 3072 : i32
        %parallel_loop3A_426 = arith.addi %parallel_loop3A_425, %parallel_loop3A_374 : i32
        %parallel_loop3A_427 = arith.index_cast %parallel_loop3A_426 : i32 to index
        %parallel_loop3A_428 = tpu.vector_load %arg10[%parallel_loop3A_427] {strides = array<i32>} : memref<4112xf32, #tpu.memory_space<vmem>>, vector<16xf32>,
        %parallel_loop3A_429 = vector.shape_cast %parallel_loop3A_428 : vector<16xf32> to vector<16xf32>
        %parallel_loop3A_430 = vector.shape_cast %parallel_loop3A_408 : vector<16xf32> to vector<16xf32>
        tpu.vector_store %arg10[%parallel_loop3A_427], %parallel_loop3A_430 {strides = array<i32>} : memref<4112xf32, #tpu.memory_space<vmem>>, vector<16xf32>,
      } {sc.loop_unroll_factor = 4 : i64, sc.parallel_access}
      %parallel_loop3A_352 = arith.constant 0 : i32
      %parallel_loop3A_353 = arith.constant 8 : i32
      %parallel_loop3A_354 = arith.constant 1 : i32
      scf.for %parallel_loop3A_372 = %parallel_loop3A_352 to %parallel_loop3A_353 step %parallel_loop3A_354  : i32 {
        %parallel_loop3A_373 = arith.constant 16 : i32
        %parallel_loop3A_374 = arith.muli %parallel_loop3A_372, %parallel_loop3A_373 : i32
        %parallel_loop3A_375 = arith.constant 0.000000e+00 : f32
        %parallel_loop3A_376 = vector.broadcast %parallel_loop3A_375 : f32 to vector<16xf32>
        %parallel_loop3A_377 = arith.index_cast %parallel_loop3A_374 : i32 to index
        %parallel_loop3A_378 = tpu.vector_load %arg14[%parallel_loop3A_377] {strides = array<i32>} : memref<128xf32, #tpu.memory_space<vmem>>, vector<16xf32>,
        %parallel_loop3A_379 = vector.shape_cast %parallel_loop3A_378 : vector<16xf32> to vector<16xf32>
        %parallel_loop3A_380 = vector.shape_cast %parallel_loop3A_376 : vector<16xf32> to vector<16xf32>
        tpu.vector_store %arg14[%parallel_loop3A_377], %parallel_loop3A_380 {strides = array<i32>} : memref<128xf32, #tpu.memory_space<vmem>>, vector<16xf32>,
        %parallel_loop3A_381 = arith.index_cast %parallel_loop3A_374 : i32 to index
        %parallel_loop3A_382 = tpu.vector_load %arg15[%parallel_loop3A_381] {strides = array<i32>} : memref<128xi32, #tpu.memory_space<vmem>>, vector<16xi32>,
        %parallel_loop3A_383 = vector.shape_cast %parallel_loop3A_382 : vector<16xi32> to vector<16xi32>
        %parallel_loop3A_384 = vector.shape_cast %broadcast_in_dim3A_26 : vector<16xi32> to vector<16xi32>
        tpu.vector_store %arg15[%parallel_loop3A_381], %parallel_loop3A_384 {strides = array<i32>} : memref<128xi32, #tpu.memory_space<vmem>>, vector<16xi32>,
        %parallel_loop3A_385 = arith.index_cast %parallel_loop3A_374 : i32 to index
        %parallel_loop3A_386 = tpu.vector_load %arg17[%parallel_loop3A_385] {strides = array<i32>} : memref<128xi32, #tpu.memory_space<vmem>>, vector<16xi32>,
        %parallel_loop3A_387 = vector.shape_cast %parallel_loop3A_386 : vector<16xi32> to vector<16xi32>
        %parallel_loop3A_388 = vector.shape_cast %broadcast_in_dim3A_26 : vector<16xi32> to vector<16xi32>
        tpu.vector_store %arg17[%parallel_loop3A_385], %parallel_loop3A_388 {strides = array<i32>} : memref<128xi32, #tpu.memory_space<vmem>>, vector<16xi32>,
      } {sc.loop_unroll_factor = 1 : i64, sc.parallel_access}
      %parallel_loop3A_355 = arith.constant 0 : i32
      %parallel_loop3A_356 = arith.constant 32 : i32
      %parallel_loop3A_357 = arith.constant 1 : i32
      scf.for %parallel_loop3A_372 = %parallel_loop3A_355 to %parallel_loop3A_356 step %parallel_loop3A_357  : i32 {
        %parallel_loop3A_373 = arith.constant 0.000000e+00 : f32
        %parallel_loop3A_374 = vector.broadcast %parallel_loop3A_373 : f32 to vector<16xf32>
        %parallel_loop3A_375 = arith.constant 16 : i32
        %parallel_loop3A_376 = arith.muli %parallel_loop3A_372, %parallel_loop3A_375 : i32
        %parallel_loop3A_377 = arith.index_cast %parallel_loop3A_376 : i32 to index
        %parallel_loop3A_378 = tpu.vector_load %arg16[%parallel_loop3A_377] {strides = array<i32>} : memref<512xf32, #tpu.memory_space<vmem>>, vector<16xf32>,
        %parallel_loop3A_379 = vector.shape_cast %parallel_loop3A_378 : vector<16xf32> to vector<16xf32>
        %parallel_loop3A_380 = vector.shape_cast %parallel_loop3A_374 : vector<16xf32> to vector<16xf32>
        tpu.vector_store %arg16[%parallel_loop3A_377], %parallel_loop3A_380 {strides = array<i32>} : memref<512xf32, #tpu.memory_space<vmem>>, vector<16xf32>,
      } {sc.loop_unroll_factor = 1 : i64, sc.parallel_access}
      %get3A_358 = arith.constant 0 : index
      %get3A_359 = tpu.vector_load %arg18[%get3A_358] {strides = array<i32>} : memref<16xi32, #tpu.memory_space<vmem>>, vector<16xi32>,
      %get3A_360 = vector.shape_cast %get3A_359 : vector<16xi32> to vector<16xi32>
      %slice3A = vector.extract_strided_slice %get3A_360 {offsets = [0], sizes = [1], strides = [1]} : vector<16xi32> to vector<1xi32>
      %squeeze3A = vector.extract %slice3A[0] : i32 from vector<1xi32>
      %convert_element_type3A_361 = arith.sitofp %squeeze3A : i32 to f32
      %slice3A_362 = vector.extract_strided_slice %get3A_360 {offsets = [1], sizes = [1], strides = [1]} : vector<16xi32> to vector<1xi32>
      %squeeze3A_363 = vector.extract %slice3A_362[0] : i32 from vector<1xi32>
      %convert_element_type3A_364 = arith.sitofp %squeeze3A_363 : i32 to f32
      %scan3A_365 = arith.constant 0 : i32
      %scan3A_366 = arith.constant 0 : i32
      %scan3A_367 = arith.constant 100 : i32
      %scan3A_368 = arith.addi %scan3A_366, %scan3A_367 : i32
      %scan3A_369 = arith.constant 1 : i32
      %scan3A_370 = scf.for %scan3A_372 = %scan3A_366 to %scan3A_368 step %scan3A_369 iter_args(%scan3A_373 = %scan3A_365) -> (i32)  : i32 {
        %parallel_loop3A_374 = arith.constant 0 : i32
        %parallel_loop3A_375 = arith.constant 6 : i32
        %parallel_loop3A_376 = arith.constant 1 : i32
        %parallel_loop3A_377:2 = scf.for %parallel_loop3A_504 = %parallel_loop3A_374 to %parallel_loop3A_375 step %parallel_loop3A_376 iter_args(%parallel_loop3A_505 = %broadcast_in_dim3A_24, %parallel_loop3A_506 = %broadcast_in_dim3A_28) -> (vector<16xf32>, vector<16xi32>)  : i32 {
          %parallel_loop3A_507 = arith.constant 16 : i32
          %parallel_loop3A_508 = arith.muli %parallel_loop3A_504, %parallel_loop3A_507 : i32
          %parallel_loop3A_509 = arith.index_cast %parallel_loop3A_508 : i32 to index
          %parallel_loop3A_510 = tpu.vector_load %arg12[%parallel_loop3A_509] {strides = array<i32>} : memref<96xf32, #tpu.memory_space<vmem>>, vector<16xf32>,
          %parallel_loop3A_511 = vector.shape_cast %parallel_loop3A_510 : vector<16xf32> to vector<16xf32>
          %parallel_loop3A_512 = arith.constant 16 : i32
          %parallel_loop3A_513 = arith.muli %parallel_loop3A_504, %parallel_loop3A_512 : i32
          %parallel_loop3A_514 = arith.index_cast %parallel_loop3A_513 : i32 to index
          %parallel_loop3A_515 = tpu.vector_load %arg13[%parallel_loop3A_514] {strides = array<i32>} : memref<96xi32, #tpu.memory_space<vmem>>, vector<16xi32>,
          %parallel_loop3A_516 = vector.shape_cast %parallel_loop3A_515 : vector<16xi32> to vector<16xi32>
          %parallel_loop3A_517 = arith.constant 128 : i32
          %parallel_loop3A_518 = vector.broadcast %parallel_loop3A_517 : i32 to vector<16xi32>
          %parallel_loop3A_519 = arith.muli %parallel_loop3A_516, %parallel_loop3A_518 : vector<16xi32>
          %parallel_loop3A_520 = arith.constant 16 : i32
          %parallel_loop3A_521 = arith.muli %parallel_loop3A_504, %parallel_loop3A_520 : i32
          %parallel_loop3A_522 = vector.broadcast %parallel_loop3A_521 : i32 to vector<16xi32>
          %parallel_loop3A_523 = arith.addi %iota3A, %parallel_loop3A_522 : vector<16xi32>
          %parallel_loop3A_524 = arith.addi %parallel_loop3A_519, %parallel_loop3A_523 : vector<16xi32>
          %parallel_loop3A_525 = arith.cmpf ogt, %parallel_loop3A_511, %parallel_loop3A_505 : vector<16xf32>
          %parallel_loop3A_526 = arith.cmpf oeq, %parallel_loop3A_511, %parallel_loop3A_505 : vector<16xf32>
          %parallel_loop3A_527 = arith.minsi %parallel_loop3A_506, %parallel_loop3A_524 : vector<16xi32>
          %parallel_loop3A_528 = arith.select %parallel_loop3A_526, %parallel_loop3A_527, %parallel_loop3A_506 : vector<16xi1>, vector<16xi32>
          %parallel_loop3A_529 = arith.select %parallel_loop3A_525, %parallel_loop3A_524, %parallel_loop3A_528 : vector<16xi1>, vector<16xi32>
          %parallel_loop3A_530 = arith.maximumf %parallel_loop3A_511, %parallel_loop3A_505 : vector<16xf32>
          scf.yield %parallel_loop3A_530, %parallel_loop3A_529 : vector<16xf32>, vector<16xi32>
        } {sc.loop_unroll_factor = 1 : i64, sc.parallel_access}
        %swap3A_378 = arith.constant 0 : index
        %swap3A_379 = tpu.vector_load %arg19[%swap3A_378] {strides = array<i32>} : memref<32xf32, #tpu.memory_space<vmem>>, vector<16xf32>,
        %swap3A_380 = vector.shape_cast %swap3A_379 : vector<16xf32> to vector<16xf32>
        %swap3A_381 = vector.shape_cast %parallel_loop3A_377#0 : vector<16xf32> to vector<16xf32>
        tpu.vector_store %arg19[%swap3A_378], %swap3A_381 {strides = array<i32>} : memref<32xf32, #tpu.memory_space<vmem>>, vector<16xf32>,
        %swap3A_382 = arith.constant 0 : index
        %swap3A_383 = tpu.vector_load %arg20[%swap3A_382] {strides = array<i32>} : memref<32xi32, #tpu.memory_space<vmem>>, vector<16xi32>,
        %swap3A_384 = vector.shape_cast %swap3A_383 : vector<16xi32> to vector<16xi32>
        %swap3A_385 = vector.shape_cast %parallel_loop3A_377#1 : vector<16xi32> to vector<16xi32>
        tpu.vector_store %arg20[%swap3A_382], %swap3A_385 {strides = array<i32>} : memref<32xi32, #tpu.memory_space<vmem>>, vector<16xi32>,
        %get3A_386 = arith.constant 0 : index
        %get3A_387 = tpu.vector_load %arg19[%get3A_386] {strides = array<i32>} : memref<32xf32, #tpu.memory_space<vmem>>, vector<16xf32>,
        %get3A_388 = vector.shape_cast %get3A_387 : vector<16xf32> to vector<16xf32>
        %get3A_389 = arith.constant 8 : index
        %get3A_390 = tpu.vector_load %arg19[%get3A_389] {strides = array<i32>} : memref<32xf32, #tpu.memory_space<vmem>>, vector<16xf32>,
        %get3A_391 = vector.shape_cast %get3A_390 : vector<16xf32> to vector<16xf32>
        %get3A_392 = arith.constant 0 : index
        %get3A_393 = tpu.vector_load %arg20[%get3A_392] {strides = array<i32>} : memref<32xi32, #tpu.memory_space<vmem>>, vector<16xi32>,
        %get3A_394 = vector.shape_cast %get3A_393 : vector<16xi32> to vector<16xi32>
        %get3A_395 = arith.constant 8 : index
        %get3A_396 = tpu.vector_load %arg20[%get3A_395] {strides = array<i32>} : memref<32xi32, #tpu.memory_space<vmem>>, vector<16xi32>,
        %get3A_397 = vector.shape_cast %get3A_396 : vector<16xi32> to vector<16xi32>
        %gt3A_398 = arith.cmpf ogt, %get3A_388, %get3A_391 : vector<16xf32>
        %eq3A_399 = arith.cmpf oeq, %get3A_388, %get3A_391 : vector<16xf32>
        %max3A = arith.maximumf %get3A_388, %get3A_391 : vector<16xf32>
        %swap3A_400 = arith.constant 0 : index
        %swap3A_401 = tpu.vector_load %arg19[%swap3A_400] {strides = array<i32>} : memref<32xf32, #tpu.memory_space<vmem>>, vector<16xf32>,
        %swap3A_402 = vector.shape_cast %swap3A_401 : vector<16xf32> to vector<16xf32>
        %swap3A_403 = vector.shape_cast %max3A : vector<16xf32> to vector<16xf32>
        tpu.vector_store %arg19[%swap3A_400], %swap3A_403 {strides = array<i32>} : memref<32xf32, #tpu.memory_space<vmem>>, vector<16xf32>,
        %min3A = arith.minsi %get3A_394, %get3A_397 : vector<16xi32>
        %select_n3A_404 = arith.select %eq3A_399, %min3A, %get3A_397 : vector<16xi1>, vector<16xi32>
        %select_n3A_405 = arith.select %gt3A_398, %get3A_394, %select_n3A_404 : vector<16xi1>, vector<16xi32>
        %swap3A_406 = arith.constant 0 : index
        %swap3A_407 = tpu.vector_load %arg20[%swap3A_406] {strides = array<i32>} : memref<32xi32, #tpu.memory_space<vmem>>, vector<16xi32>,
        %swap3A_408 = vector.shape_cast %swap3A_407 : vector<16xi32> to vector<16xi32>
        %swap3A_409 = vector.shape_cast %select_n3A_405 : vector<16xi32> to vector<16xi32>
        tpu.vector_store %arg20[%swap3A_406], %swap3A_409 {strides = array<i32>} : memref<32xi32, #tpu.memory_space<vmem>>, vector<16xi32>,
        %get3A_410 = arith.constant 0 : index
        %get3A_411 = tpu.vector_load %arg19[%get3A_410] {strides = array<i32>} : memref<32xf32, #tpu.memory_space<vmem>>, vector<16xf32>,
        %get3A_412 = vector.shape_cast %get3A_411 : vector<16xf32> to vector<16xf32>
        %get3A_413 = arith.constant 4 : index
        %get3A_414 = tpu.vector_load %arg19[%get3A_413] {strides = array<i32>} : memref<32xf32, #tpu.memory_space<vmem>>, vector<16xf32>,
        %get3A_415 = vector.shape_cast %get3A_414 : vector<16xf32> to vector<16xf32>
        %get3A_416 = arith.constant 0 : index
        %get3A_417 = tpu.vector_load %arg20[%get3A_416] {strides = array<i32>} : memref<32xi32, #tpu.memory_space<vmem>>, vector<16xi32>,
        %get3A_418 = vector.shape_cast %get3A_417 : vector<16xi32> to vector<16xi32>
        %get3A_419 = arith.constant 4 : index
        %get3A_420 = tpu.vector_load %arg20[%get3A_419] {strides = array<i32>} : memref<32xi32, #tpu.memory_space<vmem>>, vector<16xi32>,
        %get3A_421 = vector.shape_cast %get3A_420 : vector<16xi32> to vector<16xi32>
        %gt3A_422 = arith.cmpf ogt, %get3A_412, %get3A_415 : vector<16xf32>
        %eq3A_423 = arith.cmpf oeq, %get3A_412, %get3A_415 : vector<16xf32>
        %max3A_424 = arith.maximumf %get3A_412, %get3A_415 : vector<16xf32>
        %swap3A_425 = arith.constant 0 : index
        %swap3A_426 = tpu.vector_load %arg19[%swap3A_425] {strides = array<i32>} : memref<32xf32, #tpu.memory_space<vmem>>, vector<16xf32>,
        %swap3A_427 = vector.shape_cast %swap3A_426 : vector<16xf32> to vector<16xf32>
        %swap3A_428 = vector.shape_cast %max3A_424 : vector<16xf32> to vector<16xf32>
        tpu.vector_store %arg19[%swap3A_425], %swap3A_428 {strides = array<i32>} : memref<32xf32, #tpu.memory_space<vmem>>, vector<16xf32>,
        %min3A_429 = arith.minsi %get3A_418, %get3A_421 : vector<16xi32>
        %select_n3A_430 = arith.select %eq3A_423, %min3A_429, %get3A_421 : vector<16xi1>, vector<16xi32>
        %select_n3A_431 = arith.select %gt3A_422, %get3A_418, %select_n3A_430 : vector<16xi1>, vector<16xi32>
        %swap3A_432 = arith.constant 0 : index
        %swap3A_433 = tpu.vector_load %arg20[%swap3A_432] {strides = array<i32>} : memref<32xi32, #tpu.memory_space<vmem>>, vector<16xi32>,
        %swap3A_434 = vector.shape_cast %swap3A_433 : vector<16xi32> to vector<16xi32>
        %swap3A_435 = vector.shape_cast %select_n3A_431 : vector<16xi32> to vector<16xi32>
        tpu.vector_store %arg20[%swap3A_432], %swap3A_435 {strides = array<i32>} : memref<32xi32, #tpu.memory_space<vmem>>, vector<16xi32>,
        %get3A_436 = arith.constant 0 : index
        %get3A_437 = tpu.vector_load %arg19[%get3A_436] {strides = array<i32>} : memref<32xf32, #tpu.memory_space<vmem>>, vector<16xf32>,
        %get3A_438 = vector.shape_cast %get3A_437 : vector<16xf32> to vector<16xf32>
        %get3A_439 = arith.constant 2 : index
        %get3A_440 = tpu.vector_load %arg19[%get3A_439] {strides = array<i32>} : memref<32xf32, #tpu.memory_space<vmem>>, vector<16xf32>,
        %get3A_441 = vector.shape_cast %get3A_440 : vector<16xf32> to vector<16xf32>
        %get3A_442 = arith.constant 0 : index
        %get3A_443 = tpu.vector_load %arg20[%get3A_442] {strides = array<i32>} : memref<32xi32, #tpu.memory_space<vmem>>, vector<16xi32>,
        %get3A_444 = vector.shape_cast %get3A_443 : vector<16xi32> to vector<16xi32>
        %get3A_445 = arith.constant 2 : index
        %get3A_446 = tpu.vector_load %arg20[%get3A_445] {strides = array<i32>} : memref<32xi32, #tpu.memory_space<vmem>>, vector<16xi32>,
        %get3A_447 = vector.shape_cast %get3A_446 : vector<16xi32> to vector<16xi32>
        %gt3A_448 = arith.cmpf ogt, %get3A_438, %get3A_441 : vector<16xf32>
        %eq3A_449 = arith.cmpf oeq, %get3A_438, %get3A_441 : vector<16xf32>
        %max3A_450 = arith.maximumf %get3A_438, %get3A_441 : vector<16xf32>
        %swap3A_451 = arith.constant 0 : index
        %swap3A_452 = tpu.vector_load %arg19[%swap3A_451] {strides = array<i32>} : memref<32xf32, #tpu.memory_space<vmem>>, vector<16xf32>,
        %swap3A_453 = vector.shape_cast %swap3A_452 : vector<16xf32> to vector<16xf32>
        %swap3A_454 = vector.shape_cast %max3A_450 : vector<16xf32> to vector<16xf32>
        tpu.vector_store %arg19[%swap3A_451], %swap3A_454 {strides = array<i32>} : memref<32xf32, #tpu.memory_space<vmem>>, vector<16xf32>,
        %min3A_455 = arith.minsi %get3A_444, %get3A_447 : vector<16xi32>
        %select_n3A_456 = arith.select %eq3A_449, %min3A_455, %get3A_447 : vector<16xi1>, vector<16xi32>
        %select_n3A_457 = arith.select %gt3A_448, %get3A_444, %select_n3A_456 : vector<16xi1>, vector<16xi32>
        %swap3A_458 = arith.constant 0 : index
        %swap3A_459 = tpu.vector_load %arg20[%swap3A_458] {strides = array<i32>} : memref<32xi32, #tpu.memory_space<vmem>>, vector<16xi32>,
        %swap3A_460 = vector.shape_cast %swap3A_459 : vector<16xi32> to vector<16xi32>
        %swap3A_461 = vector.shape_cast %select_n3A_457 : vector<16xi32> to vector<16xi32>
        tpu.vector_store %arg20[%swap3A_458], %swap3A_461 {strides = array<i32>} : memref<32xi32, #tpu.memory_space<vmem>>, vector<16xi32>,
        %get3A_462 = arith.constant 0 : index
        %get3A_463 = tpu.vector_load %arg19[%get3A_462] {strides = array<i32>} : memref<32xf32, #tpu.memory_space<vmem>>, vector<16xf32>,
        %get3A_464 = vector.shape_cast %get3A_463 : vector<16xf32> to vector<16xf32>
        %get3A_465 = arith.constant 1 : index
        %get3A_466 = tpu.vector_load %arg19[%get3A_465] {strides = array<i32>} : memref<32xf32, #tpu.memory_space<vmem>>, vector<16xf32>,
        %get3A_467 = vector.shape_cast %get3A_466 : vector<16xf32> to vector<16xf32>
        %get3A_468 = arith.constant 0 : index
        %get3A_469 = tpu.vector_load %arg20[%get3A_468] {strides = array<i32>} : memref<32xi32, #tpu.memory_space<vmem>>, vector<16xi32>,
        %get3A_470 = vector.shape_cast %get3A_469 : vector<16xi32> to vector<16xi32>
        %get3A_471 = arith.constant 1 : index
        %get3A_472 = tpu.vector_load %arg20[%get3A_471] {strides = array<i32>} : memref<32xi32, #tpu.memory_space<vmem>>, vector<16xi32>,
        %get3A_473 = vector.shape_cast %get3A_472 : vector<16xi32> to vector<16xi32>
        %gt3A_474 = arith.cmpf ogt, %get3A_464, %get3A_467 : vector<16xf32>
        %eq3A_475 = arith.cmpf oeq, %get3A_464, %get3A_467 : vector<16xf32>
        %max3A_476 = arith.maximumf %get3A_464, %get3A_467 : vector<16xf32>
        %swap3A_477 = arith.constant 0 : index
        %swap3A_478 = tpu.vector_load %arg19[%swap3A_477] {strides = array<i32>} : memref<32xf32, #tpu.memory_space<vmem>>, vector<16xf32>,
        %swap3A_479 = vector.shape_cast %swap3A_478 : vector<16xf32> to vector<16xf32>
        %swap3A_480 = vector.shape_cast %max3A_476 : vector<16xf32> to vector<16xf32>
        tpu.vector_store %arg19[%swap3A_477], %swap3A_480 {strides = array<i32>} : memref<32xf32, #tpu.memory_space<vmem>>, vector<16xf32>,
        %min3A_481 = arith.minsi %get3A_470, %get3A_473 : vector<16xi32>
        %select_n3A_482 = arith.select %eq3A_475, %min3A_481, %get3A_473 : vector<16xi1>, vector<16xi32>
        %select_n3A_483 = arith.select %gt3A_474, %get3A_470, %select_n3A_482 : vector<16xi1>, vector<16xi32>
        %swap3A_484 = arith.constant 0 : index
        %swap3A_485 = tpu.vector_load %arg20[%swap3A_484] {strides = array<i32>} : memref<32xi32, #tpu.memory_space<vmem>>, vector<16xi32>,
        %swap3A_486 = vector.shape_cast %swap3A_485 : vector<16xi32> to vector<16xi32>
        %swap3A_487 = vector.shape_cast %select_n3A_483 : vector<16xi32> to vector<16xi32>
        tpu.vector_store %arg20[%swap3A_484], %swap3A_487 {strides = array<i32>} : memref<32xi32, #tpu.memory_space<vmem>>, vector<16xi32>,
        %get3A_488 = arith.constant 0 : index
        %get3A_489 = tpu.vector_load %arg19[%get3A_488] {strides = array<i32>} : memref<32xf32, #tpu.memory_space<vmem>>, vector<16xf32>,
        %get3A_490 = vector.shape_cast %get3A_489 : vector<16xf32> to vector<16xf32>
        %slice3A_491 = vector.extract_strided_slice %get3A_490 {offsets = [0], sizes = [1], strides = [1]} : vector<16xf32> to vector<1xf32>
        %squeeze3A_492 = vector.extract %slice3A_491[0] : f32 from vector<1xf32>
        %get3A_493 = arith.constant 0 : index
        %get3A_494 = tpu.vector_load %arg20[%get3A_493] {strides = array<i32>} : memref<32xi32, #tpu.memory_space<vmem>>, vector<16xi32>,
        %get3A_495 = vector.shape_cast %get3A_494 : vector<16xi32> to vector<16xi32>
        %slice3A_496 = vector.extract_strided_slice %get3A_495 {offsets = [0], sizes = [1], strides = [1]} : vector<16xi32> to vector<1xi32>
        %squeeze3A_497 = vector.extract %slice3A_496[0] : i32 from vector<1xi32>
        %gt3A_498 = arith.constant 1.000000e-03 : f32
        %gt3A_499 = arith.cmpf ogt, %squeeze3A_492, %gt3A_498 : f32
        %convert_element_type3A_500 = arith.extui %gt3A_499 : i1 to i32
        %cond3A_501 = arith.constant 0 : i32
        %cond3A_502 = arith.cmpi ne, %convert_element_type3A_500, %cond3A_501 : i32
        scf.if %cond3A_502 {
          %jit3A_504 = arith.constant 128 : i32
          %div3A_505 = arith.divsi %squeeze3A_497, %jit3A_504 : i32
          %sign3A_506 = arith.constant 0 : i32
          %sign3A_507 = arith.cmpi sgt, %squeeze3A_497, %sign3A_506 : i32
          %sign3A_508 = arith.extui %sign3A_507 : i1 to i32
          %sign3A_509 = arith.constant 0 : i32
          %sign3A_510 = arith.cmpi slt, %squeeze3A_497, %sign3A_509 : i32
          %sign3A_511 = arith.extui %sign3A_510 : i1 to i32
          %sign3A_512 = arith.subi %sign3A_508, %sign3A_511 : i32
          %sign3A_513 = arith.constant 0 : i32
          %sign3A_514 = arith.cmpi sgt, %jit3A_504, %sign3A_513 : i32
          %sign3A_515 = arith.extui %sign3A_514 : i1 to i32
          %sign3A_516 = arith.constant 0 : i32
          %sign3A_517 = arith.cmpi slt, %jit3A_504, %sign3A_516 : i32
          %sign3A_518 = arith.extui %sign3A_517 : i1 to i32
          %sign3A_519 = arith.subi %sign3A_515, %sign3A_518 : i32
          %ne3A_520 = arith.cmpi ne, %sign3A_512, %sign3A_519 : i32
          %rem3A_521 = arith.remsi %squeeze3A_497, %jit3A_504 : i32
          %ne3A_522 = arith.constant 0 : i32
          %ne3A_523 = arith.cmpi ne, %rem3A_521, %ne3A_522 : i32
          %and3A_524 = arith.andi %ne3A_520, %ne3A_523 : i1
          %sub3A_525 = arith.constant 1 : i32
          %sub3A_526 = arith.subi %div3A_505, %sub3A_525 : i32
          %select_n3A_527 = arith.select %and3A_524, %sub3A_526, %div3A_505 : i32
          %mul3A_528 = arith.constant 128 : i32
          %mul3A_529 = arith.muli %select_n3A_527, %mul3A_528 : i32
          %sub3A_530 = arith.subi %squeeze3A_497, %mul3A_529 : i32
          %get3A_531 = arith.index_cast %select_n3A_527 : i32 to index
          %get3A_532 = tpu.vector_load %arg10[%get3A_531] {strides = array<i32>} : memref<4112xf32, #tpu.memory_space<vmem>>, vector<16xf32>,
          %get3A_533 = vector.shape_cast %get3A_532 : vector<16xf32> to vector<16xf32>
          %slice3A_534 = vector.extract_strided_slice %get3A_533 {offsets = [0], sizes = [1], strides = [1]} : vector<16xf32> to vector<1xf32>
          %squeeze3A_535 = vector.extract %slice3A_534[0] : f32 from vector<1xf32>
          %add3A_536 = arith.constant 1024 : i32
          %add3A_537 = arith.addi %add3A_536, %select_n3A_527 : i32
          %get3A_538 = arith.index_cast %add3A_537 : i32 to index
          %get3A_539 = tpu.vector_load %arg10[%get3A_538] {strides = array<i32>} : memref<4112xf32, #tpu.memory_space<vmem>>, vector<16xf32>,
          %get3A_540 = vector.shape_cast %get3A_539 : vector<16xf32> to vector<16xf32>
          %slice3A_541 = vector.extract_strided_slice %get3A_540 {offsets = [0], sizes = [1], strides = [1]} : vector<16xf32> to vector<1xf32>
          %squeeze3A_542 = vector.extract %slice3A_541[0] : f32 from vector<1xf32>
          %add3A_543 = arith.constant 2048 : i32
          %add3A_544 = arith.addi %add3A_543, %select_n3A_527 : i32
          %get3A_545 = arith.index_cast %add3A_544 : i32 to index
          %get3A_546 = tpu.vector_load %arg10[%get3A_545] {strides = array<i32>} : memref<4112xf32, #tpu.memory_space<vmem>>, vector<16xf32>,
          %get3A_547 = vector.shape_cast %get3A_546 : vector<16xf32> to vector<16xf32>
          %slice3A_548 = vector.extract_strided_slice %get3A_547 {offsets = [0], sizes = [1], strides = [1]} : vector<16xf32> to vector<1xf32>
          %squeeze3A_549 = vector.extract %slice3A_548[0] : f32 from vector<1xf32>
          %add3A_550 = arith.constant 3072 : i32
          %add3A_551 = arith.addi %add3A_550, %select_n3A_527 : i32
          %get3A_552 = arith.index_cast %add3A_551 : i32 to index
          %get3A_553 = tpu.vector_load %arg10[%get3A_552] {strides = array<i32>} : memref<4112xf32, #tpu.memory_space<vmem>>, vector<16xf32>,
          %get3A_554 = vector.shape_cast %get3A_553 : vector<16xf32> to vector<16xf32>
          %slice3A_555 = vector.extract_strided_slice %get3A_554 {offsets = [0], sizes = [1], strides = [1]} : vector<16xf32> to vector<1xf32>
          %squeeze3A_556 = vector.extract %slice3A_555[0] : f32 from vector<1xf32>
          %sub3A_557 = arith.subf %squeeze3A_549, %squeeze3A_535 : f32
          %sub3A_558 = arith.subf %squeeze3A_556, %squeeze3A_542 : f32
          %mul3A_559 = arith.mulf %sub3A_557, %sub3A_558 : f32
          %mul3A_560 = arith.constant 1024 : i32
          %mul3A_561 = arith.muli %sub3A_530, %mul3A_560 : i32
          %parallel_loop3A_562 = arith.constant 0 : i32
          %parallel_loop3A_563 = arith.constant 8 : i32
          %parallel_loop3A_564 = arith.constant 1 : i32
          %parallel_loop3A_565:2 = scf.for %parallel_loop3A_941 = %parallel_loop3A_562 to %parallel_loop3A_563 step %parallel_loop3A_564 iter_args(%parallel_loop3A_942 = %broadcast_in_dim3A_24, %parallel_loop3A_943 = %broadcast_in_dim3A_26) -> (vector<16xf32>, vector<16xi32>)  : i32 {
            %parallel_loop3A_944 = arith.constant 8 : i32
            %parallel_loop3A_945 = arith.muli %parallel_loop3A_941, %parallel_loop3A_944 : i32
            %parallel_loop3A_946 = arith.constant 0 : i32
            %parallel_loop3A_947 = arith.addi %parallel_loop3A_945, %parallel_loop3A_946 : i32
            %parallel_loop3A_948 = arith.constant 16 : i32
            %parallel_loop3A_949 = arith.muli %parallel_loop3A_947, %parallel_loop3A_948 : i32
            %parallel_loop3A_950 = arith.index_cast %parallel_loop3A_949 : i32 to index
            %parallel_loop3A_951 = tpu.vector_load %arg10[%parallel_loop3A_950] {strides = array<i32>} : memref<4112xf32, #tpu.memory_space<vmem>>, vector<16xf32>,
            %parallel_loop3A_952 = vector.shape_cast %parallel_loop3A_951 : vector<16xf32> to vector<16xf32>
            %parallel_loop3A_953 = arith.constant 1024 : i32
            %parallel_loop3A_954 = arith.addi %parallel_loop3A_953, %parallel_loop3A_949 : i32
            %parallel_loop3A_955 = arith.index_cast %parallel_loop3A_954 : i32 to index
            %parallel_loop3A_956 = tpu.vector_load %arg10[%parallel_loop3A_955] {strides = array<i32>} : memref<4112xf32, #tpu.memory_space<vmem>>, vector<16xf32>,
            %parallel_loop3A_957 = vector.shape_cast %parallel_loop3A_956 : vector<16xf32> to vector<16xf32>
            %parallel_loop3A_958 = arith.constant 2048 : i32
            %parallel_loop3A_959 = arith.addi %parallel_loop3A_958, %parallel_loop3A_949 : i32
            %parallel_loop3A_960 = arith.index_cast %parallel_loop3A_959 : i32 to index
            %parallel_loop3A_961 = tpu.vector_load %arg10[%parallel_loop3A_960] {strides = array<i32>} : memref<4112xf32, #tpu.memory_space<vmem>>, vector<16xf32>,
            %parallel_loop3A_962 = vector.shape_cast %parallel_loop3A_961 : vector<16xf32> to vector<16xf32>
            %parallel_loop3A_963 = arith.constant 3072 : i32
            %parallel_loop3A_964 = arith.addi %parallel_loop3A_963, %parallel_loop3A_949 : i32
            %parallel_loop3A_965 = arith.index_cast %parallel_loop3A_964 : i32 to index
            %parallel_loop3A_966 = tpu.vector_load %arg10[%parallel_loop3A_965] {strides = array<i32>} : memref<4112xf32, #tpu.memory_space<vmem>>, vector<16xf32>,
            %parallel_loop3A_967 = vector.shape_cast %parallel_loop3A_966 : vector<16xf32> to vector<16xf32>
            %parallel_loop3A_968 = arith.subf %parallel_loop3A_962, %parallel_loop3A_952 : vector<16xf32>
            %parallel_loop3A_969 = arith.subf %parallel_loop3A_967, %parallel_loop3A_957 : vector<16xf32>
            %parallel_loop3A_970 = arith.mulf %parallel_loop3A_968, %parallel_loop3A_969 : vector<16xf32>
            %parallel_loop3A_971 = arith.addi %mul3A_561, %parallel_loop3A_949 : i32
            %parallel_loop3A_972 = arith.index_cast %parallel_loop3A_971 : i32 to index
            %parallel_loop3A_973 = tpu.vector_load %arg9[%parallel_loop3A_972] {strides = array<i32>} : memref<98304xf32, #tpu.memory_space<vmem>>, vector<16xf32>,
            %parallel_loop3A_974 = vector.shape_cast %parallel_loop3A_973 : vector<16xf32> to vector<16xf32>
            %parallel_loop3A_975 = vector.broadcast %squeeze3A_549 : f32 to vector<16xf32>
            %parallel_loop3A_976 = arith.minimumf %parallel_loop3A_962, %parallel_loop3A_975 : vector<16xf32>
            %parallel_loop3A_977 = vector.broadcast %squeeze3A_535 : f32 to vector<16xf32>
            %parallel_loop3A_978 = arith.maximumf %parallel_loop3A_952, %parallel_loop3A_977 : vector<16xf32>
            %parallel_loop3A_979 = arith.subf %parallel_loop3A_976, %parallel_loop3A_978 : vector<16xf32>
            %parallel_loop3A_980 = arith.constant 0.000000e+00 : f32
            %parallel_loop3A_981 = vector.broadcast %parallel_loop3A_980 : f32 to vector<16xf32>
            %parallel_loop3A_982 = arith.maximumf %parallel_loop3A_979, %parallel_loop3A_981 : vector<16xf32>
            %parallel_loop3A_983 = vector.broadcast %squeeze3A_556 : f32 to vector<16xf32>
            %parallel_loop3A_984 = arith.minimumf %parallel_loop3A_967, %parallel_loop3A_983 : vector<16xf32>
            %parallel_loop3A_985 = vector.broadcast %squeeze3A_542 : f32 to vector<16xf32>
            %parallel_loop3A_986 = arith.maximumf %parallel_loop3A_957, %parallel_loop3A_985 : vector<16xf32>
            %parallel_loop3A_987 = arith.subf %parallel_loop3A_984, %parallel_loop3A_986 : vector<16xf32>
            %parallel_loop3A_988 = arith.constant 0.000000e+00 : f32
            %parallel_loop3A_989 = vector.broadcast %parallel_loop3A_988 : f32 to vector<16xf32>
            %parallel_loop3A_990 = arith.maximumf %parallel_loop3A_987, %parallel_loop3A_989 : vector<16xf32>
            %parallel_loop3A_991 = arith.mulf %parallel_loop3A_982, %parallel_loop3A_990 : vector<16xf32>
            %parallel_loop3A_992 = vector.broadcast %mul3A_559 : f32 to vector<16xf32>
            %parallel_loop3A_993 = arith.addf %parallel_loop3A_992, %parallel_loop3A_970 : vector<16xf32>
            %parallel_loop3A_994 = arith.subf %parallel_loop3A_993, %parallel_loop3A_991 : vector<16xf32>
            %parallel_loop3A_995 = arith.constant 9.99999971E-10 : f32
            %parallel_loop3A_996 = vector.broadcast %parallel_loop3A_995 : f32 to vector<16xf32>
            %parallel_loop3A_997 = arith.maximumf %parallel_loop3A_994, %parallel_loop3A_996 : vector<16xf32>
            %parallel_loop3A_998 = arith.divf %parallel_loop3A_991, %parallel_loop3A_997 : vector<16xf32>
            %parallel_loop3A_999 = vector.broadcast %parallel_loop3A_949 : i32 to vector<16xi32>
            %parallel_loop3A_1000 = arith.addi %iota3A, %parallel_loop3A_999 : vector<16xi32>
            %parallel_loop3A_1001 = arith.constant 5.000000e-01 : f32
            %parallel_loop3A_1002 = vector.broadcast %parallel_loop3A_1001 : f32 to vector<16xf32>
            %parallel_loop3A_1003 = arith.cmpf ogt, %parallel_loop3A_998, %parallel_loop3A_1002 : vector<16xf32>
            %parallel_loop3A_1004 = vector.broadcast %select_n3A_527 : i32 to vector<16xi32>
            %parallel_loop3A_1005 = arith.cmpi eq, %parallel_loop3A_1000, %parallel_loop3A_1004 : vector<16xi32>
            %parallel_loop3A_1006 = arith.ori %parallel_loop3A_1003, %parallel_loop3A_1005 : vector<16xi1>
            %parallel_loop3A_1007 = arith.constant -1.000000e+30 : f32
            %parallel_loop3A_1008 = vector.broadcast %parallel_loop3A_1007 : f32 to vector<16xf32>
            %parallel_loop3A_1009 = arith.select %parallel_loop3A_1006, %parallel_loop3A_1008, %parallel_loop3A_974 : vector<16xi1>, vector<16xf32>
            %parallel_loop3A_1010 = arith.constant 8 : i32
            %parallel_loop3A_1011 = arith.muli %parallel_loop3A_941, %parallel_loop3A_1010 : i32
            %parallel_loop3A_1012 = arith.constant 1 : i32
            %parallel_loop3A_1013 = arith.addi %parallel_loop3A_1011, %parallel_loop3A_1012 : i32
            %parallel_loop3A_1014 = arith.constant 16 : i32
            %parallel_loop3A_1015 = arith.muli %parallel_loop3A_1013, %parallel_loop3A_1014 : i32
            %parallel_loop3A_1016 = arith.index_cast %parallel_loop3A_1015 : i32 to index
            %parallel_loop3A_1017 = tpu.vector_load %arg10[%parallel_loop3A_1016] {strides = array<i32>} : memref<4112xf32, #tpu.memory_space<vmem>>, vector<16xf32>,
            %parallel_loop3A_1018 = vector.shape_cast %parallel_loop3A_1017 : vector<16xf32> to vector<16xf32>
            %parallel_loop3A_1019 = arith.constant 1024 : i32
            %parallel_loop3A_1020 = arith.addi %parallel_loop3A_1019, %parallel_loop3A_1015 : i32
            %parallel_loop3A_1021 = arith.index_cast %parallel_loop3A_1020 : i32 to index
            %parallel_loop3A_1022 = tpu.vector_load %arg10[%parallel_loop3A_1021] {strides = array<i32>} : memref<4112xf32, #tpu.memory_space<vmem>>, vector<16xf32>,
            %parallel_loop3A_1023 = vector.shape_cast %parallel_loop3A_1022 : vector<16xf32> to vector<16xf32>
            %parallel_loop3A_1024 = arith.constant 2048 : i32
            %parallel_loop3A_1025 = arith.addi %parallel_loop3A_1024, %parallel_loop3A_1015 : i32
            %parallel_loop3A_1026 = arith.index_cast %parallel_loop3A_1025 : i32 to index
            %parallel_loop3A_1027 = tpu.vector_load %arg10[%parallel_loop3A_1026] {strides = array<i32>} : memref<4112xf32, #tpu.memory_space<vmem>>, vector<16xf32>,
            %parallel_loop3A_1028 = vector.shape_cast %parallel_loop3A_1027 : vector<16xf32> to vector<16xf32>
            %parallel_loop3A_1029 = arith.constant 3072 : i32
            %parallel_loop3A_1030 = arith.addi %parallel_loop3A_1029, %parallel_loop3A_1015 : i32
            %parallel_loop3A_1031 = arith.index_cast %parallel_loop3A_1030 : i32 to index
            %parallel_loop3A_1032 = tpu.vector_load %arg10[%parallel_loop3A_1031] {strides = array<i32>} : memref<4112xf32, #tpu.memory_space<vmem>>, vector<16xf32>,
            %parallel_loop3A_1033 = vector.shape_cast %parallel_loop3A_1032 : vector<16xf32> to vector<16xf32>
            %parallel_loop3A_1034 = arith.subf %parallel_loop3A_1028, %parallel_loop3A_1018 : vector<16xf32>
            %parallel_loop3A_1035 = arith.subf %parallel_loop3A_1033, %parallel_loop3A_1023 : vector<16xf32>
            %parallel_loop3A_1036 = arith.mulf %parallel_loop3A_1034, %parallel_loop3A_1035 : vector<16xf32>
            %parallel_loop3A_1037 = arith.addi %mul3A_561, %parallel_loop3A_1015 : i32
            %parallel_loop3A_1038 = arith.index_cast %parallel_loop3A_1037 : i32 to index
            %parallel_loop3A_1039 = tpu.vector_load %arg9[%parallel_loop3A_1038] {strides = array<i32>} : memref<98304xf32, #tpu.memory_space<vmem>>, vector<16xf32>,
            %parallel_loop3A_1040 = vector.shape_cast %parallel_loop3A_1039 : vector<16xf32> to vector<16xf32>
            %parallel_loop3A_1041 = vector.broadcast %squeeze3A_549 : f32 to vector<16xf32>
            %parallel_loop3A_1042 = arith.minimumf %parallel_loop3A_1028, %parallel_loop3A_1041 : vector<16xf32>
            %parallel_loop3A_1043 = vector.broadcast %squeeze3A_535 : f32 to vector<16xf32>
            %parallel_loop3A_1044 = arith.maximumf %parallel_loop3A_1018, %parallel_loop3A_1043 : vector<16xf32>
            %parallel_loop3A_1045 = arith.subf %parallel_loop3A_1042, %parallel_loop3A_1044 : vector<16xf32>
            %parallel_loop3A_1046 = arith.constant 0.000000e+00 : f32
            %parallel_loop3A_1047 = vector.broadcast %parallel_loop3A_1046 : f32 to vector<16xf32>
            %parallel_loop3A_1048 = arith.maximumf %parallel_loop3A_1045, %parallel_loop3A_1047 : vector<16xf32>
            %parallel_loop3A_1049 = vector.broadcast %squeeze3A_556 : f32 to vector<16xf32>
            %parallel_loop3A_1050 = arith.minimumf %parallel_loop3A_1033, %parallel_loop3A_1049 : vector<16xf32>
            %parallel_loop3A_1051 = vector.broadcast %squeeze3A_542 : f32 to vector<16xf32>
            %parallel_loop3A_1052 = arith.maximumf %parallel_loop3A_1023, %parallel_loop3A_1051 : vector<16xf32>
            %parallel_loop3A_1053 = arith.subf %parallel_loop3A_1050, %parallel_loop3A_1052 : vector<16xf32>
            %parallel_loop3A_1054 = arith.constant 0.000000e+00 : f32
            %parallel_loop3A_1055 = vector.broadcast %parallel_loop3A_1054 : f32 to vector<16xf32>
            %parallel_loop3A_1056 = arith.maximumf %parallel_loop3A_1053, %parallel_loop3A_1055 : vector<16xf32>
            %parallel_loop3A_1057 = arith.mulf %parallel_loop3A_1048, %parallel_loop3A_1056 : vector<16xf32>
            %parallel_loop3A_1058 = vector.broadcast %mul3A_559 : f32 to vector<16xf32>
            %parallel_loop3A_1059 = arith.addf %parallel_loop3A_1058, %parallel_loop3A_1036 : vector<16xf32>
            %parallel_loop3A_1060 = arith.subf %parallel_loop3A_1059, %parallel_loop3A_1057 : vector<16xf32>
            %parallel_loop3A_1061 = arith.constant 9.99999971E-10 : f32
            %parallel_loop3A_1062 = vector.broadcast %parallel_loop3A_1061 : f32 to vector<16xf32>
            %parallel_loop3A_1063 = arith.maximumf %parallel_loop3A_1060, %parallel_loop3A_1062 : vector<16xf32>
            %parallel_loop3A_1064 = arith.divf %parallel_loop3A_1057, %parallel_loop3A_1063 : vector<16xf32>
            %parallel_loop3A_1065 = vector.broadcast %parallel_loop3A_1015 : i32 to vector<16xi32>
            %parallel_loop3A_1066 = arith.addi %iota3A, %parallel_loop3A_1065 : vector<16xi32>
            %parallel_loop3A_1067 = arith.constant 5.000000e-01 : f32
            %parallel_loop3A_1068 = vector.broadcast %parallel_loop3A_1067 : f32 to vector<16xf32>
            %parallel_loop3A_1069 = arith.cmpf ogt, %parallel_loop3A_1064, %parallel_loop3A_1068 : vector<16xf32>
            %parallel_loop3A_1070 = vector.broadcast %select_n3A_527 : i32 to vector<16xi32>
            %parallel_loop3A_1071 = arith.cmpi eq, %parallel_loop3A_1066, %parallel_loop3A_1070 : vector<16xi32>
            %parallel_loop3A_1072 = arith.ori %parallel_loop3A_1069, %parallel_loop3A_1071 : vector<16xi1>
            %parallel_loop3A_1073 = arith.constant -1.000000e+30 : f32
            %parallel_loop3A_1074 = vector.broadcast %parallel_loop3A_1073 : f32 to vector<16xf32>
            %parallel_loop3A_1075 = arith.select %parallel_loop3A_1072, %parallel_loop3A_1074, %parallel_loop3A_1040 : vector<16xi1>, vector<16xf32>
            %parallel_loop3A_1076 = arith.constant 8 : i32
            %parallel_loop3A_1077 = arith.muli %parallel_loop3A_941, %parallel_loop3A_1076 : i32
            %parallel_loop3A_1078 = arith.constant 2 : i32
            %parallel_loop3A_1079 = arith.addi %parallel_loop3A_1077, %parallel_loop3A_1078 : i32
            %parallel_loop3A_1080 = arith.constant 16 : i32
            %parallel_loop3A_1081 = arith.muli %parallel_loop3A_1079, %parallel_loop3A_1080 : i32
            %parallel_loop3A_1082 = arith.index_cast %parallel_loop3A_1081 : i32 to index
            %parallel_loop3A_1083 = tpu.vector_load %arg10[%parallel_loop3A_1082] {strides = array<i32>} : memref<4112xf32, #tpu.memory_space<vmem>>, vector<16xf32>,
            %parallel_loop3A_1084 = vector.shape_cast %parallel_loop3A_1083 : vector<16xf32> to vector<16xf32>
            %parallel_loop3A_1085 = arith.constant 1024 : i32
            %parallel_loop3A_1086 = arith.addi %parallel_loop3A_1085, %parallel_loop3A_1081 : i32
            %parallel_loop3A_1087 = arith.index_cast %parallel_loop3A_1086 : i32 to index
            %parallel_loop3A_1088 = tpu.vector_load %arg10[%parallel_loop3A_1087] {strides = array<i32>} : memref<4112xf32, #tpu.memory_space<vmem>>, vector<16xf32>,
            %parallel_loop3A_1089 = vector.shape_cast %parallel_loop3A_1088 : vector<16xf32> to vector<16xf32>
            %parallel_loop3A_1090 = arith.constant 2048 : i32
            %parallel_loop3A_1091 = arith.addi %parallel_loop3A_1090, %parallel_loop3A_1081 : i32
            %parallel_loop3A_1092 = arith.index_cast %parallel_loop3A_1091 : i32 to index
            %parallel_loop3A_1093 = tpu.vector_load %arg10[%parallel_loop3A_1092] {strides = array<i32>} : memref<4112xf32, #tpu.memory_space<vmem>>, vector<16xf32>,
            %parallel_loop3A_1094 = vector.shape_cast %parallel_loop3A_1093 : vector<16xf32> to vector<16xf32>
            %parallel_loop3A_1095 = arith.constant 3072 : i32
            %parallel_loop3A_1096 = arith.addi %parallel_loop3A_1095, %parallel_loop3A_1081 : i32
            %parallel_loop3A_1097 = arith.index_cast %parallel_loop3A_1096 : i32 to index
            %parallel_loop3A_1098 = tpu.vector_load %arg10[%parallel_loop3A_1097] {strides = array<i32>} : memref<4112xf32, #tpu.memory_space<vmem>>, vector<16xf32>,
            %parallel_loop3A_1099 = vector.shape_cast %parallel_loop3A_1098 : vector<16xf32> to vector<16xf32>
            %parallel_loop3A_1100 = arith.subf %parallel_loop3A_1094, %parallel_loop3A_1084 : vector<16xf32>
            %parallel_loop3A_1101 = arith.subf %parallel_loop3A_1099, %parallel_loop3A_1089 : vector<16xf32>
            %parallel_loop3A_1102 = arith.mulf %parallel_loop3A_1100, %parallel_loop3A_1101 : vector<16xf32>
            %parallel_loop3A_1103 = arith.addi %mul3A_561, %parallel_loop3A_1081 : i32
            %parallel_loop3A_1104 = arith.index_cast %parallel_loop3A_1103 : i32 to index
            %parallel_loop3A_1105 = tpu.vector_load %arg9[%parallel_loop3A_1104] {strides = array<i32>} : memref<98304xf32, #tpu.memory_space<vmem>>, vector<16xf32>,
            %parallel_loop3A_1106 = vector.shape_cast %parallel_loop3A_1105 : vector<16xf32> to vector<16xf32>
            %parallel_loop3A_1107 = vector.broadcast %squeeze3A_549 : f32 to vector<16xf32>
            %parallel_loop3A_1108 = arith.minimumf %parallel_loop3A_1094, %parallel_loop3A_1107 : vector<16xf32>
            %parallel_loop3A_1109 = vector.broadcast %squeeze3A_535 : f32 to vector<16xf32>
            %parallel_loop3A_1110 = arith.maximumf %parallel_loop3A_1084, %parallel_loop3A_1109 : vector<16xf32>
            %parallel_loop3A_1111 = arith.subf %parallel_loop3A_1108, %parallel_loop3A_1110 : vector<16xf32>
            %parallel_loop3A_1112 = arith.constant 0.000000e+00 : f32
            %parallel_loop3A_1113 = vector.broadcast %parallel_loop3A_1112 : f32 to vector<16xf32>
            %parallel_loop3A_1114 = arith.maximumf %parallel_loop3A_1111, %parallel_loop3A_1113 : vector<16xf32>
            %parallel_loop3A_1115 = vector.broadcast %squeeze3A_556 : f32 to vector<16xf32>
            %parallel_loop3A_1116 = arith.minimumf %parallel_loop3A_1099, %parallel_loop3A_1115 : vector<16xf32>
            %parallel_loop3A_1117 = vector.broadcast %squeeze3A_542 : f32 to vector<16xf32>
            %parallel_loop3A_1118 = arith.maximumf %parallel_loop3A_1089, %parallel_loop3A_1117 : vector<16xf32>
            %parallel_loop3A_1119 = arith.subf %parallel_loop3A_1116, %parallel_loop3A_1118 : vector<16xf32>
            %parallel_loop3A_1120 = arith.constant 0.000000e+00 : f32
            %parallel_loop3A_1121 = vector.broadcast %parallel_loop3A_1120 : f32 to vector<16xf32>
            %parallel_loop3A_1122 = arith.maximumf %parallel_loop3A_1119, %parallel_loop3A_1121 : vector<16xf32>
            %parallel_loop3A_1123 = arith.mulf %parallel_loop3A_1114, %parallel_loop3A_1122 : vector<16xf32>
            %parallel_loop3A_1124 = vector.broadcast %mul3A_559 : f32 to vector<16xf32>
            %parallel_loop3A_1125 = arith.addf %parallel_loop3A_1124, %parallel_loop3A_1102 : vector<16xf32>
            %parallel_loop3A_1126 = arith.subf %parallel_loop3A_1125, %parallel_loop3A_1123 : vector<16xf32>
            %parallel_loop3A_1127 = arith.constant 9.99999971E-10 : f32
            %parallel_loop3A_1128 = vector.broadcast %parallel_loop3A_1127 : f32 to vector<16xf32>
            %parallel_loop3A_1129 = arith.maximumf %parallel_loop3A_1126, %parallel_loop3A_1128 : vector<16xf32>
            %parallel_loop3A_1130 = arith.divf %parallel_loop3A_1123, %parallel_loop3A_1129 : vector<16xf32>
            %parallel_loop3A_1131 = vector.broadcast %parallel_loop3A_1081 : i32 to vector<16xi32>
            %parallel_loop3A_1132 = arith.addi %iota3A, %parallel_loop3A_1131 : vector<16xi32>
            %parallel_loop3A_1133 = arith.constant 5.000000e-01 : f32
            %parallel_loop3A_1134 = vector.broadcast %parallel_loop3A_1133 : f32 to vector<16xf32>
            %parallel_loop3A_1135 = arith.cmpf ogt, %parallel_loop3A_1130, %parallel_loop3A_1134 : vector<16xf32>
            %parallel_loop3A_1136 = vector.broadcast %select_n3A_527 : i32 to vector<16xi32>
            %parallel_loop3A_1137 = arith.cmpi eq, %parallel_loop3A_1132, %parallel_loop3A_1136 : vector<16xi32>
            %parallel_loop3A_1138 = arith.ori %parallel_loop3A_1135, %parallel_loop3A_1137 : vector<16xi1>
            %parallel_loop3A_1139 = arith.constant -1.000000e+30 : f32
            %parallel_loop3A_1140 = vector.broadcast %parallel_loop3A_1139 : f32 to vector<16xf32>
            %parallel_loop3A_1141 = arith.select %parallel_loop3A_1138, %parallel_loop3A_1140, %parallel_loop3A_1106 : vector<16xi1>, vector<16xf32>
            %parallel_loop3A_1142 = arith.constant 8 : i32
            %parallel_loop3A_1143 = arith.muli %parallel_loop3A_941, %parallel_loop3A_1142 : i32
            %parallel_loop3A_1144 = arith.constant 3 : i32
            %parallel_loop3A_1145 = arith.addi %parallel_loop3A_1143, %parallel_loop3A_1144 : i32
            %parallel_loop3A_1146 = arith.constant 16 : i32
            %parallel_loop3A_1147 = arith.muli %parallel_loop3A_1145, %parallel_loop3A_1146 : i32
            %parallel_loop3A_1148 = arith.index_cast %parallel_loop3A_1147 : i32 to index
            %parallel_loop3A_1149 = tpu.vector_load %arg10[%parallel_loop3A_1148] {strides = array<i32>} : memref<4112xf32, #tpu.memory_space<vmem>>, vector<16xf32>,
            %parallel_loop3A_1150 = vector.shape_cast %parallel_loop3A_1149 : vector<16xf32> to vector<16xf32>
            %parallel_loop3A_1151 = arith.constant 1024 : i32
            %parallel_loop3A_1152 = arith.addi %parallel_loop3A_1151, %parallel_loop3A_1147 : i32
            %parallel_loop3A_1153 = arith.index_cast %parallel_loop3A_1152 : i32 to index
            %parallel_loop3A_1154 = tpu.vector_load %arg10[%parallel_loop3A_1153] {strides = array<i32>} : memref<4112xf32, #tpu.memory_space<vmem>>, vector<16xf32>,
            %parallel_loop3A_1155 = vector.shape_cast %parallel_loop3A_1154 : vector<16xf32> to vector<16xf32>
            %parallel_loop3A_1156 = arith.constant 2048 : i32
            %parallel_loop3A_1157 = arith.addi %parallel_loop3A_1156, %parallel_loop3A_1147 : i32
            %parallel_loop3A_1158 = arith.index_cast %parallel_loop3A_1157 : i32 to index
            %parallel_loop3A_1159 = tpu.vector_load %arg10[%parallel_loop3A_1158] {strides = array<i32>} : memref<4112xf32, #tpu.memory_space<vmem>>, vector<16xf32>,
            %parallel_loop3A_1160 = vector.shape_cast %parallel_loop3A_1159 : vector<16xf32> to vector<16xf32>
            %parallel_loop3A_1161 = arith.constant 3072 : i32
            %parallel_loop3A_1162 = arith.addi %parallel_loop3A_1161, %parallel_loop3A_1147 : i32
            %parallel_loop3A_1163 = arith.index_cast %parallel_loop3A_1162 : i32 to index
            %parallel_loop3A_1164 = tpu.vector_load %arg10[%parallel_loop3A_1163] {strides = array<i32>} : memref<4112xf32, #tpu.memory_space<vmem>>, vector<16xf32>,
            %parallel_loop3A_1165 = vector.shape_cast %parallel_loop3A_1164 : vector<16xf32> to vector<16xf32>
            %parallel_loop3A_1166 = arith.subf %parallel_loop3A_1160, %parallel_loop3A_1150 : vector<16xf32>
            %parallel_loop3A_1167 = arith.subf %parallel_loop3A_1165, %parallel_loop3A_1155 : vector<16xf32>
            %parallel_loop3A_1168 = arith.mulf %parallel_loop3A_1166, %parallel_loop3A_1167 : vector<16xf32>
            %parallel_loop3A_1169 = arith.addi %mul3A_561, %parallel_loop3A_1147 : i32
            %parallel_loop3A_1170 = arith.index_cast %parallel_loop3A_1169 : i32 to index
            %parallel_loop3A_1171 = tpu.vector_load %arg9[%parallel_loop3A_1170] {strides = array<i32>} : memref<98304xf32, #tpu.memory_space<vmem>>, vector<16xf32>,
            %parallel_loop3A_1172 = vector.shape_cast %parallel_loop3A_1171 : vector<16xf32> to vector<16xf32>
            %parallel_loop3A_1173 = vector.broadcast %squeeze3A_549 : f32 to vector<16xf32>
            %parallel_loop3A_1174 = arith.minimumf %parallel_loop3A_1160, %parallel_loop3A_1173 : vector<16xf32>
            %parallel_loop3A_1175 = vector.broadcast %squeeze3A_535 : f32 to vector<16xf32>
            %parallel_loop3A_1176 = arith.maximumf %parallel_loop3A_1150, %parallel_loop3A_1175 : vector<16xf32>
            %parallel_loop3A_1177 = arith.subf %parallel_loop3A_1174, %parallel_loop3A_1176 : vector<16xf32>
            %parallel_loop3A_1178 = arith.constant 0.000000e+00 : f32
            %parallel_loop3A_1179 = vector.broadcast %parallel_loop3A_1178 : f32 to vector<16xf32>
            %parallel_loop3A_1180 = arith.maximumf %parallel_loop3A_1177, %parallel_loop3A_1179 : vector<16xf32>
            %parallel_loop3A_1181 = vector.broadcast %squeeze3A_556 : f32 to vector<16xf32>
            %parallel_loop3A_1182 = arith.minimumf %parallel_loop3A_1165, %parallel_loop3A_1181 : vector<16xf32>
            %parallel_loop3A_1183 = vector.broadcast %squeeze3A_542 : f32 to vector<16xf32>
            %parallel_loop3A_1184 = arith.maximumf %parallel_loop3A_1155, %parallel_loop3A_1183 : vector<16xf32>
            %parallel_loop3A_1185 = arith.subf %parallel_loop3A_1182, %parallel_loop3A_1184 : vector<16xf32>
            %parallel_loop3A_1186 = arith.constant 0.000000e+00 : f32
            %parallel_loop3A_1187 = vector.broadcast %parallel_loop3A_1186 : f32 to vector<16xf32>
            %parallel_loop3A_1188 = arith.maximumf %parallel_loop3A_1185, %parallel_loop3A_1187 : vector<16xf32>
            %parallel_loop3A_1189 = arith.mulf %parallel_loop3A_1180, %parallel_loop3A_1188 : vector<16xf32>
            %parallel_loop3A_1190 = vector.broadcast %mul3A_559 : f32 to vector<16xf32>
            %parallel_loop3A_1191 = arith.addf %parallel_loop3A_1190, %parallel_loop3A_1168 : vector<16xf32>
            %parallel_loop3A_1192 = arith.subf %parallel_loop3A_1191, %parallel_loop3A_1189 : vector<16xf32>
            %parallel_loop3A_1193 = arith.constant 9.99999971E-10 : f32
            %parallel_loop3A_1194 = vector.broadcast %parallel_loop3A_1193 : f32 to vector<16xf32>
            %parallel_loop3A_1195 = arith.maximumf %parallel_loop3A_1192, %parallel_loop3A_1194 : vector<16xf32>
            %parallel_loop3A_1196 = arith.divf %parallel_loop3A_1189, %parallel_loop3A_1195 : vector<16xf32>
            %parallel_loop3A_1197 = vector.broadcast %parallel_loop3A_1147 : i32 to vector<16xi32>
            %parallel_loop3A_1198 = arith.addi %iota3A, %parallel_loop3A_1197 : vector<16xi32>
            %parallel_loop3A_1199 = arith.constant 5.000000e-01 : f32
            %parallel_loop3A_1200 = vector.broadcast %parallel_loop3A_1199 : f32 to vector<16xf32>
            %parallel_loop3A_1201 = arith.cmpf ogt, %parallel_loop3A_1196, %parallel_loop3A_1200 : vector<16xf32>
            %parallel_loop3A_1202 = vector.broadcast %select_n3A_527 : i32 to vector<16xi32>
            %parallel_loop3A_1203 = arith.cmpi eq, %parallel_loop3A_1198, %parallel_loop3A_1202 : vector<16xi32>
            %parallel_loop3A_1204 = arith.ori %parallel_loop3A_1201, %parallel_loop3A_1203 : vector<16xi1>
            %parallel_loop3A_1205 = arith.constant -1.000000e+30 : f32
            %parallel_loop3A_1206 = vector.broadcast %parallel_loop3A_1205 : f32 to vector<16xf32>
            %parallel_loop3A_1207 = arith.select %parallel_loop3A_1204, %parallel_loop3A_1206, %parallel_loop3A_1172 : vector<16xi1>, vector<16xf32>
            %parallel_loop3A_1208 = arith.constant 8 : i32
            %parallel_loop3A_1209 = arith.muli %parallel_loop3A_941, %parallel_loop3A_1208 : i32
            %parallel_loop3A_1210 = arith.constant 4 : i32
            %parallel_loop3A_1211 = arith.addi %parallel_loop3A_1209, %parallel_loop3A_1210 : i32
            %parallel_loop3A_1212 = arith.constant 16 : i32
            %parallel_loop3A_1213 = arith.muli %parallel_loop3A_1211, %parallel_loop3A_1212 : i32
            %parallel_loop3A_1214 = arith.index_cast %parallel_loop3A_1213 : i32 to index
            %parallel_loop3A_1215 = tpu.vector_load %arg10[%parallel_loop3A_1214] {strides = array<i32>} : memref<4112xf32, #tpu.memory_space<vmem>>, vector<16xf32>,
            %parallel_loop3A_1216 = vector.shape_cast %parallel_loop3A_1215 : vector<16xf32> to vector<16xf32>
            %parallel_loop3A_1217 = arith.constant 1024 : i32
            %parallel_loop3A_1218 = arith.addi %parallel_loop3A_1217, %parallel_loop3A_1213 : i32
            %parallel_loop3A_1219 = arith.index_cast %parallel_loop3A_1218 : i32 to index
            %parallel_loop3A_1220 = tpu.vector_load %arg10[%parallel_loop3A_1219] {strides = array<i32>} : memref<4112xf32, #tpu.memory_space<vmem>>, vector<16xf32>,
            %parallel_loop3A_1221 = vector.shape_cast %parallel_loop3A_1220 : vector<16xf32> to vector<16xf32>
            %parallel_loop3A_1222 = arith.constant 2048 : i32
            %parallel_loop3A_1223 = arith.addi %parallel_loop3A_1222, %parallel_loop3A_1213 : i32
            %parallel_loop3A_1224 = arith.index_cast %parallel_loop3A_1223 : i32 to index
            %parallel_loop3A_1225 = tpu.vector_load %arg10[%parallel_loop3A_1224] {strides = array<i32>} : memref<4112xf32, #tpu.memory_space<vmem>>, vector<16xf32>,
            %parallel_loop3A_1226 = vector.shape_cast %parallel_loop3A_1225 : vector<16xf32> to vector<16xf32>
            %parallel_loop3A_1227 = arith.constant 3072 : i32
            %parallel_loop3A_1228 = arith.addi %parallel_loop3A_1227, %parallel_loop3A_1213 : i32
            %parallel_loop3A_1229 = arith.index_cast %parallel_loop3A_1228 : i32 to index
            %parallel_loop3A_1230 = tpu.vector_load %arg10[%parallel_loop3A_1229] {strides = array<i32>} : memref<4112xf32, #tpu.memory_space<vmem>>, vector<16xf32>,
            %parallel_loop3A_1231 = vector.shape_cast %parallel_loop3A_1230 : vector<16xf32> to vector<16xf32>
            %parallel_loop3A_1232 = arith.subf %parallel_loop3A_1226, %parallel_loop3A_1216 : vector<16xf32>
            %parallel_loop3A_1233 = arith.subf %parallel_loop3A_1231, %parallel_loop3A_1221 : vector<16xf32>
            %parallel_loop3A_1234 = arith.mulf %parallel_loop3A_1232, %parallel_loop3A_1233 : vector<16xf32>
            %parallel_loop3A_1235 = arith.addi %mul3A_561, %parallel_loop3A_1213 : i32
            %parallel_loop3A_1236 = arith.index_cast %parallel_loop3A_1235 : i32 to index
            %parallel_loop3A_1237 = tpu.vector_load %arg9[%parallel_loop3A_1236] {strides = array<i32>} : memref<98304xf32, #tpu.memory_space<vmem>>, vector<16xf32>,
            %parallel_loop3A_1238 = vector.shape_cast %parallel_loop3A_1237 : vector<16xf32> to vector<16xf32>
            %parallel_loop3A_1239 = vector.broadcast %squeeze3A_549 : f32 to vector<16xf32>
            %parallel_loop3A_1240 = arith.minimumf %parallel_loop3A_1226, %parallel_loop3A_1239 : vector<16xf32>
            %parallel_loop3A_1241 = vector.broadcast %squeeze3A_535 : f32 to vector<16xf32>
            %parallel_loop3A_1242 = arith.maximumf %parallel_loop3A_1216, %parallel_loop3A_1241 : vector<16xf32>
            %parallel_loop3A_1243 = arith.subf %parallel_loop3A_1240, %parallel_loop3A_1242 : vector<16xf32>
            %parallel_loop3A_1244 = arith.constant 0.000000e+00 : f32
            %parallel_loop3A_1245 = vector.broadcast %parallel_loop3A_1244 : f32 to vector<16xf32>
            %parallel_loop3A_1246 = arith.maximumf %parallel_loop3A_1243, %parallel_loop3A_1245 : vector<16xf32>
            %parallel_loop3A_1247 = vector.broadcast %squeeze3A_556 : f32 to vector<16xf32>
            %parallel_loop3A_1248 = arith.minimumf %parallel_loop3A_1231, %parallel_loop3A_1247 : vector<16xf32>
            %parallel_loop3A_1249 = vector.broadcast %squeeze3A_542 : f32 to vector<16xf32>
            %parallel_loop3A_1250 = arith.maximumf %parallel_loop3A_1221, %parallel_loop3A_1249 : vector<16xf32>
            %parallel_loop3A_1251 = arith.subf %parallel_loop3A_1248, %parallel_loop3A_1250 : vector<16xf32>
            %parallel_loop3A_1252 = arith.constant 0.000000e+00 : f32
            %parallel_loop3A_1253 = vector.broadcast %parallel_loop3A_1252 : f32 to vector<16xf32>
            %parallel_loop3A_1254 = arith.maximumf %parallel_loop3A_1251, %parallel_loop3A_1253 : vector<16xf32>
            %parallel_loop3A_1255 = arith.mulf %parallel_loop3A_1246, %parallel_loop3A_1254 : vector<16xf32>
            %parallel_loop3A_1256 = vector.broadcast %mul3A_559 : f32 to vector<16xf32>
            %parallel_loop3A_1257 = arith.addf %parallel_loop3A_1256, %parallel_loop3A_1234 : vector<16xf32>
            %parallel_loop3A_1258 = arith.subf %parallel_loop3A_1257, %parallel_loop3A_1255 : vector<16xf32>
            %parallel_loop3A_1259 = arith.constant 9.99999971E-10 : f32
            %parallel_loop3A_1260 = vector.broadcast %parallel_loop3A_1259 : f32 to vector<16xf32>
            %parallel_loop3A_1261 = arith.maximumf %parallel_loop3A_1258, %parallel_loop3A_1260 : vector<16xf32>
            %parallel_loop3A_1262 = arith.divf %parallel_loop3A_1255, %parallel_loop3A_1261 : vector<16xf32>
            %parallel_loop3A_1263 = vector.broadcast %parallel_loop3A_1213 : i32 to vector<16xi32>
            %parallel_loop3A_1264 = arith.addi %iota3A, %parallel_loop3A_1263 : vector<16xi32>
            %parallel_loop3A_1265 = arith.constant 5.000000e-01 : f32
            %parallel_loop3A_1266 = vector.broadcast %parallel_loop3A_1265 : f32 to vector<16xf32>
            %parallel_loop3A_1267 = arith.cmpf ogt, %parallel_loop3A_1262, %parallel_loop3A_1266 : vector<16xf32>
            %parallel_loop3A_1268 = vector.broadcast %select_n3A_527 : i32 to vector<16xi32>
            %parallel_loop3A_1269 = arith.cmpi eq, %parallel_loop3A_1264, %parallel_loop3A_1268 : vector<16xi32>
            %parallel_loop3A_1270 = arith.ori %parallel_loop3A_1267, %parallel_loop3A_1269 : vector<16xi1>
            %parallel_loop3A_1271 = arith.constant -1.000000e+30 : f32
            %parallel_loop3A_1272 = vector.broadcast %parallel_loop3A_1271 : f32 to vector<16xf32>
            %parallel_loop3A_1273 = arith.select %parallel_loop3A_1270, %parallel_loop3A_1272, %parallel_loop3A_1238 : vector<16xi1>, vector<16xf32>
            %parallel_loop3A_1274 = arith.constant 8 : i32
            %parallel_loop3A_1275 = arith.muli %parallel_loop3A_941, %parallel_loop3A_1274 : i32
            %parallel_loop3A_1276 = arith.constant 5 : i32
            %parallel_loop3A_1277 = arith.addi %parallel_loop3A_1275, %parallel_loop3A_1276 : i32
            %parallel_loop3A_1278 = arith.constant 16 : i32
            %parallel_loop3A_1279 = arith.muli %parallel_loop3A_1277, %parallel_loop3A_1278 : i32
            %parallel_loop3A_1280 = arith.index_cast %parallel_loop3A_1279 : i32 to index
            %parallel_loop3A_1281 = tpu.vector_load %arg10[%parallel_loop3A_1280] {strides = array<i32>} : memref<4112xf32, #tpu.memory_space<vmem>>, vector<16xf32>,
            %parallel_loop3A_1282 = vector.shape_cast %parallel_loop3A_1281 : vector<16xf32> to vector<16xf32>
            %parallel_loop3A_1283 = arith.constant 1024 : i32
            %parallel_loop3A_1284 = arith.addi %parallel_loop3A_1283, %parallel_loop3A_1279 : i32
            %parallel_loop3A_1285 = arith.index_cast %parallel_loop3A_1284 : i32 to index
            %parallel_loop3A_1286 = tpu.vector_load %arg10[%parallel_loop3A_1285] {strides = array<i32>} : memref<4112xf32, #tpu.memory_space<vmem>>, vector<16xf32>,
            %parallel_loop3A_1287 = vector.shape_cast %parallel_loop3A_1286 : vector<16xf32> to vector<16xf32>
            %parallel_loop3A_1288 = arith.constant 2048 : i32
            %parallel_loop3A_1289 = arith.addi %parallel_loop3A_1288, %parallel_loop3A_1279 : i32
            %parallel_loop3A_1290 = arith.index_cast %parallel_loop3A_1289 : i32 to index
            %parallel_loop3A_1291 = tpu.vector_load %arg10[%parallel_loop3A_1290] {strides = array<i32>} : memref<4112xf32, #tpu.memory_space<vmem>>, vector<16xf32>,
            %parallel_loop3A_1292 = vector.shape_cast %parallel_loop3A_1291 : vector<16xf32> to vector<16xf32>
            %parallel_loop3A_1293 = arith.constant 3072 : i32
            %parallel_loop3A_1294 = arith.addi %parallel_loop3A_1293, %parallel_loop3A_1279 : i32
            %parallel_loop3A_1295 = arith.index_cast %parallel_loop3A_1294 : i32 to index
            %parallel_loop3A_1296 = tpu.vector_load %arg10[%parallel_loop3A_1295] {strides = array<i32>} : memref<4112xf32, #tpu.memory_space<vmem>>, vector<16xf32>,
            %parallel_loop3A_1297 = vector.shape_cast %parallel_loop3A_1296 : vector<16xf32> to vector<16xf32>
            %parallel_loop3A_1298 = arith.subf %parallel_loop3A_1292, %parallel_loop3A_1282 : vector<16xf32>
            %parallel_loop3A_1299 = arith.subf %parallel_loop3A_1297, %parallel_loop3A_1287 : vector<16xf32>
            %parallel_loop3A_1300 = arith.mulf %parallel_loop3A_1298, %parallel_loop3A_1299 : vector<16xf32>
            %parallel_loop3A_1301 = arith.addi %mul3A_561, %parallel_loop3A_1279 : i32
            %parallel_loop3A_1302 = arith.index_cast %parallel_loop3A_1301 : i32 to index
            %parallel_loop3A_1303 = tpu.vector_load %arg9[%parallel_loop3A_1302] {strides = array<i32>} : memref<98304xf32, #tpu.memory_space<vmem>>, vector<16xf32>,
            %parallel_loop3A_1304 = vector.shape_cast %parallel_loop3A_1303 : vector<16xf32> to vector<16xf32>
            %parallel_loop3A_1305 = vector.broadcast %squeeze3A_549 : f32 to vector<16xf32>
            %parallel_loop3A_1306 = arith.minimumf %parallel_loop3A_1292, %parallel_loop3A_1305 : vector<16xf32>
            %parallel_loop3A_1307 = vector.broadcast %squeeze3A_535 : f32 to vector<16xf32>
            %parallel_loop3A_1308 = arith.maximumf %parallel_loop3A_1282, %parallel_loop3A_1307 : vector<16xf32>
            %parallel_loop3A_1309 = arith.subf %parallel_loop3A_1306, %parallel_loop3A_1308 : vector<16xf32>
            %parallel_loop3A_1310 = arith.constant 0.000000e+00 : f32
            %parallel_loop3A_1311 = vector.broadcast %parallel_loop3A_1310 : f32 to vector<16xf32>
            %parallel_loop3A_1312 = arith.maximumf %parallel_loop3A_1309, %parallel_loop3A_1311 : vector<16xf32>
            %parallel_loop3A_1313 = vector.broadcast %squeeze3A_556 : f32 to vector<16xf32>
            %parallel_loop3A_1314 = arith.minimumf %parallel_loop3A_1297, %parallel_loop3A_1313 : vector<16xf32>
            %parallel_loop3A_1315 = vector.broadcast %squeeze3A_542 : f32 to vector<16xf32>
            %parallel_loop3A_1316 = arith.maximumf %parallel_loop3A_1287, %parallel_loop3A_1315 : vector<16xf32>
            %parallel_loop3A_1317 = arith.subf %parallel_loop3A_1314, %parallel_loop3A_1316 : vector<16xf32>
            %parallel_loop3A_1318 = arith.constant 0.000000e+00 : f32
            %parallel_loop3A_1319 = vector.broadcast %parallel_loop3A_1318 : f32 to vector<16xf32>
            %parallel_loop3A_1320 = arith.maximumf %parallel_loop3A_1317, %parallel_loop3A_1319 : vector<16xf32>
            %parallel_loop3A_1321 = arith.mulf %parallel_loop3A_1312, %parallel_loop3A_1320 : vector<16xf32>
            %parallel_loop3A_1322 = vector.broadcast %mul3A_559 : f32 to vector<16xf32>
            %parallel_loop3A_1323 = arith.addf %parallel_loop3A_1322, %parallel_loop3A_1300 : vector<16xf32>
            %parallel_loop3A_1324 = arith.subf %parallel_loop3A_1323, %parallel_loop3A_1321 : vector<16xf32>
            %parallel_loop3A_1325 = arith.constant 9.99999971E-10 : f32
            %parallel_loop3A_1326 = vector.broadcast %parallel_loop3A_1325 : f32 to vector<16xf32>
            %parallel_loop3A_1327 = arith.maximumf %parallel_loop3A_1324, %parallel_loop3A_1326 : vector<16xf32>
            %parallel_loop3A_1328 = arith.divf %parallel_loop3A_1321, %parallel_loop3A_1327 : vector<16xf32>
            %parallel_loop3A_1329 = vector.broadcast %parallel_loop3A_1279 : i32 to vector<16xi32>
            %parallel_loop3A_1330 = arith.addi %iota3A, %parallel_loop3A_1329 : vector<16xi32>
            %parallel_loop3A_1331 = arith.constant 5.000000e-01 : f32
            %parallel_loop3A_1332 = vector.broadcast %parallel_loop3A_1331 : f32 to vector<16xf32>
            %parallel_loop3A_1333 = arith.cmpf ogt, %parallel_loop3A_1328, %parallel_loop3A_1332 : vector<16xf32>
            %parallel_loop3A_1334 = vector.broadcast %select_n3A_527 : i32 to vector<16xi32>
            %parallel_loop3A_1335 = arith.cmpi eq, %parallel_loop3A_1330, %parallel_loop3A_1334 : vector<16xi32>
            %parallel_loop3A_1336 = arith.ori %parallel_loop3A_1333, %parallel_loop3A_1335 : vector<16xi1>
            %parallel_loop3A_1337 = arith.constant -1.000000e+30 : f32
            %parallel_loop3A_1338 = vector.broadcast %parallel_loop3A_1337 : f32 to vector<16xf32>
            %parallel_loop3A_1339 = arith.select %parallel_loop3A_1336, %parallel_loop3A_1338, %parallel_loop3A_1304 : vector<16xi1>, vector<16xf32>
            %parallel_loop3A_1340 = arith.constant 8 : i32
            %parallel_loop3A_1341 = arith.muli %parallel_loop3A_941, %parallel_loop3A_1340 : i32
            %parallel_loop3A_1342 = arith.constant 6 : i32
            %parallel_loop3A_1343 = arith.addi %parallel_loop3A_1341, %parallel_loop3A_1342 : i32
            %parallel_loop3A_1344 = arith.constant 16 : i32
            %parallel_loop3A_1345 = arith.muli %parallel_loop3A_1343, %parallel_loop3A_1344 : i32
            %parallel_loop3A_1346 = arith.index_cast %parallel_loop3A_1345 : i32 to index
            %parallel_loop3A_1347 = tpu.vector_load %arg10[%parallel_loop3A_1346] {strides = array<i32>} : memref<4112xf32, #tpu.memory_space<vmem>>, vector<16xf32>,
            %parallel_loop3A_1348 = vector.shape_cast %parallel_loop3A_1347 : vector<16xf32> to vector<16xf32>
            %parallel_loop3A_1349 = arith.constant 1024 : i32
            %parallel_loop3A_1350 = arith.addi %parallel_loop3A_1349, %parallel_loop3A_1345 : i32
            %parallel_loop3A_1351 = arith.index_cast %parallel_loop3A_1350 : i32 to index
            %parallel_loop3A_1352 = tpu.vector_load %arg10[%parallel_loop3A_1351] {strides = array<i32>} : memref<4112xf32, #tpu.memory_space<vmem>>, vector<16xf32>,
            %parallel_loop3A_1353 = vector.shape_cast %parallel_loop3A_1352 : vector<16xf32> to vector<16xf32>
            %parallel_loop3A_1354 = arith.constant 2048 : i32
            %parallel_loop3A_1355 = arith.addi %parallel_loop3A_1354, %parallel_loop3A_1345 : i32
            %parallel_loop3A_1356 = arith.index_cast %parallel_loop3A_1355 : i32 to index
            %parallel_loop3A_1357 = tpu.vector_load %arg10[%parallel_loop3A_1356] {strides = array<i32>} : memref<4112xf32, #tpu.memory_space<vmem>>, vector<16xf32>,
            %parallel_loop3A_1358 = vector.shape_cast %parallel_loop3A_1357 : vector<16xf32> to vector<16xf32>
            %parallel_loop3A_1359 = arith.constant 3072 : i32
            %parallel_loop3A_1360 = arith.addi %parallel_loop3A_1359, %parallel_loop3A_1345 : i32
            %parallel_loop3A_1361 = arith.index_cast %parallel_loop3A_1360 : i32 to index
            %parallel_loop3A_1362 = tpu.vector_load %arg10[%parallel_loop3A_1361] {strides = array<i32>} : memref<4112xf32, #tpu.memory_space<vmem>>, vector<16xf32>,
            %parallel_loop3A_1363 = vector.shape_cast %parallel_loop3A_1362 : vector<16xf32> to vector<16xf32>
            %parallel_loop3A_1364 = arith.subf %parallel_loop3A_1358, %parallel_loop3A_1348 : vector<16xf32>
            %parallel_loop3A_1365 = arith.subf %parallel_loop3A_1363, %parallel_loop3A_1353 : vector<16xf32>
            %parallel_loop3A_1366 = arith.mulf %parallel_loop3A_1364, %parallel_loop3A_1365 : vector<16xf32>
            %parallel_loop3A_1367 = arith.addi %mul3A_561, %parallel_loop3A_1345 : i32
            %parallel_loop3A_1368 = arith.index_cast %parallel_loop3A_1367 : i32 to index
            %parallel_loop3A_1369 = tpu.vector_load %arg9[%parallel_loop3A_1368] {strides = array<i32>} : memref<98304xf32, #tpu.memory_space<vmem>>, vector<16xf32>,
            %parallel_loop3A_1370 = vector.shape_cast %parallel_loop3A_1369 : vector<16xf32> to vector<16xf32>
            %parallel_loop3A_1371 = vector.broadcast %squeeze3A_549 : f32 to vector<16xf32>
            %parallel_loop3A_1372 = arith.minimumf %parallel_loop3A_1358, %parallel_loop3A_1371 : vector<16xf32>
            %parallel_loop3A_1373 = vector.broadcast %squeeze3A_535 : f32 to vector<16xf32>
            %parallel_loop3A_1374 = arith.maximumf %parallel_loop3A_1348, %parallel_loop3A_1373 : vector<16xf32>
            %parallel_loop3A_1375 = arith.subf %parallel_loop3A_1372, %parallel_loop3A_1374 : vector<16xf32>
            %parallel_loop3A_1376 = arith.constant 0.000000e+00 : f32
            %parallel_loop3A_1377 = vector.broadcast %parallel_loop3A_1376 : f32 to vector<16xf32>
            %parallel_loop3A_1378 = arith.maximumf %parallel_loop3A_1375, %parallel_loop3A_1377 : vector<16xf32>
            %parallel_loop3A_1379 = vector.broadcast %squeeze3A_556 : f32 to vector<16xf32>
            %parallel_loop3A_1380 = arith.minimumf %parallel_loop3A_1363, %parallel_loop3A_1379 : vector<16xf32>
            %parallel_loop3A_1381 = vector.broadcast %squeeze3A_542 : f32 to vector<16xf32>
            %parallel_loop3A_1382 = arith.maximumf %parallel_loop3A_1353, %parallel_loop3A_1381 : vector<16xf32>
            %parallel_loop3A_1383 = arith.subf %parallel_loop3A_1380, %parallel_loop3A_1382 : vector<16xf32>
            %parallel_loop3A_1384 = arith.constant 0.000000e+00 : f32
            %parallel_loop3A_1385 = vector.broadcast %parallel_loop3A_1384 : f32 to vector<16xf32>
            %parallel_loop3A_1386 = arith.maximumf %parallel_loop3A_1383, %parallel_loop3A_1385 : vector<16xf32>
            %parallel_loop3A_1387 = arith.mulf %parallel_loop3A_1378, %parallel_loop3A_1386 : vector<16xf32>
            %parallel_loop3A_1388 = vector.broadcast %mul3A_559 : f32 to vector<16xf32>
            %parallel_loop3A_1389 = arith.addf %parallel_loop3A_1388, %parallel_loop3A_1366 : vector<16xf32>
            %parallel_loop3A_1390 = arith.subf %parallel_loop3A_1389, %parallel_loop3A_1387 : vector<16xf32>
            %parallel_loop3A_1391 = arith.constant 9.99999971E-10 : f32
            %parallel_loop3A_1392 = vector.broadcast %parallel_loop3A_1391 : f32 to vector<16xf32>
            %parallel_loop3A_1393 = arith.maximumf %parallel_loop3A_1390, %parallel_loop3A_1392 : vector<16xf32>
            %parallel_loop3A_1394 = arith.divf %parallel_loop3A_1387, %parallel_loop3A_1393 : vector<16xf32>
            %parallel_loop3A_1395 = vector.broadcast %parallel_loop3A_1345 : i32 to vector<16xi32>
            %parallel_loop3A_1396 = arith.addi %iota3A, %parallel_loop3A_1395 : vector<16xi32>
            %parallel_loop3A_1397 = arith.constant 5.000000e-01 : f32
            %parallel_loop3A_1398 = vector.broadcast %parallel_loop3A_1397 : f32 to vector<16xf32>
            %parallel_loop3A_1399 = arith.cmpf ogt, %parallel_loop3A_1394, %parallel_loop3A_1398 : vector<16xf32>
            %parallel_loop3A_1400 = vector.broadcast %select_n3A_527 : i32 to vector<16xi32>
            %parallel_loop3A_1401 = arith.cmpi eq, %parallel_loop3A_1396, %parallel_loop3A_1400 : vector<16xi32>
            %parallel_loop3A_1402 = arith.ori %parallel_loop3A_1399, %parallel_loop3A_1401 : vector<16xi1>
            %parallel_loop3A_1403 = arith.constant -1.000000e+30 : f32
            %parallel_loop3A_1404 = vector.broadcast %parallel_loop3A_1403 : f32 to vector<16xf32>
            %parallel_loop3A_1405 = arith.select %parallel_loop3A_1402, %parallel_loop3A_1404, %parallel_loop3A_1370 : vector<16xi1>, vector<16xf32>
            %parallel_loop3A_1406 = arith.constant 8 : i32
            %parallel_loop3A_1407 = arith.muli %parallel_loop3A_941, %parallel_loop3A_1406 : i32
            %parallel_loop3A_1408 = arith.constant 7 : i32
            %parallel_loop3A_1409 = arith.addi %parallel_loop3A_1407, %parallel_loop3A_1408 : i32
            %parallel_loop3A_1410 = arith.constant 16 : i32
            %parallel_loop3A_1411 = arith.muli %parallel_loop3A_1409, %parallel_loop3A_1410 : i32
            %parallel_loop3A_1412 = arith.index_cast %parallel_loop3A_1411 : i32 to index
            %parallel_loop3A_1413 = tpu.vector_load %arg10[%parallel_loop3A_1412] {strides = array<i32>} : memref<4112xf32, #tpu.memory_space<vmem>>, vector<16xf32>,
            %parallel_loop3A_1414 = vector.shape_cast %parallel_loop3A_1413 : vector<16xf32> to vector<16xf32>
            %parallel_loop3A_1415 = arith.constant 1024 : i32
            %parallel_loop3A_1416 = arith.addi %parallel_loop3A_1415, %parallel_loop3A_1411 : i32
            %parallel_loop3A_1417 = arith.index_cast %parallel_loop3A_1416 : i32 to index
            %parallel_loop3A_1418 = tpu.vector_load %arg10[%parallel_loop3A_1417] {strides = array<i32>} : memref<4112xf32, #tpu.memory_space<vmem>>, vector<16xf32>,
            %parallel_loop3A_1419 = vector.shape_cast %parallel_loop3A_1418 : vector<16xf32> to vector<16xf32>
            %parallel_loop3A_1420 = arith.constant 2048 : i32
            %parallel_loop3A_1421 = arith.addi %parallel_loop3A_1420, %parallel_loop3A_1411 : i32
            %parallel_loop3A_1422 = arith.index_cast %parallel_loop3A_1421 : i32 to index
            %parallel_loop3A_1423 = tpu.vector_load %arg10[%parallel_loop3A_1422] {strides = array<i32>} : memref<4112xf32, #tpu.memory_space<vmem>>, vector<16xf32>,
            %parallel_loop3A_1424 = vector.shape_cast %parallel_loop3A_1423 : vector<16xf32> to vector<16xf32>
            %parallel_loop3A_1425 = arith.constant 3072 : i32
            %parallel_loop3A_1426 = arith.addi %parallel_loop3A_1425, %parallel_loop3A_1411 : i32
            %parallel_loop3A_1427 = arith.index_cast %parallel_loop3A_1426 : i32 to index
            %parallel_loop3A_1428 = tpu.vector_load %arg10[%parallel_loop3A_1427] {strides = array<i32>} : memref<4112xf32, #tpu.memory_space<vmem>>, vector<16xf32>,
            %parallel_loop3A_1429 = vector.shape_cast %parallel_loop3A_1428 : vector<16xf32> to vector<16xf32>
            %parallel_loop3A_1430 = arith.subf %parallel_loop3A_1424, %parallel_loop3A_1414 : vector<16xf32>
            %parallel_loop3A_1431 = arith.subf %parallel_loop3A_1429, %parallel_loop3A_1419 : vector<16xf32>
            %parallel_loop3A_1432 = arith.mulf %parallel_loop3A_1430, %parallel_loop3A_1431 : vector<16xf32>
            %parallel_loop3A_1433 = arith.addi %mul3A_561, %parallel_loop3A_1411 : i32
            %parallel_loop3A_1434 = arith.index_cast %parallel_loop3A_1433 : i32 to index
            %parallel_loop3A_1435 = tpu.vector_load %arg9[%parallel_loop3A_1434] {strides = array<i32>} : memref<98304xf32, #tpu.memory_space<vmem>>, vector<16xf32>,
            %parallel_loop3A_1436 = vector.shape_cast %parallel_loop3A_1435 : vector<16xf32> to vector<16xf32>
            %parallel_loop3A_1437 = vector.broadcast %squeeze3A_549 : f32 to vector<16xf32>
            %parallel_loop3A_1438 = arith.minimumf %parallel_loop3A_1424, %parallel_loop3A_1437 : vector<16xf32>
            %parallel_loop3A_1439 = vector.broadcast %squeeze3A_535 : f32 to vector<16xf32>
            %parallel_loop3A_1440 = arith.maximumf %parallel_loop3A_1414, %parallel_loop3A_1439 : vector<16xf32>
            %parallel_loop3A_1441 = arith.subf %parallel_loop3A_1438, %parallel_loop3A_1440 : vector<16xf32>
            %parallel_loop3A_1442 = arith.constant 0.000000e+00 : f32
            %parallel_loop3A_1443 = vector.broadcast %parallel_loop3A_1442 : f32 to vector<16xf32>
            %parallel_loop3A_1444 = arith.maximumf %parallel_loop3A_1441, %parallel_loop3A_1443 : vector<16xf32>
            %parallel_loop3A_1445 = vector.broadcast %squeeze3A_556 : f32 to vector<16xf32>
            %parallel_loop3A_1446 = arith.minimumf %parallel_loop3A_1429, %parallel_loop3A_1445 : vector<16xf32>
            %parallel_loop3A_1447 = vector.broadcast %squeeze3A_542 : f32 to vector<16xf32>
            %parallel_loop3A_1448 = arith.maximumf %parallel_loop3A_1419, %parallel_loop3A_1447 : vector<16xf32>
            %parallel_loop3A_1449 = arith.subf %parallel_loop3A_1446, %parallel_loop3A_1448 : vector<16xf32>
            %parallel_loop3A_1450 = arith.constant 0.000000e+00 : f32
            %parallel_loop3A_1451 = vector.broadcast %parallel_loop3A_1450 : f32 to vector<16xf32>
            %parallel_loop3A_1452 = arith.maximumf %parallel_loop3A_1449, %parallel_loop3A_1451 : vector<16xf32>
            %parallel_loop3A_1453 = arith.mulf %parallel_loop3A_1444, %parallel_loop3A_1452 : vector<16xf32>
            %parallel_loop3A_1454 = vector.broadcast %mul3A_559 : f32 to vector<16xf32>
            %parallel_loop3A_1455 = arith.addf %parallel_loop3A_1454, %parallel_loop3A_1432 : vector<16xf32>
            %parallel_loop3A_1456 = arith.subf %parallel_loop3A_1455, %parallel_loop3A_1453 : vector<16xf32>
            %parallel_loop3A_1457 = arith.constant 9.99999971E-10 : f32
            %parallel_loop3A_1458 = vector.broadcast %parallel_loop3A_1457 : f32 to vector<16xf32>
            %parallel_loop3A_1459 = arith.maximumf %parallel_loop3A_1456, %parallel_loop3A_1458 : vector<16xf32>
            %parallel_loop3A_1460 = arith.divf %parallel_loop3A_1453, %parallel_loop3A_1459 : vector<16xf32>
            %parallel_loop3A_1461 = vector.broadcast %parallel_loop3A_1411 : i32 to vector<16xi32>
            %parallel_loop3A_1462 = arith.addi %iota3A, %parallel_loop3A_1461 : vector<16xi32>
            %parallel_loop3A_1463 = arith.constant 5.000000e-01 : f32
            %parallel_loop3A_1464 = vector.broadcast %parallel_loop3A_1463 : f32 to vector<16xf32>
            %parallel_loop3A_1465 = arith.cmpf ogt, %parallel_loop3A_1460, %parallel_loop3A_1464 : vector<16xf32>
            %parallel_loop3A_1466 = vector.broadcast %select_n3A_527 : i32 to vector<16xi32>
            %parallel_loop3A_1467 = arith.cmpi eq, %parallel_loop3A_1462, %parallel_loop3A_1466 : vector<16xi32>
            %parallel_loop3A_1468 = arith.ori %parallel_loop3A_1465, %parallel_loop3A_1467 : vector<16xi1>
            %parallel_loop3A_1469 = arith.constant -1.000000e+30 : f32
            %parallel_loop3A_1470 = vector.broadcast %parallel_loop3A_1469 : f32 to vector<16xf32>
            %parallel_loop3A_1471 = arith.select %parallel_loop3A_1468, %parallel_loop3A_1470, %parallel_loop3A_1436 : vector<16xi1>, vector<16xf32>
            %parallel_loop3A_1472 = arith.constant 16 : i32
            %parallel_loop3A_1473 = arith.muli %parallel_loop3A_947, %parallel_loop3A_1472 : i32
            %parallel_loop3A_1474 = arith.addi %mul3A_561, %parallel_loop3A_1473 : i32
            %parallel_loop3A_1475 = arith.index_cast %parallel_loop3A_1474 : i32 to index
            %parallel_loop3A_1476 = tpu.vector_load %arg9[%parallel_loop3A_1475] {strides = array<i32>} : memref<98304xf32, #tpu.memory_space<vmem>>, vector<16xf32>,
            %parallel_loop3A_1477 = vector.shape_cast %parallel_loop3A_1476 : vector<16xf32> to vector<16xf32>
            %parallel_loop3A_1478 = vector.shape_cast %parallel_loop3A_1009 : vector<16xf32> to vector<16xf32>
            tpu.vector_store %arg9[%parallel_loop3A_1475], %parallel_loop3A_1478 {strides = array<i32>} : memref<98304xf32, #tpu.memory_space<vmem>>, vector<16xf32>,
            %parallel_loop3A_1479 = arith.constant 16 : i32
            %parallel_loop3A_1480 = arith.muli %parallel_loop3A_1013, %parallel_loop3A_1479 : i32
            %parallel_loop3A_1481 = arith.addi %mul3A_561, %parallel_loop3A_1480 : i32
            %parallel_loop3A_1482 = arith.index_cast %parallel_loop3A_1481 : i32 to index
            %parallel_loop3A_1483 = tpu.vector_load %arg9[%parallel_loop3A_1482] {strides = array<i32>} : memref<98304xf32, #tpu.memory_space<vmem>>, vector<16xf32>,
            %parallel_loop3A_1484 = vector.shape_cast %parallel_loop3A_1483 : vector<16xf32> to vector<16xf32>
            %parallel_loop3A_1485 = vector.shape_cast %parallel_loop3A_1075 : vector<16xf32> to vector<16xf32>
            tpu.vector_store %arg9[%parallel_loop3A_1482], %parallel_loop3A_1485 {strides = array<i32>} : memref<98304xf32, #tpu.memory_space<vmem>>, vector<16xf32>,
            %parallel_loop3A_1486 = arith.constant 16 : i32
            %parallel_loop3A_1487 = arith.muli %parallel_loop3A_1079, %parallel_loop3A_1486 : i32
            %parallel_loop3A_1488 = arith.addi %mul3A_561, %parallel_loop3A_1487 : i32
            %parallel_loop3A_1489 = arith.index_cast %parallel_loop3A_1488 : i32 to index
            %parallel_loop3A_1490 = tpu.vector_load %arg9[%parallel_loop3A_1489] {strides = array<i32>} : memref<98304xf32, #tpu.memory_space<vmem>>, vector<16xf32>,
            %parallel_loop3A_1491 = vector.shape_cast %parallel_loop3A_1490 : vector<16xf32> to vector<16xf32>
            %parallel_loop3A_1492 = vector.shape_cast %parallel_loop3A_1141 : vector<16xf32> to vector<16xf32>
            tpu.vector_store %arg9[%parallel_loop3A_1489], %parallel_loop3A_1492 {strides = array<i32>} : memref<98304xf32, #tpu.memory_space<vmem>>, vector<16xf32>,
            %parallel_loop3A_1493 = arith.constant 16 : i32
            %parallel_loop3A_1494 = arith.muli %parallel_loop3A_1145, %parallel_loop3A_1493 : i32
            %parallel_loop3A_1495 = arith.addi %mul3A_561, %parallel_loop3A_1494 : i32
            %parallel_loop3A_1496 = arith.index_cast %parallel_loop3A_1495 : i32 to index
            %parallel_loop3A_1497 = tpu.vector_load %arg9[%parallel_loop3A_1496] {strides = array<i32>} : memref<98304xf32, #tpu.memory_space<vmem>>, vector<16xf32>,
            %parallel_loop3A_1498 = vector.shape_cast %parallel_loop3A_1497 : vector<16xf32> to vector<16xf32>
            %parallel_loop3A_1499 = vector.shape_cast %parallel_loop3A_1207 : vector<16xf32> to vector<16xf32>
            tpu.vector_store %arg9[%parallel_loop3A_1496], %parallel_loop3A_1499 {strides = array<i32>} : memref<98304xf32, #tpu.memory_space<vmem>>, vector<16xf32>,
            %parallel_loop3A_1500 = arith.constant 16 : i32
            %parallel_loop3A_1501 = arith.muli %parallel_loop3A_1211, %parallel_loop3A_1500 : i32
            %parallel_loop3A_1502 = arith.addi %mul3A_561, %parallel_loop3A_1501 : i32
            %parallel_loop3A_1503 = arith.index_cast %parallel_loop3A_1502 : i32 to index
            %parallel_loop3A_1504 = tpu.vector_load %arg9[%parallel_loop3A_1503] {strides = array<i32>} : memref<98304xf32, #tpu.memory_space<vmem>>, vector<16xf32>,
            %parallel_loop3A_1505 = vector.shape_cast %parallel_loop3A_1504 : vector<16xf32> to vector<16xf32>
            %parallel_loop3A_1506 = vector.shape_cast %parallel_loop3A_1273 : vector<16xf32> to vector<16xf32>
            tpu.vector_store %arg9[%parallel_loop3A_1503], %parallel_loop3A_1506 {strides = array<i32>} : memref<98304xf32, #tpu.memory_space<vmem>>, vector<16xf32>,
            %parallel_loop3A_1507 = arith.constant 16 : i32
            %parallel_loop3A_1508 = arith.muli %parallel_loop3A_1277, %parallel_loop3A_1507 : i32
            %parallel_loop3A_1509 = arith.addi %mul3A_561, %parallel_loop3A_1508 : i32
            %parallel_loop3A_1510 = arith.index_cast %parallel_loop3A_1509 : i32 to index
            %parallel_loop3A_1511 = tpu.vector_load %arg9[%parallel_loop3A_1510] {strides = array<i32>} : memref<98304xf32, #tpu.memory_space<vmem>>, vector<16xf32>,
            %parallel_loop3A_1512 = vector.shape_cast %parallel_loop3A_1511 : vector<16xf32> to vector<16xf32>
            %parallel_loop3A_1513 = vector.shape_cast %parallel_loop3A_1339 : vector<16xf32> to vector<16xf32>
            tpu.vector_store %arg9[%parallel_loop3A_1510], %parallel_loop3A_1513 {strides = array<i32>} : memref<98304xf32, #tpu.memory_space<vmem>>, vector<16xf32>,
            %parallel_loop3A_1514 = arith.constant 16 : i32
            %parallel_loop3A_1515 = arith.muli %parallel_loop3A_1343, %parallel_loop3A_1514 : i32
            %parallel_loop3A_1516 = arith.addi %mul3A_561, %parallel_loop3A_1515 : i32
            %parallel_loop3A_1517 = arith.index_cast %parallel_loop3A_1516 : i32 to index
            %parallel_loop3A_1518 = tpu.vector_load %arg9[%parallel_loop3A_1517] {strides = array<i32>} : memref<98304xf32, #tpu.memory_space<vmem>>, vector<16xf32>,
            %parallel_loop3A_1519 = vector.shape_cast %parallel_loop3A_1518 : vector<16xf32> to vector<16xf32>
            %parallel_loop3A_1520 = vector.shape_cast %parallel_loop3A_1405 : vector<16xf32> to vector<16xf32>
            tpu.vector_store %arg9[%parallel_loop3A_1517], %parallel_loop3A_1520 {strides = array<i32>} : memref<98304xf32, #tpu.memory_space<vmem>>, vector<16xf32>,
            %parallel_loop3A_1521 = arith.constant 16 : i32
            %parallel_loop3A_1522 = arith.muli %parallel_loop3A_1409, %parallel_loop3A_1521 : i32
            %parallel_loop3A_1523 = arith.addi %mul3A_561, %parallel_loop3A_1522 : i32
            %parallel_loop3A_1524 = arith.index_cast %parallel_loop3A_1523 : i32 to index
            %parallel_loop3A_1525 = tpu.vector_load %arg9[%parallel_loop3A_1524] {strides = array<i32>} : memref<98304xf32, #tpu.memory_space<vmem>>, vector<16xf32>,
            %parallel_loop3A_1526 = vector.shape_cast %parallel_loop3A_1525 : vector<16xf32> to vector<16xf32>
            %parallel_loop3A_1527 = vector.shape_cast %parallel_loop3A_1471 : vector<16xf32> to vector<16xf32>
            tpu.vector_store %arg9[%parallel_loop3A_1524], %parallel_loop3A_1527 {strides = array<i32>} : memref<98304xf32, #tpu.memory_space<vmem>>, vector<16xf32>,
            %parallel_loop3A_1528 = arith.cmpf ogt, %parallel_loop3A_1009, %parallel_loop3A_942 : vector<16xf32>
            %parallel_loop3A_1529 = arith.select %parallel_loop3A_1528, %parallel_loop3A_1009, %parallel_loop3A_942 : vector<16xi1>, vector<16xf32>
            %parallel_loop3A_1530 = arith.select %parallel_loop3A_1528, %parallel_loop3A_1000, %parallel_loop3A_943 : vector<16xi1>, vector<16xi32>
            %parallel_loop3A_1531 = arith.cmpf ogt, %parallel_loop3A_1075, %parallel_loop3A_1529 : vector<16xf32>
            %parallel_loop3A_1532 = arith.select %parallel_loop3A_1531, %parallel_loop3A_1075, %parallel_loop3A_1529 : vector<16xi1>, vector<16xf32>
            %parallel_loop3A_1533 = arith.select %parallel_loop3A_1531, %parallel_loop3A_1066, %parallel_loop3A_1530 : vector<16xi1>, vector<16xi32>
            %parallel_loop3A_1534 = arith.cmpf ogt, %parallel_loop3A_1141, %parallel_loop3A_1532 : vector<16xf32>
            %parallel_loop3A_1535 = arith.select %parallel_loop3A_1534, %parallel_loop3A_1141, %parallel_loop3A_1532 : vector<16xi1>, vector<16xf32>
            %parallel_loop3A_1536 = arith.select %parallel_loop3A_1534, %parallel_loop3A_1132, %parallel_loop3A_1533 : vector<16xi1>, vector<16xi32>
            %parallel_loop3A_1537 = arith.cmpf ogt, %parallel_loop3A_1207, %parallel_loop3A_1535 : vector<16xf32>
            %parallel_loop3A_1538 = arith.select %parallel_loop3A_1537, %parallel_loop3A_1207, %parallel_loop3A_1535 : vector<16xi1>, vector<16xf32>
            %parallel_loop3A_1539 = arith.select %parallel_loop3A_1537, %parallel_loop3A_1198, %parallel_loop3A_1536 : vector<16xi1>, vector<16xi32>
            %parallel_loop3A_1540 = arith.cmpf ogt, %parallel_loop3A_1273, %parallel_loop3A_1538 : vector<16xf32>
            %parallel_loop3A_1541 = arith.select %parallel_loop3A_1540, %parallel_loop3A_1273, %parallel_loop3A_1538 : vector<16xi1>, vector<16xf32>
            %parallel_loop3A_1542 = arith.select %parallel_loop3A_1540, %parallel_loop3A_1264, %parallel_loop3A_1539 : vector<16xi1>, vector<16xi32>
            %parallel_loop3A_1543 = arith.cmpf ogt, %parallel_loop3A_1339, %parallel_loop3A_1541 : vector<16xf32>
            %parallel_loop3A_1544 = arith.select %parallel_loop3A_1543, %parallel_loop3A_1339, %parallel_loop3A_1541 : vector<16xi1>, vector<16xf32>
            %parallel_loop3A_1545 = arith.select %parallel_loop3A_1543, %parallel_loop3A_1330, %parallel_loop3A_1542 : vector<16xi1>, vector<16xi32>
            %parallel_loop3A_1546 = arith.cmpf ogt, %parallel_loop3A_1405, %parallel_loop3A_1544 : vector<16xf32>
            %parallel_loop3A_1547 = arith.select %parallel_loop3A_1546, %parallel_loop3A_1405, %parallel_loop3A_1544 : vector<16xi1>, vector<16xf32>
            %parallel_loop3A_1548 = arith.select %parallel_loop3A_1546, %parallel_loop3A_1396, %parallel_loop3A_1545 : vector<16xi1>, vector<16xi32>
            %parallel_loop3A_1549 = arith.cmpf ogt, %parallel_loop3A_1471, %parallel_loop3A_1547 : vector<16xf32>
            %parallel_loop3A_1550 = arith.select %parallel_loop3A_1549, %parallel_loop3A_1471, %parallel_loop3A_1547 : vector<16xi1>, vector<16xf32>
            %parallel_loop3A_1551 = arith.select %parallel_loop3A_1549, %parallel_loop3A_1462, %parallel_loop3A_1548 : vector<16xi1>, vector<16xi32>
            scf.yield %parallel_loop3A_1550, %parallel_loop3A_1551 : vector<16xf32>, vector<16xi32>
          } {sc.loop_unroll_factor = 1 : i64, sc.parallel_access}
          %swap3A_566 = arith.constant 0 : index
          %swap3A_567 = tpu.vector_load %arg19[%swap3A_566] {strides = array<i32>} : memref<32xf32, #tpu.memory_space<vmem>>, vector<16xf32>,
          %swap3A_568 = vector.shape_cast %swap3A_567 : vector<16xf32> to vector<16xf32>
          %swap3A_569 = vector.shape_cast %parallel_loop3A_565#0 : vector<16xf32> to vector<16xf32>
          tpu.vector_store %arg19[%swap3A_566], %swap3A_569 {strides = array<i32>} : memref<32xf32, #tpu.memory_space<vmem>>, vector<16xf32>,
          %swap3A_570 = arith.constant 0 : index
          %swap3A_571 = tpu.vector_load %arg20[%swap3A_570] {strides = array<i32>} : memref<32xi32, #tpu.memory_space<vmem>>, vector<16xi32>,
          %swap3A_572 = vector.shape_cast %swap3A_571 : vector<16xi32> to vector<16xi32>
          %swap3A_573 = vector.shape_cast %parallel_loop3A_565#1 : vector<16xi32> to vector<16xi32>
          tpu.vector_store %arg20[%swap3A_570], %swap3A_573 {strides = array<i32>} : memref<32xi32, #tpu.memory_space<vmem>>, vector<16xi32>,
          %get3A_574 = arith.constant 0 : index
          %get3A_575 = tpu.vector_load %arg19[%get3A_574] {strides = array<i32>} : memref<32xf32, #tpu.memory_space<vmem>>, vector<16xf32>,
          %get3A_576 = vector.shape_cast %get3A_575 : vector<16xf32> to vector<16xf32>
          %get3A_577 = arith.constant 8 : index
          %get3A_578 = tpu.vector_load %arg19[%get3A_577] {strides = array<i32>} : memref<32xf32, #tpu.memory_space<vmem>>, vector<16xf32>,
          %get3A_579 = vector.shape_cast %get3A_578 : vector<16xf32> to vector<16xf32>
          %get3A_580 = arith.constant 0 : index
          %get3A_581 = tpu.vector_load %arg20[%get3A_580] {strides = array<i32>} : memref<32xi32, #tpu.memory_space<vmem>>, vector<16xi32>,
          %get3A_582 = vector.shape_cast %get3A_581 : vector<16xi32> to vector<16xi32>
          %get3A_583 = arith.constant 8 : index
          %get3A_584 = tpu.vector_load %arg20[%get3A_583] {strides = array<i32>} : memref<32xi32, #tpu.memory_space<vmem>>, vector<16xi32>,
          %get3A_585 = vector.shape_cast %get3A_584 : vector<16xi32> to vector<16xi32>
          %gt3A_586 = arith.cmpf ogt, %get3A_576, %get3A_579 : vector<16xf32>
          %eq3A_587 = arith.cmpf oeq, %get3A_576, %get3A_579 : vector<16xf32>
          %max3A_588 = arith.maximumf %get3A_576, %get3A_579 : vector<16xf32>
          %swap3A_589 = arith.constant 0 : index
          %swap3A_590 = tpu.vector_load %arg19[%swap3A_589] {strides = array<i32>} : memref<32xf32, #tpu.memory_space<vmem>>, vector<16xf32>,
          %swap3A_591 = vector.shape_cast %swap3A_590 : vector<16xf32> to vector<16xf32>
          %swap3A_592 = vector.shape_cast %max3A_588 : vector<16xf32> to vector<16xf32>
          tpu.vector_store %arg19[%swap3A_589], %swap3A_592 {strides = array<i32>} : memref<32xf32, #tpu.memory_space<vmem>>, vector<16xf32>,
          %min3A_593 = arith.minsi %get3A_582, %get3A_585 : vector<16xi32>
          %select_n3A_594 = arith.select %eq3A_587, %min3A_593, %get3A_585 : vector<16xi1>, vector<16xi32>
          %select_n3A_595 = arith.select %gt3A_586, %get3A_582, %select_n3A_594 : vector<16xi1>, vector<16xi32>
          %swap3A_596 = arith.constant 0 : index
          %swap3A_597 = tpu.vector_load %arg20[%swap3A_596] {strides = array<i32>} : memref<32xi32, #tpu.memory_space<vmem>>, vector<16xi32>,
          %swap3A_598 = vector.shape_cast %swap3A_597 : vector<16xi32> to vector<16xi32>
          %swap3A_599 = vector.shape_cast %select_n3A_595 : vector<16xi32> to vector<16xi32>
          tpu.vector_store %arg20[%swap3A_596], %swap3A_599 {strides = array<i32>} : memref<32xi32, #tpu.memory_space<vmem>>, vector<16xi32>,
          %get3A_600 = arith.constant 0 : index
          %get3A_601 = tpu.vector_load %arg19[%get3A_600] {strides = array<i32>} : memref<32xf32, #tpu.memory_space<vmem>>, vector<16xf32>,
          %get3A_602 = vector.shape_cast %get3A_601 : vector<16xf32> to vector<16xf32>
          %get3A_603 = arith.constant 4 : index
          %get3A_604 = tpu.vector_load %arg19[%get3A_603] {strides = array<i32>} : memref<32xf32, #tpu.memory_space<vmem>>, vector<16xf32>,
          %get3A_605 = vector.shape_cast %get3A_604 : vector<16xf32> to vector<16xf32>
          %get3A_606 = arith.constant 0 : index
          %get3A_607 = tpu.vector_load %arg20[%get3A_606] {strides = array<i32>} : memref<32xi32, #tpu.memory_space<vmem>>, vector<16xi32>,
          %get3A_608 = vector.shape_cast %get3A_607 : vector<16xi32> to vector<16xi32>
          %get3A_609 = arith.constant 4 : index
          %get3A_610 = tpu.vector_load %arg20[%get3A_609] {strides = array<i32>} : memref<32xi32, #tpu.memory_space<vmem>>, vector<16xi32>,
          %get3A_611 = vector.shape_cast %get3A_610 : vector<16xi32> to vector<16xi32>
          %gt3A_612 = arith.cmpf ogt, %get3A_602, %get3A_605 : vector<16xf32>
          %eq3A_613 = arith.cmpf oeq, %get3A_602, %get3A_605 : vector<16xf32>
          %max3A_614 = arith.maximumf %get3A_602, %get3A_605 : vector<16xf32>
          %swap3A_615 = arith.constant 0 : index
          %swap3A_616 = tpu.vector_load %arg19[%swap3A_615] {strides = array<i32>} : memref<32xf32, #tpu.memory_space<vmem>>, vector<16xf32>,
          %swap3A_617 = vector.shape_cast %swap3A_616 : vector<16xf32> to vector<16xf32>
          %swap3A_618 = vector.shape_cast %max3A_614 : vector<16xf32> to vector<16xf32>
          tpu.vector_store %arg19[%swap3A_615], %swap3A_618 {strides = array<i32>} : memref<32xf32, #tpu.memory_space<vmem>>, vector<16xf32>,
          %min3A_619 = arith.minsi %get3A_608, %get3A_611 : vector<16xi32>
          %select_n3A_620 = arith.select %eq3A_613, %min3A_619, %get3A_611 : vector<16xi1>, vector<16xi32>
          %select_n3A_621 = arith.select %gt3A_612, %get3A_608, %select_n3A_620 : vector<16xi1>, vector<16xi32>
          %swap3A_622 = arith.constant 0 : index
          %swap3A_623 = tpu.vector_load %arg20[%swap3A_622] {strides = array<i32>} : memref<32xi32, #tpu.memory_space<vmem>>, vector<16xi32>,
          %swap3A_624 = vector.shape_cast %swap3A_623 : vector<16xi32> to vector<16xi32>
          %swap3A_625 = vector.shape_cast %select_n3A_621 : vector<16xi32> to vector<16xi32>
          tpu.vector_store %arg20[%swap3A_622], %swap3A_625 {strides = array<i32>} : memref<32xi32, #tpu.memory_space<vmem>>, vector<16xi32>,
          %get3A_626 = arith.constant 0 : index
          %get3A_627 = tpu.vector_load %arg19[%get3A_626] {strides = array<i32>} : memref<32xf32, #tpu.memory_space<vmem>>, vector<16xf32>,
          %get3A_628 = vector.shape_cast %get3A_627 : vector<16xf32> to vector<16xf32>
          %get3A_629 = arith.constant 2 : index
          %get3A_630 = tpu.vector_load %arg19[%get3A_629] {strides = array<i32>} : memref<32xf32, #tpu.memory_space<vmem>>, vector<16xf32>,
          %get3A_631 = vector.shape_cast %get3A_630 : vector<16xf32> to vector<16xf32>
          %get3A_632 = arith.constant 0 : index
          %get3A_633 = tpu.vector_load %arg20[%get3A_632] {strides = array<i32>} : memref<32xi32, #tpu.memory_space<vmem>>, vector<16xi32>,
          %get3A_634 = vector.shape_cast %get3A_633 : vector<16xi32> to vector<16xi32>
          %get3A_635 = arith.constant 2 : index
          %get3A_636 = tpu.vector_load %arg20[%get3A_635] {strides = array<i32>} : memref<32xi32, #tpu.memory_space<vmem>>, vector<16xi32>,
          %get3A_637 = vector.shape_cast %get3A_636 : vector<16xi32> to vector<16xi32>
          %gt3A_638 = arith.cmpf ogt, %get3A_628, %get3A_631 : vector<16xf32>
          %eq3A_639 = arith.cmpf oeq, %get3A_628, %get3A_631 : vector<16xf32>
          %max3A_640 = arith.maximumf %get3A_628, %get3A_631 : vector<16xf32>
          %swap3A_641 = arith.constant 0 : index
          %swap3A_642 = tpu.vector_load %arg19[%swap3A_641] {strides = array<i32>} : memref<32xf32, #tpu.memory_space<vmem>>, vector<16xf32>,
          %swap3A_643 = vector.shape_cast %swap3A_642 : vector<16xf32> to vector<16xf32>
          %swap3A_644 = vector.shape_cast %max3A_640 : vector<16xf32> to vector<16xf32>
          tpu.vector_store %arg19[%swap3A_641], %swap3A_644 {strides = array<i32>} : memref<32xf32, #tpu.memory_space<vmem>>, vector<16xf32>,
          %min3A_645 = arith.minsi %get3A_634, %get3A_637 : vector<16xi32>
          %select_n3A_646 = arith.select %eq3A_639, %min3A_645, %get3A_637 : vector<16xi1>, vector<16xi32>
          %select_n3A_647 = arith.select %gt3A_638, %get3A_634, %select_n3A_646 : vector<16xi1>, vector<16xi32>
          %swap3A_648 = arith.constant 0 : index
          %swap3A_649 = tpu.vector_load %arg20[%swap3A_648] {strides = array<i32>} : memref<32xi32, #tpu.memory_space<vmem>>, vector<16xi32>,
          %swap3A_650 = vector.shape_cast %swap3A_649 : vector<16xi32> to vector<16xi32>
          %swap3A_651 = vector.shape_cast %select_n3A_647 : vector<16xi32> to vector<16xi32>
          tpu.vector_store %arg20[%swap3A_648], %swap3A_651 {strides = array<i32>} : memref<32xi32, #tpu.memory_space<vmem>>, vector<16xi32>,
          %get3A_652 = arith.constant 0 : index
          %get3A_653 = tpu.vector_load %arg19[%get3A_652] {strides = array<i32>} : memref<32xf32, #tpu.memory_space<vmem>>, vector<16xf32>,
          %get3A_654 = vector.shape_cast %get3A_653 : vector<16xf32> to vector<16xf32>
          %get3A_655 = arith.constant 1 : index
          %get3A_656 = tpu.vector_load %arg19[%get3A_655] {strides = array<i32>} : memref<32xf32, #tpu.memory_space<vmem>>, vector<16xf32>,
          %get3A_657 = vector.shape_cast %get3A_656 : vector<16xf32> to vector<16xf32>
          %get3A_658 = arith.constant 0 : index
          %get3A_659 = tpu.vector_load %arg20[%get3A_658] {strides = array<i32>} : memref<32xi32, #tpu.memory_space<vmem>>, vector<16xi32>,
          %get3A_660 = vector.shape_cast %get3A_659 : vector<16xi32> to vector<16xi32>
          %get3A_661 = arith.constant 1 : index
          %get3A_662 = tpu.vector_load %arg20[%get3A_661] {strides = array<i32>} : memref<32xi32, #tpu.memory_space<vmem>>, vector<16xi32>,
          %get3A_663 = vector.shape_cast %get3A_662 : vector<16xi32> to vector<16xi32>
          %gt3A_664 = arith.cmpf ogt, %get3A_654, %get3A_657 : vector<16xf32>
          %eq3A_665 = arith.cmpf oeq, %get3A_654, %get3A_657 : vector<16xf32>
          %max3A_666 = arith.maximumf %get3A_654, %get3A_657 : vector<16xf32>
          %swap3A_667 = arith.constant 0 : index
          %swap3A_668 = tpu.vector_load %arg19[%swap3A_667] {strides = array<i32>} : memref<32xf32, #tpu.memory_space<vmem>>, vector<16xf32>,
          %swap3A_669 = vector.shape_cast %swap3A_668 : vector<16xf32> to vector<16xf32>
          %swap3A_670 = vector.shape_cast %max3A_666 : vector<16xf32> to vector<16xf32>
          tpu.vector_store %arg19[%swap3A_667], %swap3A_670 {strides = array<i32>} : memref<32xf32, #tpu.memory_space<vmem>>, vector<16xf32>,
          %min3A_671 = arith.minsi %get3A_660, %get3A_663 : vector<16xi32>
          %select_n3A_672 = arith.select %eq3A_665, %min3A_671, %get3A_663 : vector<16xi1>, vector<16xi32>
          %select_n3A_673 = arith.select %gt3A_664, %get3A_660, %select_n3A_672 : vector<16xi1>, vector<16xi32>
          %swap3A_674 = arith.constant 0 : index
          %swap3A_675 = tpu.vector_load %arg20[%swap3A_674] {strides = array<i32>} : memref<32xi32, #tpu.memory_space<vmem>>, vector<16xi32>,
          %swap3A_676 = vector.shape_cast %swap3A_675 : vector<16xi32> to vector<16xi32>
          %swap3A_677 = vector.shape_cast %select_n3A_673 : vector<16xi32> to vector<16xi32>
          tpu.vector_store %arg20[%swap3A_674], %swap3A_677 {strides = array<i32>} : memref<32xi32, #tpu.memory_space<vmem>>, vector<16xi32>,
          %get3A_678 = arith.constant 0 : index
          %get3A_679 = tpu.vector_load %arg19[%get3A_678] {strides = array<i32>} : memref<32xf32, #tpu.memory_space<vmem>>, vector<16xf32>,
          %get3A_680 = vector.shape_cast %get3A_679 : vector<16xf32> to vector<16xf32>
          %slice3A_681 = vector.extract_strided_slice %get3A_680 {offsets = [0], sizes = [1], strides = [1]} : vector<16xf32> to vector<1xf32>
          %squeeze3A_682 = vector.extract %slice3A_681[0] : f32 from vector<1xf32>
          %get3A_683 = arith.constant 0 : index
          %get3A_684 = tpu.vector_load %arg20[%get3A_683] {strides = array<i32>} : memref<32xi32, #tpu.memory_space<vmem>>, vector<16xi32>,
          %get3A_685 = vector.shape_cast %get3A_684 : vector<16xi32> to vector<16xi32>
          %slice3A_686 = vector.extract_strided_slice %get3A_685 {offsets = [0], sizes = [1], strides = [1]} : vector<16xi32> to vector<1xi32>
          %squeeze3A_687 = vector.extract %slice3A_686[0] : i32 from vector<1xi32>
          %jit3A_688 = arith.constant 16 : i32
          %div3A_689 = arith.divsi %sub3A_530, %jit3A_688 : i32
          %sign3A_690 = arith.constant 0 : i32
          %sign3A_691 = arith.cmpi sgt, %sub3A_530, %sign3A_690 : i32
          %sign3A_692 = arith.extui %sign3A_691 : i1 to i32
          %sign3A_693 = arith.constant 0 : i32
          %sign3A_694 = arith.cmpi slt, %sub3A_530, %sign3A_693 : i32
          %sign3A_695 = arith.extui %sign3A_694 : i1 to i32
          %sign3A_696 = arith.subi %sign3A_692, %sign3A_695 : i32
          %sign3A_697 = arith.constant 0 : i32
          %sign3A_698 = arith.cmpi sgt, %jit3A_688, %sign3A_697 : i32
          %sign3A_699 = arith.extui %sign3A_698 : i1 to i32
          %sign3A_700 = arith.constant 0 : i32
          %sign3A_701 = arith.cmpi slt, %jit3A_688, %sign3A_700 : i32
          %sign3A_702 = arith.extui %sign3A_701 : i1 to i32
          %sign3A_703 = arith.subi %sign3A_699, %sign3A_702 : i32
          %ne3A_704 = arith.cmpi ne, %sign3A_696, %sign3A_703 : i32
          %rem3A_705 = arith.remsi %sub3A_530, %jit3A_688 : i32
          %ne3A_706 = arith.constant 0 : i32
          %ne3A_707 = arith.cmpi ne, %rem3A_705, %ne3A_706 : i32
          %and3A_708 = arith.andi %ne3A_704, %ne3A_707 : i1
          %sub3A_709 = arith.constant 1 : i32
          %sub3A_710 = arith.subi %div3A_689, %sub3A_709 : i32
          %select_n3A_711 = arith.select %and3A_708, %sub3A_710, %div3A_689 : i32
          %mul3A_712 = arith.constant 16 : i32
          %mul3A_713 = arith.muli %select_n3A_711, %mul3A_712 : i32
          %sub3A_714 = arith.subi %sub3A_530, %mul3A_713 : i32
          %get3A_715 = arith.index_cast %mul3A_713 : i32 to index
          %get3A_716 = tpu.vector_load %arg12[%get3A_715] {strides = array<i32>} : memref<96xf32, #tpu.memory_space<vmem>>, vector<16xf32>,
          %get3A_717 = vector.shape_cast %get3A_716 : vector<16xf32> to vector<16xf32>
          %eq3A_718 = vector.broadcast %sub3A_714 : i32 to vector<16xi32>
          %eq3A_719 = arith.cmpi eq, %iota3A, %eq3A_718 : vector<16xi32>
          %broadcast_in_dim3A_720 = vector.broadcast %squeeze3A_682 : f32 to vector<16xf32>
          %select_n3A_721 = arith.select %eq3A_719, %broadcast_in_dim3A_720, %get3A_717 : vector<16xi1>, vector<16xf32>
          %swap3A_722 = arith.index_cast %mul3A_713 : i32 to index
          %swap3A_723 = tpu.vector_load %arg12[%swap3A_722] {strides = array<i32>} : memref<96xf32, #tpu.memory_space<vmem>>, vector<16xf32>,
          %swap3A_724 = vector.shape_cast %swap3A_723 : vector<16xf32> to vector<16xf32>
          %swap3A_725 = vector.shape_cast %select_n3A_721 : vector<16xf32> to vector<16xf32>
          tpu.vector_store %arg12[%swap3A_722], %swap3A_725 {strides = array<i32>} : memref<96xf32, #tpu.memory_space<vmem>>, vector<16xf32>,
          %jit3A_726 = arith.constant 16 : i32
          %div3A_727 = arith.divsi %sub3A_530, %jit3A_726 : i32
          %sign3A_728 = arith.constant 0 : i32
          %sign3A_729 = arith.cmpi sgt, %sub3A_530, %sign3A_728 : i32
          %sign3A_730 = arith.extui %sign3A_729 : i1 to i32
          %sign3A_731 = arith.constant 0 : i32
          %sign3A_732 = arith.cmpi slt, %sub3A_530, %sign3A_731 : i32
          %sign3A_733 = arith.extui %sign3A_732 : i1 to i32
          %sign3A_734 = arith.subi %sign3A_730, %sign3A_733 : i32
          %sign3A_735 = arith.constant 0 : i32
          %sign3A_736 = arith.cmpi sgt, %jit3A_726, %sign3A_735 : i32
          %sign3A_737 = arith.extui %sign3A_736 : i1 to i32
          %sign3A_738 = arith.constant 0 : i32
          %sign3A_739 = arith.cmpi slt, %jit3A_726, %sign3A_738 : i32
          %sign3A_740 = arith.extui %sign3A_739 : i1 to i32
          %sign3A_741 = arith.subi %sign3A_737, %sign3A_740 : i32
          %ne3A_742 = arith.cmpi ne, %sign3A_734, %sign3A_741 : i32
          %rem3A_743 = arith.remsi %sub3A_530, %jit3A_726 : i32
          %ne3A_744 = arith.constant 0 : i32
          %ne3A_745 = arith.cmpi ne, %rem3A_743, %ne3A_744 : i32
          %and3A_746 = arith.andi %ne3A_742, %ne3A_745 : i1
          %sub3A_747 = arith.constant 1 : i32
          %sub3A_748 = arith.subi %div3A_727, %sub3A_747 : i32
          %select_n3A_749 = arith.select %and3A_746, %sub3A_748, %div3A_727 : i32
          %mul3A_750 = arith.constant 16 : i32
          %mul3A_751 = arith.muli %select_n3A_749, %mul3A_750 : i32
          %sub3A_752 = arith.subi %sub3A_530, %mul3A_751 : i32
          %get3A_753 = arith.index_cast %mul3A_751 : i32 to index
          %get3A_754 = tpu.vector_load %arg13[%get3A_753] {strides = array<i32>} : memref<96xi32, #tpu.memory_space<vmem>>, vector<16xi32>,
          %get3A_755 = vector.shape_cast %get3A_754 : vector<16xi32> to vector<16xi32>
          %eq3A_756 = vector.broadcast %sub3A_752 : i32 to vector<16xi32>
          %eq3A_757 = arith.cmpi eq, %iota3A, %eq3A_756 : vector<16xi32>
          %broadcast_in_dim3A_758 = vector.broadcast %squeeze3A_687 : i32 to vector<16xi32>
          %select_n3A_759 = arith.select %eq3A_757, %broadcast_in_dim3A_758, %get3A_755 : vector<16xi1>, vector<16xi32>
          %swap3A_760 = arith.index_cast %mul3A_751 : i32 to index
          %swap3A_761 = tpu.vector_load %arg13[%swap3A_760] {strides = array<i32>} : memref<96xi32, #tpu.memory_space<vmem>>, vector<16xi32>,
          %swap3A_762 = vector.shape_cast %swap3A_761 : vector<16xi32> to vector<16xi32>
          %swap3A_763 = vector.shape_cast %select_n3A_759 : vector<16xi32> to vector<16xi32>
          tpu.vector_store %arg13[%swap3A_760], %swap3A_763 {strides = array<i32>} : memref<96xi32, #tpu.memory_space<vmem>>, vector<16xi32>,
          %jit3A_764 = arith.constant 16 : i32
          %div3A_765 = arith.divsi %scan3A_372, %jit3A_764 : i32
          %sign3A_766 = arith.constant 0 : i32
          %sign3A_767 = arith.cmpi sgt, %scan3A_372, %sign3A_766 : i32
          %sign3A_768 = arith.extui %sign3A_767 : i1 to i32
          %sign3A_769 = arith.constant 0 : i32
          %sign3A_770 = arith.cmpi slt, %scan3A_372, %sign3A_769 : i32
          %sign3A_771 = arith.extui %sign3A_770 : i1 to i32
          %sign3A_772 = arith.subi %sign3A_768, %sign3A_771 : i32
          %sign3A_773 = arith.constant 0 : i32
          %sign3A_774 = arith.cmpi sgt, %jit3A_764, %sign3A_773 : i32
          %sign3A_775 = arith.extui %sign3A_774 : i1 to i32
          %sign3A_776 = arith.constant 0 : i32
          %sign3A_777 = arith.cmpi slt, %jit3A_764, %sign3A_776 : i32
          %sign3A_778 = arith.extui %sign3A_777 : i1 to i32
          %sign3A_779 = arith.subi %sign3A_775, %sign3A_778 : i32
          %ne3A_780 = arith.cmpi ne, %sign3A_772, %sign3A_779 : i32
          %rem3A_781 = arith.remsi %scan3A_372, %jit3A_764 : i32
          %ne3A_782 = arith.constant 0 : i32
          %ne3A_783 = arith.cmpi ne, %rem3A_781, %ne3A_782 : i32
          %and3A_784 = arith.andi %ne3A_780, %ne3A_783 : i1
          %sub3A_785 = arith.constant 1 : i32
          %sub3A_786 = arith.subi %div3A_765, %sub3A_785 : i32
          %select_n3A_787 = arith.select %and3A_784, %sub3A_786, %div3A_765 : i32
          %mul3A_788 = arith.constant 16 : i32
          %mul3A_789 = arith.muli %select_n3A_787, %mul3A_788 : i32
          %sub3A_790 = arith.subi %scan3A_372, %mul3A_789 : i32
          %get3A_791 = arith.index_cast %mul3A_789 : i32 to index
          %get3A_792 = tpu.vector_load %arg14[%get3A_791] {strides = array<i32>} : memref<128xf32, #tpu.memory_space<vmem>>, vector<16xf32>,
          %get3A_793 = vector.shape_cast %get3A_792 : vector<16xf32> to vector<16xf32>
          %eq3A_794 = vector.broadcast %sub3A_790 : i32 to vector<16xi32>
          %eq3A_795 = arith.cmpi eq, %iota3A, %eq3A_794 : vector<16xi32>
          %broadcast_in_dim3A_796 = vector.broadcast %squeeze3A_492 : f32 to vector<16xf32>
          %select_n3A_797 = arith.select %eq3A_795, %broadcast_in_dim3A_796, %get3A_793 : vector<16xi1>, vector<16xf32>
          %swap3A_798 = arith.index_cast %mul3A_789 : i32 to index
          %swap3A_799 = tpu.vector_load %arg14[%swap3A_798] {strides = array<i32>} : memref<128xf32, #tpu.memory_space<vmem>>, vector<16xf32>,
          %swap3A_800 = vector.shape_cast %swap3A_799 : vector<16xf32> to vector<16xf32>
          %swap3A_801 = vector.shape_cast %select_n3A_797 : vector<16xf32> to vector<16xf32>
          tpu.vector_store %arg14[%swap3A_798], %swap3A_801 {strides = array<i32>} : memref<128xf32, #tpu.memory_space<vmem>>, vector<16xf32>,
          %jit3A_802 = arith.constant 16 : i32
          %div3A_803 = arith.divsi %scan3A_372, %jit3A_802 : i32
          %sign3A_804 = arith.constant 0 : i32
          %sign3A_805 = arith.cmpi sgt, %scan3A_372, %sign3A_804 : i32
          %sign3A_806 = arith.extui %sign3A_805 : i1 to i32
          %sign3A_807 = arith.constant 0 : i32
          %sign3A_808 = arith.cmpi slt, %scan3A_372, %sign3A_807 : i32
          %sign3A_809 = arith.extui %sign3A_808 : i1 to i32
          %sign3A_810 = arith.subi %sign3A_806, %sign3A_809 : i32
          %sign3A_811 = arith.constant 0 : i32
          %sign3A_812 = arith.cmpi sgt, %jit3A_802, %sign3A_811 : i32
          %sign3A_813 = arith.extui %sign3A_812 : i1 to i32
          %sign3A_814 = arith.constant 0 : i32
          %sign3A_815 = arith.cmpi slt, %jit3A_802, %sign3A_814 : i32
          %sign3A_816 = arith.extui %sign3A_815 : i1 to i32
          %sign3A_817 = arith.subi %sign3A_813, %sign3A_816 : i32
          %ne3A_818 = arith.cmpi ne, %sign3A_810, %sign3A_817 : i32
          %rem3A_819 = arith.remsi %scan3A_372, %jit3A_802 : i32
          %ne3A_820 = arith.constant 0 : i32
          %ne3A_821 = arith.cmpi ne, %rem3A_819, %ne3A_820 : i32
          %and3A_822 = arith.andi %ne3A_818, %ne3A_821 : i1
          %sub3A_823 = arith.constant 1 : i32
          %sub3A_824 = arith.subi %div3A_803, %sub3A_823 : i32
          %select_n3A_825 = arith.select %and3A_822, %sub3A_824, %div3A_803 : i32
          %mul3A_826 = arith.constant 16 : i32
          %mul3A_827 = arith.muli %select_n3A_825, %mul3A_826 : i32
          %sub3A_828 = arith.subi %scan3A_372, %mul3A_827 : i32
          %get3A_829 = arith.index_cast %mul3A_827 : i32 to index
          %get3A_830 = tpu.vector_load %arg15[%get3A_829] {strides = array<i32>} : memref<128xi32, #tpu.memory_space<vmem>>, vector<16xi32>,
          %get3A_831 = vector.shape_cast %get3A_830 : vector<16xi32> to vector<16xi32>
          %eq3A_832 = vector.broadcast %sub3A_828 : i32 to vector<16xi32>
          %eq3A_833 = arith.cmpi eq, %iota3A, %eq3A_832 : vector<16xi32>
          %broadcast_in_dim3A_834 = vector.broadcast %sub3A_530 : i32 to vector<16xi32>
          %select_n3A_835 = arith.select %eq3A_833, %broadcast_in_dim3A_834, %get3A_831 : vector<16xi1>, vector<16xi32>
          %swap3A_836 = arith.index_cast %mul3A_827 : i32 to index
          %swap3A_837 = tpu.vector_load %arg15[%swap3A_836] {strides = array<i32>} : memref<128xi32, #tpu.memory_space<vmem>>, vector<16xi32>,
          %swap3A_838 = vector.shape_cast %swap3A_837 : vector<16xi32> to vector<16xi32>
          %swap3A_839 = vector.shape_cast %select_n3A_835 : vector<16xi32> to vector<16xi32>
          tpu.vector_store %arg15[%swap3A_836], %swap3A_839 {strides = array<i32>} : memref<128xi32, #tpu.memory_space<vmem>>, vector<16xi32>,
          %jit3A_840 = arith.constant 16 : i32
          %div3A_841 = arith.divsi %scan3A_372, %jit3A_840 : i32
          %sign3A_842 = arith.constant 0 : i32
          %sign3A_843 = arith.cmpi sgt, %scan3A_372, %sign3A_842 : i32
          %sign3A_844 = arith.extui %sign3A_843 : i1 to i32
          %sign3A_845 = arith.constant 0 : i32
          %sign3A_846 = arith.cmpi slt, %scan3A_372, %sign3A_845 : i32
          %sign3A_847 = arith.extui %sign3A_846 : i1 to i32
          %sign3A_848 = arith.subi %sign3A_844, %sign3A_847 : i32
          %sign3A_849 = arith.constant 0 : i32
          %sign3A_850 = arith.cmpi sgt, %jit3A_840, %sign3A_849 : i32
          %sign3A_851 = arith.extui %sign3A_850 : i1 to i32
          %sign3A_852 = arith.constant 0 : i32
          %sign3A_853 = arith.cmpi slt, %jit3A_840, %sign3A_852 : i32
          %sign3A_854 = arith.extui %sign3A_853 : i1 to i32
          %sign3A_855 = arith.subi %sign3A_851, %sign3A_854 : i32
          %ne3A_856 = arith.cmpi ne, %sign3A_848, %sign3A_855 : i32
          %rem3A_857 = arith.remsi %scan3A_372, %jit3A_840 : i32
          %ne3A_858 = arith.constant 0 : i32
          %ne3A_859 = arith.cmpi ne, %rem3A_857, %ne3A_858 : i32
          %and3A_860 = arith.andi %ne3A_856, %ne3A_859 : i1
          %sub3A_861 = arith.constant 1 : i32
          %sub3A_862 = arith.subi %div3A_841, %sub3A_861 : i32
          %select_n3A_863 = arith.select %and3A_860, %sub3A_862, %div3A_841 : i32
          %mul3A_864 = arith.constant 16 : i32
          %mul3A_865 = arith.muli %select_n3A_863, %mul3A_864 : i32
          %sub3A_866 = arith.subi %scan3A_372, %mul3A_865 : i32
          %get3A_867 = arith.index_cast %mul3A_865 : i32 to index
          %get3A_868 = tpu.vector_load %arg17[%get3A_867] {strides = array<i32>} : memref<128xi32, #tpu.memory_space<vmem>>, vector<16xi32>,
          %get3A_869 = vector.shape_cast %get3A_868 : vector<16xi32> to vector<16xi32>
          %eq3A_870 = vector.broadcast %sub3A_866 : i32 to vector<16xi32>
          %eq3A_871 = arith.cmpi eq, %iota3A, %eq3A_870 : vector<16xi32>
          %jit3A_872 = arith.constant 1 : i32
          %broadcast_in_dim3A_873 = vector.broadcast %jit3A_872 : i32 to vector<16xi32>
          %select_n3A_874 = arith.select %eq3A_871, %broadcast_in_dim3A_873, %get3A_869 : vector<16xi1>, vector<16xi32>
          %swap3A_875 = arith.index_cast %mul3A_865 : i32 to index
          %swap3A_876 = tpu.vector_load %arg17[%swap3A_875] {strides = array<i32>} : memref<128xi32, #tpu.memory_space<vmem>>, vector<16xi32>,
          %swap3A_877 = vector.shape_cast %swap3A_876 : vector<16xi32> to vector<16xi32>
          %swap3A_878 = vector.shape_cast %select_n3A_874 : vector<16xi32> to vector<16xi32>
          tpu.vector_store %arg17[%swap3A_875], %swap3A_878 {strides = array<i32>} : memref<128xi32, #tpu.memory_space<vmem>>, vector<16xi32>,
          %mul3A_879 = arith.constant 4 : i32
          %mul3A_880 = arith.muli %mul3A_879, %scan3A_372 : i32
          %jit3A_881 = arith.constant 16 : i32
          %div3A_882 = arith.divsi %mul3A_880, %jit3A_881 : i32
          %sign3A_883 = arith.constant 0 : i32
          %sign3A_884 = arith.cmpi sgt, %mul3A_880, %sign3A_883 : i32
          %sign3A_885 = arith.extui %sign3A_884 : i1 to i32
          %sign3A_886 = arith.constant 0 : i32
          %sign3A_887 = arith.cmpi slt, %mul3A_880, %sign3A_886 : i32
          %sign3A_888 = arith.extui %sign3A_887 : i1 to i32
          %sign3A_889 = arith.subi %sign3A_885, %sign3A_888 : i32
          %sign3A_890 = arith.constant 0 : i32
          %sign3A_891 = arith.cmpi sgt, %jit3A_881, %sign3A_890 : i32
          %sign3A_892 = arith.extui %sign3A_891 : i1 to i32
          %sign3A_893 = arith.constant 0 : i32
          %sign3A_894 = arith.cmpi slt, %jit3A_881, %sign3A_893 : i32
          %sign3A_895 = arith.extui %sign3A_894 : i1 to i32
          %sign3A_896 = arith.subi %sign3A_892, %sign3A_895 : i32
          %ne3A_897 = arith.cmpi ne, %sign3A_889, %sign3A_896 : i32
          %rem3A_898 = arith.remsi %mul3A_880, %jit3A_881 : i32
          %ne3A_899 = arith.constant 0 : i32
          %ne3A_900 = arith.cmpi ne, %rem3A_898, %ne3A_899 : i32
          %and3A_901 = arith.andi %ne3A_897, %ne3A_900 : i1
          %sub3A_902 = arith.constant 1 : i32
          %sub3A_903 = arith.subi %div3A_882, %sub3A_902 : i32
          %select_n3A_904 = arith.select %and3A_901, %sub3A_903, %div3A_882 : i32
          %mul3A_905 = arith.constant 16 : i32
          %mul3A_906 = arith.muli %select_n3A_904, %mul3A_905 : i32
          %sub3A_907 = arith.subi %mul3A_880, %mul3A_906 : i32
          %get3A_908 = arith.index_cast %mul3A_906 : i32 to index
          %get3A_909 = tpu.vector_load %arg16[%get3A_908] {strides = array<i32>} : memref<512xf32, #tpu.memory_space<vmem>>, vector<16xf32>,
          %get3A_910 = vector.shape_cast %get3A_909 : vector<16xf32> to vector<16xf32>
          %eq3A_911 = vector.broadcast %sub3A_907 : i32 to vector<16xi32>
          %eq3A_912 = arith.cmpi eq, %iota3A, %eq3A_911 : vector<16xi32>
          %mul3A_913 = arith.mulf %squeeze3A_535, %convert_element_type3A_364 : f32
          %broadcast_in_dim3A_914 = vector.broadcast %mul3A_913 : f32 to vector<16xf32>
          %select_n3A_915 = arith.select %eq3A_912, %broadcast_in_dim3A_914, %get3A_910 : vector<16xi1>, vector<16xf32>
          %add3A_916 = arith.constant 1 : i32
          %add3A_917 = arith.addi %sub3A_907, %add3A_916 : i32
          %eq3A_918 = vector.broadcast %add3A_917 : i32 to vector<16xi32>
          %eq3A_919 = arith.cmpi eq, %iota3A, %eq3A_918 : vector<16xi32>
          %mul3A_920 = arith.mulf %squeeze3A_542, %convert_element_type3A_361 : f32
          %broadcast_in_dim3A_921 = vector.broadcast %mul3A_920 : f32 to vector<16xf32>
          %select_n3A_922 = arith.select %eq3A_919, %broadcast_in_dim3A_921, %select_n3A_915 : vector<16xi1>, vector<16xf32>
          %add3A_923 = arith.constant 2 : i32
          %add3A_924 = arith.addi %sub3A_907, %add3A_923 : i32
          %eq3A_925 = vector.broadcast %add3A_924 : i32 to vector<16xi32>
          %eq3A_926 = arith.cmpi eq, %iota3A, %eq3A_925 : vector<16xi32>
          %mul3A_927 = arith.mulf %squeeze3A_549, %convert_element_type3A_364 : f32
          %broadcast_in_dim3A_928 = vector.broadcast %mul3A_927 : f32 to vector<16xf32>
          %select_n3A_929 = arith.select %eq3A_926, %broadcast_in_dim3A_928, %select_n3A_922 : vector<16xi1>, vector<16xf32>
          %add3A_930 = arith.constant 3 : i32
          %add3A_931 = arith.addi %sub3A_907, %add3A_930 : i32
          %eq3A_932 = vector.broadcast %add3A_931 : i32 to vector<16xi32>
          %eq3A_933 = arith.cmpi eq, %iota3A, %eq3A_932 : vector<16xi32>
          %mul3A_934 = arith.mulf %squeeze3A_556, %convert_element_type3A_361 : f32
          %broadcast_in_dim3A_935 = vector.broadcast %mul3A_934 : f32 to vector<16xf32>
          %select_n3A_936 = arith.select %eq3A_933, %broadcast_in_dim3A_935, %select_n3A_929 : vector<16xi1>, vector<16xf32>
          %swap3A_937 = arith.index_cast %mul3A_906 : i32 to index
          %swap3A_938 = tpu.vector_load %arg16[%swap3A_937] {strides = array<i32>} : memref<512xf32, #tpu.memory_space<vmem>>, vector<16xf32>,
          %swap3A_939 = vector.shape_cast %swap3A_938 : vector<16xf32> to vector<16xf32>
          %swap3A_940 = vector.shape_cast %select_n3A_936 : vector<16xf32> to vector<16xf32>
          tpu.vector_store %arg16[%swap3A_937], %swap3A_940 {strides = array<i32>} : memref<512xf32, #tpu.memory_space<vmem>>, vector<16xf32>,
        } else {
        }
        %scan3A_503 = arith.constant 0 : i32
        scf.yield %scan3A_503 : i32
      }
      %scan3A_371 = arith.constant 100 : i32
      "tpu.region"() ({
        %run_scoped3A = tpu.sem_alloc : memref<!tpu.dma_semaphore, #tpu.memory_space<semaphore_mem>>
        %dma_start3A = arith.constant 0 : i32
        %dma_start3A_372 = tpu.memref_slice %arg5[%add3A, %dma_start3A] : memref<8x128xf32, #tpu.memory_space<hbm>> -> memref<1x128xf32, #tpu.memory_space<hbm>>
        %dma_start3A_373 = tpu.memref_squeeze %dma_start3A_372 : memref<1x128xf32, #tpu.memory_space<hbm>> -> memref<128xf32, #tpu.memory_space<hbm>>
        %dma_start3A_374 = arith.constant 0 : i32
        %dma_start3A_375 = tpu.memref_slice %arg5[%add3A, %dma_start3A_374] : memref<8x128xf32, #tpu.memory_space<hbm>> -> memref<1x128xf32, #tpu.memory_space<hbm>>
        %dma_start3A_376 = tpu.memref_squeeze %dma_start3A_375 : memref<1x128xf32, #tpu.memory_space<hbm>> -> memref<128xf32, #tpu.memory_space<hbm>>
        tpu.enqueue_dma source(%arg14 : memref<128xf32, #tpu.memory_space<vmem>>) target(%dma_start3A_376 : memref<128xf32, #tpu.memory_space<hbm>>) target_semaphore(%run_scoped3A : memref<!tpu.dma_semaphore, #tpu.memory_space<semaphore_mem>>)
        %dma_wait3A = arith.constant 0 : i32
        %dma_wait3A_377 = tpu.memref_slice %arg5[%add3A, %dma_wait3A] : memref<8x128xf32, #tpu.memory_space<hbm>> -> memref<1x128xf32, #tpu.memory_space<hbm>>
        %dma_wait3A_378 = tpu.memref_squeeze %dma_wait3A_377 : memref<1x128xf32, #tpu.memory_space<hbm>> -> memref<128xf32, #tpu.memory_space<hbm>>
        %dma_wait3A_379 = arith.constant 0 : i32
        %dma_wait3A_380 = tpu.memref_slice %arg5[%add3A, %dma_wait3A_379] : memref<8x128xf32, #tpu.memory_space<hbm>> -> memref<1x128xf32, #tpu.memory_space<hbm>>
        %dma_wait3A_381 = tpu.memref_squeeze %dma_wait3A_380 : memref<1x128xf32, #tpu.memory_space<hbm>> -> memref<128xf32, #tpu.memory_space<hbm>>
        tpu.wait_dma2 semaphore(%run_scoped3A : memref<!tpu.dma_semaphore, #tpu.memory_space<semaphore_mem>>) src(%arg14 : memref<128xf32, #tpu.memory_space<vmem>>) dst(%dma_wait3A_381 : memref<128xf32, #tpu.memory_space<hbm>>)
        tpu.yield
      }) : () -> ()
      "tpu.region"() ({
        %run_scoped3A = tpu.sem_alloc : memref<!tpu.dma_semaphore, #tpu.memory_space<semaphore_mem>>
        %dma_start3A = arith.constant 0 : i32
        %dma_start3A_372 = tpu.memref_slice %arg6[%add3A, %dma_start3A] : memref<8x128xi32, #tpu.memory_space<hbm>> -> memref<1x128xi32, #tpu.memory_space<hbm>>
        %dma_start3A_373 = tpu.memref_squeeze %dma_start3A_372 : memref<1x128xi32, #tpu.memory_space<hbm>> -> memref<128xi32, #tpu.memory_space<hbm>>
        %dma_start3A_374 = arith.constant 0 : i32
        %dma_start3A_375 = tpu.memref_slice %arg6[%add3A, %dma_start3A_374] : memref<8x128xi32, #tpu.memory_space<hbm>> -> memref<1x128xi32, #tpu.memory_space<hbm>>
        %dma_start3A_376 = tpu.memref_squeeze %dma_start3A_375 : memref<1x128xi32, #tpu.memory_space<hbm>> -> memref<128xi32, #tpu.memory_space<hbm>>
        tpu.enqueue_dma source(%arg15 : memref<128xi32, #tpu.memory_space<vmem>>) target(%dma_start3A_376 : memref<128xi32, #tpu.memory_space<hbm>>) target_semaphore(%run_scoped3A : memref<!tpu.dma_semaphore, #tpu.memory_space<semaphore_mem>>)
        %dma_wait3A = arith.constant 0 : i32
        %dma_wait3A_377 = tpu.memref_slice %arg6[%add3A, %dma_wait3A] : memref<8x128xi32, #tpu.memory_space<hbm>> -> memref<1x128xi32, #tpu.memory_space<hbm>>
        %dma_wait3A_378 = tpu.memref_squeeze %dma_wait3A_377 : memref<1x128xi32, #tpu.memory_space<hbm>> -> memref<128xi32, #tpu.memory_space<hbm>>
        %dma_wait3A_379 = arith.constant 0 : i32
        %dma_wait3A_380 = tpu.memref_slice %arg6[%add3A, %dma_wait3A_379] : memref<8x128xi32, #tpu.memory_space<hbm>> -> memref<1x128xi32, #tpu.memory_space<hbm>>
        %dma_wait3A_381 = tpu.memref_squeeze %dma_wait3A_380 : memref<1x128xi32, #tpu.memory_space<hbm>> -> memref<128xi32, #tpu.memory_space<hbm>>
        tpu.wait_dma2 semaphore(%run_scoped3A : memref<!tpu.dma_semaphore, #tpu.memory_space<semaphore_mem>>) src(%arg15 : memref<128xi32, #tpu.memory_space<vmem>>) dst(%dma_wait3A_381 : memref<128xi32, #tpu.memory_space<hbm>>)
        tpu.yield
      }) : () -> ()
      "tpu.region"() ({
        %run_scoped3A = tpu.sem_alloc : memref<!tpu.dma_semaphore, #tpu.memory_space<semaphore_mem>>
        %dma_start3A = arith.constant 0 : i32
        %dma_start3A_372 = tpu.memref_slice %arg7[%add3A, %dma_start3A] : memref<8x512xf32, #tpu.memory_space<hbm>> -> memref<1x512xf32, #tpu.memory_space<hbm>>
        %dma_start3A_373 = tpu.memref_squeeze %dma_start3A_372 : memref<1x512xf32, #tpu.memory_space<hbm>> -> memref<512xf32, #tpu.memory_space<hbm>>
        %dma_start3A_374 = arith.constant 0 : i32
        %dma_start3A_375 = tpu.memref_slice %arg7[%add3A, %dma_start3A_374] : memref<8x512xf32, #tpu.memory_space<hbm>> -> memref<1x512xf32, #tpu.memory_space<hbm>>
        %dma_start3A_376 = tpu.memref_squeeze %dma_start3A_375 : memref<1x512xf32, #tpu.memory_space<hbm>> -> memref<512xf32, #tpu.memory_space<hbm>>
        tpu.enqueue_dma source(%arg16 : memref<512xf32, #tpu.memory_space<vmem>>) target(%dma_start3A_376 : memref<512xf32, #tpu.memory_space<hbm>>) target_semaphore(%run_scoped3A : memref<!tpu.dma_semaphore, #tpu.memory_space<semaphore_mem>>)
        %dma_wait3A = arith.constant 0 : i32
        %dma_wait3A_377 = tpu.memref_slice %arg7[%add3A, %dma_wait3A] : memref<8x512xf32, #tpu.memory_space<hbm>> -> memref<1x512xf32, #tpu.memory_space<hbm>>
        %dma_wait3A_378 = tpu.memref_squeeze %dma_wait3A_377 : memref<1x512xf32, #tpu.memory_space<hbm>> -> memref<512xf32, #tpu.memory_space<hbm>>
        %dma_wait3A_379 = arith.constant 0 : i32
        %dma_wait3A_380 = tpu.memref_slice %arg7[%add3A, %dma_wait3A_379] : memref<8x512xf32, #tpu.memory_space<hbm>> -> memref<1x512xf32, #tpu.memory_space<hbm>>
        %dma_wait3A_381 = tpu.memref_squeeze %dma_wait3A_380 : memref<1x512xf32, #tpu.memory_space<hbm>> -> memref<512xf32, #tpu.memory_space<hbm>>
        tpu.wait_dma2 semaphore(%run_scoped3A : memref<!tpu.dma_semaphore, #tpu.memory_space<semaphore_mem>>) src(%arg16 : memref<512xf32, #tpu.memory_space<vmem>>) dst(%dma_wait3A_381 : memref<512xf32, #tpu.memory_space<hbm>>)
        tpu.yield
      }) : () -> ()
      "tpu.region"() ({
        %run_scoped3A = tpu.sem_alloc : memref<!tpu.dma_semaphore, #tpu.memory_space<semaphore_mem>>
        %dma_start3A = arith.constant 0 : i32
        %dma_start3A_372 = tpu.memref_slice %arg8[%add3A, %dma_start3A] : memref<8x128xi32, #tpu.memory_space<hbm>> -> memref<1x128xi32, #tpu.memory_space<hbm>>
        %dma_start3A_373 = tpu.memref_squeeze %dma_start3A_372 : memref<1x128xi32, #tpu.memory_space<hbm>> -> memref<128xi32, #tpu.memory_space<hbm>>
        %dma_start3A_374 = arith.constant 0 : i32
        %dma_start3A_375 = tpu.memref_slice %arg8[%add3A, %dma_start3A_374] : memref<8x128xi32, #tpu.memory_space<hbm>> -> memref<1x128xi32, #tpu.memory_space<hbm>>
        %dma_start3A_376 = tpu.memref_squeeze %dma_start3A_375 : memref<1x128xi32, #tpu.memory_space<hbm>> -> memref<128xi32, #tpu.memory_space<hbm>>
        tpu.enqueue_dma source(%arg17 : memref<128xi32, #tpu.memory_space<vmem>>) target(%dma_start3A_376 : memref<128xi32, #tpu.memory_space<hbm>>) target_semaphore(%run_scoped3A : memref<!tpu.dma_semaphore, #tpu.memory_space<semaphore_mem>>)
        %dma_wait3A = arith.constant 0 : i32
        %dma_wait3A_377 = tpu.memref_slice %arg8[%add3A, %dma_wait3A] : memref<8x128xi32, #tpu.memory_space<hbm>> -> memref<1x128xi32, #tpu.memory_space<hbm>>
        %dma_wait3A_378 = tpu.memref_squeeze %dma_wait3A_377 : memref<1x128xi32, #tpu.memory_space<hbm>> -> memref<128xi32, #tpu.memory_space<hbm>>
        %dma_wait3A_379 = arith.constant 0 : i32
        %dma_wait3A_380 = tpu.memref_slice %arg8[%add3A, %dma_wait3A_379] : memref<8x128xi32, #tpu.memory_space<hbm>> -> memref<1x128xi32, #tpu.memory_space<hbm>>
        %dma_wait3A_381 = tpu.memref_squeeze %dma_wait3A_380 : memref<1x128xi32, #tpu.memory_space<hbm>> -> memref<128xi32, #tpu.memory_space<hbm>>
        tpu.wait_dma2 semaphore(%run_scoped3A : memref<!tpu.dma_semaphore, #tpu.memory_space<semaphore_mem>>) src(%arg17 : memref<128xi32, #tpu.memory_space<vmem>>) dst(%dma_wait3A_381 : memref<128xi32, #tpu.memory_space<hbm>>)
        tpu.yield
      }) : () -> ()
    } else {
    }
    return
  }
}

</mosaic_0001>

<sc_bundles>
// kernel: kernel.3.cloned.1.call-start
scs
__scs_entry_jumppad:
0x0: {  	(pc) =	sbr.rel $0x88, $3  }
0x1: {  	(tag) =	ssettag $0x0;
	lr =	simm.s32 $0x1  }
0x2: {  	[smem:$0x3F9E] =	sst lr;
	_ =	strace $0xD0000000  }
0x3: {  	_ = 	snop  }
0x4: {  	_ = 	snop  }
0x5: {  	_ = 	snop  }
0x6: {  	_ = 	snop  }
0x7: {  	_ = 	snop  }
__scs_overlays_trampoline_lowered:
0x8: {  	[smem:$0x3FAD] =	sst s0  }
0x9: {  	[smem:$0x3FAE] =	sst s1  }
0xa: {  	[smem:$0x3FAF] =	sst s2  }
0xb: {  	[smem:$0x3FB0] =	sst s3  }
0xc: {  	[smem:$0x3FB1] =	sst s4  }
0xd: {  	[smem:$0x3FB2] =	sst s5  }
0xe: {  	[smem:$0x3FB3] =	sst s6  }
0xf: {  	[smem:$0x3FB4] =	sst s7  }
0x10: {  	[smem:$0x3FB5] =	sst s8  }
0x11: {  	[smem:$0x3FB6] =	sst s9;
	s0 =	simm.s32 @!p0 $0x0  }
0x12: {  	s1 =	sld [smem:$0x3F9C];
	s0 =	simm.s32 @p0 $0x1  }
0x13: {  	[smem:$0x3FB7] =	sst s0;
	s0 =	simm.s32 @!p1 $0x0  }
0x14: {  	s2 =	sld [smem:$0x3F9B];
	s0 =	simm.s32 @p1 $0x1  }
0x15: {  	[smem:$0x3FB8] =	sst s0;
	s0 =	simm.s32 @!p2 $0x0  }
0x16: {  	s3 =	sld [smem:$0x3FDB];
	s0 =	simm.s32 @p2 $0x1  }
0x17: {  	s4 =	simm.s32 $0x1BF5;
	[smem:$0x3FBA] =	sst s0  }
0x18: {  	s0 =	sld [smem:$0x3F9D];
	_ =	swait.ge [sflag:s4], $0x0  }
0x19: {  	s7 =	sld [smem:$0x3F9E]  }
0x1a: {  	s8 =	sadd.s32 $0xFFFFE003, lr  }
0x1b: {  	s9 =	sadd.s32 $0xFFFFFEF7, lr;
	s5 =	simm.s32 $0xFFFFFFFF;
	p2 =	slt.u32 s8, $0xFFFFF086  }
0x1c: {  	p1 =	slt.u32 s9, $0xF7A;
	s5 =	simm.s32 @!p2 $0x0  }
0x1d: {  	s5 =	simm.s32 @p1 $0x1;
	p0 =	seq.s32 s7, s2  }
0x1e: {  	s7 =	smul.u32 @!p0 $0xF7A, s2;
	p2 =	seq.s32 @!p0 s5, $0x0  }
0x1f: {  	s9 =	smul.u32 $0xF7A, s1;
	s8 =	simm.s32 @!p0 $0x1BF5;
	p2 =	por !p2, p0  }
0x20: {  	[sflag:s8] =	ssyncset.s32 @!p0 $0xFFFFF086;
	s6 =	sadd.s32 @!p0 s3, s7;
	s7 =	simm.s32 @!p0 $0x108  }
0x21: {  	s3 =	sadd.s32 s3, s9;
	s6 =	sadd.s32 @!p0 $0x88, s6;
	s7 =	simm.s32 @p2 $0x1082  }
0x22: {  	[simem:s7], [sflag:s8] =	dma.local @!p0 [hbm:s6], $0xF7A  }
0x23: {  	s9 =	sor.u32 $0xD0000000, s2;
	s6 =	simm.s32 $0x108;
	_ =	swait.ge @!p0 [sflag:s8], $0x0  }
0x24: {  	s3 =	sadd.s32 $0x88, s3;
	s6 =	simm.s32 @!p1 $0x1082;
	[sflag:s4] =	ssyncset.s32 $0xFFFFF086  }
0x25: {  	[simem:s6], [sflag:s4] =	dma.local [hbm:s3], $0xF7A  }
0x26: {  	[smem:$0x3F9E] =	sst s1;
	(tag) =	ssettag s2;
	_ =	strace s9  }
0x27: {  	s1 =	sld [smem:$0x3FAE]  }
0x28: {  	s2 =	sld [smem:$0x3FAF]  }
0x29: {  	s4 =	sld [smem:$0x3FB1]  }
0x2a: {  	p0 =	seq.s32 s5, $0x0;
	s5 =	sld [smem:$0x3FB2]  }
0x2b: {  	s6 =	sld [smem:$0x3FB3]  }
0x2c: {  	s7 =	sld [smem:$0x3FB4]  }
0x2d: {  	s3 =	simm.s32 $0x108;
	s8 =	sld [smem:$0x3FB5]  }
0x2e: {  	s3 =	simm.s32 @!p0 $0x1082;
	s9 =	sld [smem:$0x3FB6]  }
0x2f: {  	lr =	sadd.s32 s0, s3;
	s0 =	sld [smem:$0x3FAD]  }
0x30: {  	s3 =	sld [smem:$0x3FB0]  }
0x31: {  	[smem:$0x3FB9] =	sst s10  }
0x32: {  	s10 =	sld [smem:$0x3FB7];
	_ =	sdelay $0x3  }
0x33: {  	p0 =	seq.s32 s10, $0x1;
	s10 =	sld [smem:$0x3FB9];
	_ =	sdelay $0x3  }
0x34: {  	[smem:$0x3FB9] =	sst s10  }
0x35: {  	s10 =	sld [smem:$0x3FB8];
	_ =	sdelay $0x3  }
0x36: {  	p1 =	seq.s32 s10, $0x1;
	s10 =	sld [smem:$0x3FB9];
	_ =	sdelay $0x3  }
0x37: {  	[smem:$0x3FB9] =	sst s10  }
0x38: {  	s10 =	sld [smem:$0x3FBA]  }
0x39: {  	_ = 	snop;
	(pc) =	sbr.ind lr, $3  }
0x3a: {  	_ = 	snop  }
0x3b: {  	_ = 	snop  }
0x3c: {  	p2 =	seq.s32 s10, $0x1;
	s10 =	sld [smem:$0x3FB9]  }
0x3d: {  	_ =	shalt  }
0x3e: {  	_ =	shalt  }
0x3f: {  	_ =	shalt  }
0x40: {  	_ =	shalt  }
0x41: {  	_ =	shalt  }
0x42: {  	_ =	shalt  }
0x43: {  	_ =	shalt  }
0x44: {  	_ =	shalt  }
0x45: {  	_ =	shalt  }
0x46: {  	_ =	shalt  }
0x47: {  	_ =	shalt  }
0x48: {  	_ =	shalt  }
0x49: {  	_ =	shalt  }
0x4a: {  	_ =	shalt  }
0x4b: {  	_ =	shalt  }
0x4c: {  	_ =	shalt  }
0x4d: {  	_ =	shalt  }
0x4e: {  	_ =	shalt  }
0x4f: {  	_ =	shalt  }
0x50: {  	_ =	shalt  }
0x51: {  	_ =	shalt  }
0x52: {  	_ =	shalt  }
0x53: {  	_ =	shalt  }
0x54: {  	_ =	shalt  }
0x55: {  	_ =	shalt  }
0x56: {  	_ =	shalt  }
0x57: {  	_ =	shalt  }
0x58: {  	_ =	shalt  }
0x59: {  	_ =	shalt  }
0x5a: {  	_ =	shalt  }
0x5b: {  	_ =	shalt  }
0x5c: {  	_ =	shalt  }
0x5d: {  	_ =	shalt  }
0x5e: {  	_ =	shalt  }
0x5f: {  	_ =	shalt  }
0x60: {  	_ =	shalt  }
0x61: {  	_ =	shalt  }
0x62: {  	_ =	shalt  }
0x63: {  	_ =	shalt  }
0x64: {  	_ =	shalt  }
0x65: {  	_ =	shalt  }
0x66: {  	_ =	shalt  }
0x67: {  	_ =	shalt  }
0x68: {  	_ =	shalt  }
0x69: {  	_ =	shalt  }
0x6a: {  	_ =	shalt  }
0x6b: {  	_ =	shalt  }
0x6c: {  	_ =	shalt  }
0x6d: {  	_ =	shalt  }
0x6e: {  	_ =	shalt  }
0x6f: {  	_ =	shalt  }
0x70: {  	_ =	shalt  }
0x71: {  	_ =	shalt  }
0x72: {  	_ =	shalt  }
0x73: {  	_ =	shalt  }
0x74: {  	_ =	shalt  }
0x75: {  	_ =	shalt  }
0x76: {  	_ =	shalt  }
0x77: {  	_ =	shalt  }
0x78: {  	_ =	shalt  }
0x79: {  	_ =	shalt  }
0x7a: {  	_ =	shalt  }
0x7b: {  	_ =	shalt  }
0x7c: {  	_ =	shalt  }
0x7d: {  	_ =	shalt  }
0x7e: {  	_ =	shalt  }
0x7f: {  	_ =	shalt  }
0x80: {  	_ =	shalt  }
0x81: {  	_ =	shalt  }
0x82: {  	_ =	shalt  }
0x83: {  	_ =	shalt  }
0x84: {  	_ =	shalt  }
0x85: {  	_ =	shalt  }
0x86: {  	_ =	shalt  }
0x87: {  	_ =	shalt  }
.Lfunc_end0:
.L_simem_size_0:
called_computation_lowered:
.L_overlay_start_0:
0x88: {  	s2 =	sld [smem:$0x3FD9]  }
0x89: {  	s3 =	sld [smem:$0x3FFE];
	_ =	sdelay $0x1  }
0x8a: {  	s1 =	srdreg.scid  }
0x8b: {  	s0 =	sand.u32 $0x1, s1  }
0x8c: {  	s14 =	sshll.u32 s0, $0xA;
	s2 =	sadd.s32 s3, s2  }
0x8d: {  	s2 =	sadd.s32 s2, s14  }
0x8e: {  	[smem:$0x3FC5] =	sst s2  }
0x8f: {  	_ = 	snop  }
0x90: {  	s2 =	sld [smem:$0x3FD0];
	_ =	sdelay $0x2  }
0x91: {  	s15 =	simm.s32 $0xA;
	s4 =	simm.s32 $0x10  }
0x92: {  	[smem:s4], [sflag:s15] =	dma.local [hbm:s2], $0x1  }
0x93: {  	_ =	swait.eq [sflag:s15], $0x1  }
0x94: {  	s16 =	sld [smem:$0x10];
	[sflag:s15] =	ssyncset.done $0x0  }
0x95: {  	s17 =	sld [smem:$0x11];
	[sflag:s15] =	ssyncadd.s32 $0xFFFFFFFF  }
0x96: {  	s18 =	sld [smem:$0x12];
	(tm) =	ssettm $0x1  }
0x97: {  	s5 =	sld [smem:$0x3FFB];
	_ =	sdelay $0x3  }
0x98: {  	_ =	strace s5  }
0x99: {  	s5 =	sld [smem:$0x3FFC];
	_ =	sdelay $0x3  }
0x9a: {  	_ =	strace s5  }
0x9b: {  	s5 =	sld [smem:$0x3FFD];
	_ =	sdelay $0x3  }
0x9c: {  	_ =	strace s5  }
0x9d: {  	_ =	strace $0x8FFFFFFF  }
0x9e: {  	s19 =	sld [smem:$0x3FDB];
	_ =	sdelay $0x1  }
0x9f: {  	s6 =	simm.s32 $_scs_section_size  }
0xa0: {  	s7 =	simm.s32 $_size__tile_overlayer_lowered;
	s8 =	simm.s32 $_tile_overlayer_lowered  }
0xa1: {  	s22 =	simm.s32 $0x1BFF;
	s21 =	sshll.u32 s8, $0x1;
	s5 =	sadd.s32 s6, s19  }
0xa2: {  	s9 =	simm.s32 $0x0;
	s20 =	sshll.u32 s7, $0x1;
	s7 =	sadd.s32 s21, s5  }
0xa3: {  	[timem:s9], [sflag:s22] =	dma.local [hbm:s7], s20  }
0xa4: {  	_ =	swait.ge [sflag:s22], s20  }
0xa5: {  	s6 =	ssub.s32 $0x0, s20;
	[sflag:s22] =	ssyncset.done $0x0  }
0xa6: {  	[sflag:s22] =	ssyncadd.s32 s6;
	_ =	sdelay $0x1  }
0xa7: {  	s23 =	simm.s32 $0x1B8B  }
0xa8: {  	_ =	swait.ge [sflag:s23], $0x1  }
0xa9: {  	[sflag:s23] =	ssyncset.done $0x0  }
0xaa: {  	s25 =	simm.s32 $0x1B8E;
	s24 =	sld [smem:$0x3FFE];
	[sflag:s23] =	ssyncadd.s32 $0xFFFFFFFF  }
0xab: {  	s26 =	simm.s32 $execute0_lowered;
	[smem:$0x3FD2] =	sst s25  }
0xac: {  	s7 =	sshll.u32 s26, $0x1;
	_ =	strace $0x80000046;
	[dreg:$0x1] =	wrdreg $0xFFFFFFFF  }
0xad: {  	s28 =	simm.s32 $_size_execute0_lowered;
	s5 =	sadd.s32 s5, s7;
	[dreg:$0x0] =	wrdreg $0x0  }
0xae: {  	s7 =	sshll.u32 s28, $0x1;
	[dreg:$0x2] =	wrdreg s5  }
0xaf: {  	[dreg:$0x3] =	wrdreg s7  }
0xb0: {  	[dreg:$0x4] =	wrdreg $0xC0  }
0xb1: {  	_ =	task [dreg:s9], $0x5FFFF  }
0xb2: {  	[dreg:$0x1] =	wrdreg $0xFFFFFFFF  }
0xb3: {  	[dreg:$0x0] =	wrdreg $0x60  }
0xb4: {  	[dreg:$0x2] =	wrdreg s24  }
0xb5: {  	[dreg:$0x3] =	wrdreg s16  }
0xb6: {  	[dreg:$0x4] =	wrdreg s17  }
0xb7: {  	[dreg:$0x5] =	wrdreg s18  }
0xb8: {  	[dreg:$0x6] =	wrdreg $0x1F0800  }
0xb9: {  	[dreg:$0x7] =	wrdreg $0x1F0A00  }
0xba: {  	[dreg:$0x8] =	wrdreg $0x1A8800  }
0xbb: {  	[dreg:$0x9] =	wrdreg $0x9  }
0xbc: {  	_ =	task.clear_ibuf [dreg:s9], $0xAFFFF;
	_ =	strace $0x90000046  }
0xbd: {  	s29 =	simm.s32 $0x9;
	_ =	strace $0x80000048  }
0xbe: {  	_ =	swait.ge [sflag:s29], $0x1  }
0xbf: {  	[sflag:s29] =	ssyncadd.s32 $0xFFFFFFFF  }
0xc0: {  	_ =	strace $0x90000048  }
0xc1: {  	_ =	sfence  }
0xc2: {  	s30 =	sld [smem:$0x0];
	_ =	sdelay $0x2  }
0xc3: {  	s31 =	sshll.u32 s1, $0xD;
	s1 =	sshrl.u32 s1, $0x2  }
0xc4: {  	s3 =	sand.u32 $0x4000, s31;
	s1 =	sadd.s32 s1, s30  }
0xc5: {  	s0 =	sor.u32 s3, s0;
	s1 =	sshll.u32 s1, $0x11  }
0xc6: {  	s0 =	sor.u32 s1, s0  }
0xc7: {  	s0 =	sadd.s32 $0x8F2B, s0  }
0xc8: {  	[sflag:s0] =	ssyncadd.remote.s32 $0x1  }
0xc9: {  	_ =	sfence.sel $0xFFFF  }
0xca: {  	[dreg:$0x0] =	wrdreg $0xFFFFFFFF;
	(pc) =	sbr.abs _section_cstart, $3  }
0xcb: {  	[dreg:$0x1] =	wrdreg $0xFFFFFFFF  }
0xcc: {  	_ =	task.clear_ibuf [dreg:s9], $0x2FFFF;
	_ =	strace $0x9FFFFFFF  }
0xcd: {  	(tm) =	ssettm $0x7FFFFFFF  }
tec
execute0_lowered:
.L_overlay_start_1:
0x0: {  	(tag) =	ssettag $0x1  }
0x1: {  	s0 =	rddreg [dreg:$0x0]  }
0x2: {  	s1 =	rddreg [dreg:$0x1]  }
0x3: {  	s8 =	rddreg [dreg:$0x2]  }
0x4: {  	s9 =	rddreg [dreg:$0x3]  }
0x5: {  	s10 =	rddreg [dreg:$0x4]  }
0x6: {  	s11 =	rddreg [dreg:$0x5]  }
0x7: {  	s3 =	rddreg [dreg:$0x6];
	s2 =	srdreg.scid  }
0x8: {  	s5 =	stileid.u32;
	s17 =	simm.s32 $0x80;
	s18 =	simm.s32 $0x400  }
0x9: {  	s19 =	simm.s32 $0x1;
	s20 =	simm.s32 $0x1A680;
	s4 =	sand.u32 $0x1, s2  }
0xa: {  	s12 =	sand.u32 $0x3, s5;
	s21 =	sshll.u32 s5, $0x5;
	s2 =	simm.s32 $0x0  }
0xb: {  	s22 =	sshll.u32 s4, $0x9;
	s13 =	sand.u32 $0x180, s21;
	s6 =	smul.u32 $0x30000, s12  }
0xc: {  	[smem:$0x7FF] =	sst s2;
	s4 =	ssub.s32 $0x2, s4;
	s23 =	smul.u32 $0x60000, s12  }
0xd: {  	s15 =	sshll.u32 s12, $0x5;
	p0 =	seq.s32 s12, $0x0;
	s21 =	simm.s32 $0x1A700  }
0xe: {  	s5 =	sor.u32 s22, s13;
	_ =	strace $0x80000047;
	s7 =	sshrl.u32 s4, $0x1  }
0xf: {  	s3 =	sadd.s32 s13, s3;
	s24 =	sor.u32 s15, s13;
	s25 =	sadd.s32 s13, s10  }
0x10: {  	s26 =	sadd.s32 s13, s11;
	s22 =	simm.s32 $0x200;
	s6 =	sor.u32 s6, s5  }
0x11: {  	s14 =	sshrl.u32 s5, $0x3;
	s5 =	sshrl.u32 s23, $0x2;
	[dreg:$0x8] =	wrdreg s3  }
0x12: {  	s16 =	ssub.s32 s4, s7;
	s7 =	sadd.s32 s24, s11;
	[dreg:$0x9] =	wrdreg s25  }
0x13: {  	[dreg:$0xa] =	wrdreg s26;
	s25 =	simm.s32 $0x0;
	s6 =	sshrl.u32 s6, $0x3  }
0x14: {  	s5 =	sadd.s32 s5, s3;
	s1 =	sadd.s32 s1, s14;
	s30 =	sadd.s32 s8, s14  }
0x15: {  	s31 =	sadd.s32 s9, s14;
	s6 =	sadd.s32 s6, s0;
	[dreg:$0xd] =	wrdreg s1  }
.Ltmp0:
0x16: {  	s0 =	sadd.s32 s14, s0;
	[dreg:$0xe] =	wrdreg s30;
	(pc) =	sbr.rel .LBB2_1-.Ltmp0, $4  }
0x17: {  	s16 =	smax.u32 s16, $0x1;
	[dreg:$0xf] =	wrdreg s31;
	s28 =	sadd.s32 $0x800, s0  }
0x18: {  	s5 =	sadd.s32 $0xFFFE8000, s5;
	s29 =	sadd.s32 $0x1800, s0;
	[dreg:$0xb] =	wrdreg s28  }
0x19: {  	v0 =	vimm.f32 $-1.000000020e+30;
	v1 =	vimm.s32 $0x40000000;
	v2 =	vlaneseq.u32;
	s4 =	sadd.s32 $0x1A00, s6;
	s0 =	sadd.s32 $0x19A00, s0;
	[dreg:$0xc] =	wrdreg s29  }
0x1a: {  	vm0 =	vmmov $0xff;
	v3 =	vimm.f32 $0.0e+00;
	v4 =	vimm.s32 $0x0;
	s6 =	sadd.s32 s24, s10;
	[dreg:$0x10] =	wrdreg s0;
	s0 =	simm.s32 $0x0  }
.LBB2_21:
0x1b: {  	s1 =	rddreg [dreg:$0xd];
	s3 =	simm.s32 $0x1A180  }
0x1c: {  	[hbm4b:s1+s2] =	stream.linear.scatter [tilespmem:s3], [sflag:$0x1], $0x80, $0x38;
	[tilespmem:$0x1F0C0] =	vst v63  }
0x1d: {  	_ =	swait.ge [sflag:s19], $0x80  }
0x1e: {  	[sflag:s19] =	ssyncset.done $0x0  }
0x1f: {  	s26 =	simm.s32 $0x1A200;
	s24 =	rddreg [dreg:$0xe];
	[sflag:s19] =	ssyncadd.s32 $0xFFFFFF80  }
0x20: {  	[hbm4b:s24+s2] =	stream.linear.scatter [tilespmem:s26], [sflag:$0x1], $0x80, $0x38;
	[tilespmem:$0x1F0C0] =	vst v63  }
0x21: {  	_ =	swait.ge [sflag:s19], $0x80  }
0x22: {  	[sflag:s19] =	ssyncset.done $0x0  }
0x23: {  	s29 =	simm.s32 $0x1A280;
	s28 =	rddreg [dreg:$0xf];
	[sflag:s19] =	ssyncadd.s32 $0xFFFFFF80  }
0x24: {  	[hbm4b:s28+s17] =	stream.strided.scatter [tilespmem:s29], [sflag:$0x1], $0x200, s18, s17, $0x38;
	[tilespmem:$0x1F0C0] =	vst v63  }
0x25: {  	_ =	swait.ge [sflag:s19], $0x200  }
0x26: {  	[sflag:s19] =	ssyncset.done $0x0  }
0x27: {  	s31 =	simm.s32 $0x1A480;
	s30 =	rddreg [dreg:$0x10];
	[sflag:s19] =	ssyncadd.s32 $0xFFFFFE00  }
0x28: {  	[hbm4b:s30+s2] =	stream.linear.scatter [tilespmem:s31], [sflag:$0x1], $0x80, $0x38;
	[tilespmem:$0x1F0C0] =	vst v63  }
0x29: {  	_ =	swait.ge [sflag:s19], $0x80  }
0x2a: {  	[sflag:s19] =	ssyncset.done $0x0  }
0x2b: {  	[sflag:s19] =	ssyncadd.s32 $0xFFFFFF80  }
.LBB2_22:
0x2c: {  	s0 =	sadd.s32 $0x1, s0  }
0x2d: {  	p1 =	sne.s32 s0, s16  }
.Ltmp1:
0x2e: {  	_ = 	snop;
	(pc) =	sbr.rel @!p1 .LBB2_23-.Ltmp1, $1  }
0x2f: {  	_ =	sdelay $0x3  }
.LBB2_1:
0x30: {  	[tilespmem:$0x1A590] =	vst v0  }
0x31: {  	[tilespmem:$0x1A610] =	vst v1  }
0x32: {  	[tilespmem:s2], [sflag:$0x1] =	stream.strided.gather [hbm4b:s4+s17], $0x6000, s18, s17, $0x38;
	[tilespmem:$0x1F0C0] =	vst v63  }
0x33: {  	_ =	swait.ge [sflag:s19], $0x6000  }
0x34: {  	[sflag:s19] =	ssyncset.done $0x0  }
0x35: {  	s1 =	simm.s32 $0x40;
	s8 =	simm.s32 $0x0;
	[sflag:s19] =	ssyncadd.s32 $0xFFFFA000  }
.LBB2_2:
0x36: {  	v5 =	vld [tilespmem:s1+$0x20]  }
0x37: {  	v6 =	vld [tilespmem:s1+$0x30];
	_ =	sdelay $0x3  }
0x38: {  	v7 =	vld [tilespmem:s1+$0x10];
	v5 =	vsub.f32 $0.0e+00, v5  }
0x39: {  	v6 =	vsub.f32 $0.0e+00, v6  }
0x3a: {  	v5 =	vmul.f32 $1.442695020e+00, v5  }
0x3b: {  	v6 =	vmul.f32 $1.442695020e+00, v6  }
0x3c: {  	(erf) = vpow2.f32 v5  }
0x3d: {  	v5 =	vsub.f32 $0.0e+00, v7;
	(erf) = vpow2.f32 v6;
	_ =	sdelay $0x1  }
0x3e: {  	v5 =	vmul.f32 $1.442695020e+00, v5;
	_ =	sdelay $0x1  }
0x3f: {  	(erf) = vpow2.f32 v5;
	_ =	sdelay $0x3  }
0x40: {  	v6 =	vld [tilespmem:s1+$0xFFFFFFC0];
	v5 =	vpop (erf)  }
0x41: {  	v5 =	vadd.f32 $1.000000000e+00, v5;
	v7 =	vpop (erf)  }
0x42: {  	v7 =	vadd.f32 $1.000000000e+00, v7  }
0x43: {  	(erf) = vrcp.f32 v5;
	v5 =	vld [tilespmem:s1+$0xFFFFFFD0]  }
0x44: {  	(erf) = vrcp.f32 v7;
	v7 =	vld [tilespmem:s1+$0xFFFFFFE0]  }
0x45: {  	v6 =	vsub.f32 $0.0e+00, v6;
	v8 =	vpop (erf)  }
0x46: {  	v8 =	vadd.f32 $1.000000000e+00, v8  }
0x47: {  	v6 =	vmul.f32 $1.442695020e+00, v6  }
0x48: {  	(erf) = vrcp.f32 v8;
	v5 =	vsub.f32 $0.0e+00, v5  }
0x49: {  	(erf) = vpow2.f32 v6;
	v6 =	vsub.f32 $0.0e+00, v7  }
0x4a: {  	v8 =	vld [tilespmem:s1+$0x0]  }
0x4b: {  	v9 =	vld [tilespmem:s1+$0xFFFFFFF0]  }
0x4c: {  	v7 =	vmul.f32 $1.442695020e+00, v5;
	v5 =	vpop (erf)  }
0x4d: {  	s9 =	sadd.s32 $0x80, s1;
	v10 =	vmul.f32 $1.442695020e+00, v6;
	[tilespmem:s1+$0x20] =	vst v5;
	v6 =	vpop (erf)  }
0x4e: {  	(erf) = vpow2.f32 v7;
	v7 =	vld [tilespmem:s9+$0x20];
	[tilespmem:s1+$0x30] =	vst v6  }
0x4f: {  	v8 =	vsub.f32 $0.0e+00, v8;
	(erf) = vpow2.f32 v10;
	v10 =	vld [tilespmem:s9+$0x30]  }
0x50: {  	v9 =	vsub.f32 $0.0e+00, v9  }
0x51: {  	v8 =	vmul.f32 $1.442695020e+00, v8  }
0x52: {  	v9 =	vmul.f32 $1.442695020e+00, v9;
	_ =	sdelay $0x1  }
0x53: {  	(erf) = vpow2.f32 v9;
	v11 =	vpop (erf);
	v9 =	vsub.f32 $0.0e+00, v10  }
0x54: {  	(erf) = vpow2.f32 v8;
	v8 =	vpop (erf);
	v7 =	vsub.f32 $0.0e+00, v7  }
0x55: {  	[tilespmem:s1+$0x10] =	vst v11;
	v8 =	vadd.f32 $1.000000000e+00, v8  }
0x56: {  	v10 =	vld [tilespmem:s9+$0x10];
	v7 =	vmul.f32 $1.442695020e+00, v7  }
0x57: {  	(erf) = vrcp.f32 v8;
	v8 =	vmul.f32 $1.442695020e+00, v9;
	v9 =	vpop (erf)  }
0x58: {  	(erf) = vpow2.f32 v7;
	v7 =	vadd.f32 $1.000000000e+00, v9;
	v9 =	vpop (erf)  }
0x59: {  	(erf) = vpow2.f32 v8;
	v8 =	vadd.f32 $1.000000000e+00, v9;
	_ =	sdelay $0x1  }
0x5a: {  	(erf) = vrcp.f32 v7;
	v7 =	vsub.f32 $0.0e+00, v10  }
0x5b: {  	v9 =	vpop (erf)  }
0x5c: {  	v9 =	vadd.f32 $1.000000000e+00, v9;
	(erf) = vrcp.f32 v8;
	v7 =	vmul.f32 $1.442695020e+00, v7;
	v8 =	vpop (erf)  }
0x5d: {  	v8 =	vadd.f32 $1.000000000e+00, v8  }
0x5e: {  	(erf) = vrcp.f32 v9  }
0x5f: {  	(erf) = vpow2.f32 v7  }
0x60: {  	(erf) = vrcp.f32 v8;
	v7 =	vpop (erf)  }
0x61: {  	v8 =	vpop (erf)  }
0x62: {  	v9 =	vpop (erf)  }
0x63: {  	v10 =	vimm.f32 $-1.000000020e+30;
	[tilespmem:s1+$0xFFFFFFC0] =	vst v7;
	v9 =	vadd.f32 $1.000000000e+00, v9  }
0x64: {  	vm1 =	vgt.f32 v7, v10;
	v12 =	vld [tilespmem:s9+$0xFFFFFFC0];
	v8 =	vadd.f32 $1.000000000e+00, v8  }
0x65: {  	v7 =	vsel vm1, v7, v10;
	v13 =	vpop (erf)  }
0x66: {  	v15 =	vimm.s32 $0x0;
	s30 =	simm.s32 $0x10;
	[tilespmem:s1+$0xFFFFFFD0] =	vst v13;
	v10 =	vpop (erf);
	(erf) = vrcp.f32 v8;
	vm2 =	vgt.f32 v13, v7  }
0x67: {  	s10 =	simm.s32 $0x0;
	s31 =	simm.s32 $0x20;
	v17 =	vor.u32 s30, v2;
	v14 =	vld [tilespmem:s9+$0xFFFFFFD0];
	[tilespmem:s1+$0xFFFFFFE0] =	vst v10;
	(erf) = vrcp.f32 v9;
	v7 =	vsel vm2, v13, v7;
	v9 =	vpop (erf)  }
0x68: {  	v62 =	vor.u32 s31, v2;
	v8 =	vor.u32 s10, v2;
	v13 =	vld [tilespmem:s9+$0xFFFFFFE0];
	vm4 =	vgt.f32 v10, v7;
	v16 =	vpop (erf);
	[tilespmem:s1+$0xFFFFFFF0] =	vst v9  }
0x69: {  	v8 =	vsel vm1, v8, v15;
	v12 =	vsub.f32 $0.0e+00, v12;
	v7 =	vsel vm4, v10, v7;
	v15 =	vld [tilespmem:s9+$0xFFFFFFF0];
	v10 =	vpop (erf)  }
0x6a: {  	v8 =	vsel vm2, v17, v8;
	vm3 =	vgt.f32 v9, v7;
	v16 =	vadd.f32 $1.000000000e+00, v16;
	[tilespmem:s1+$0x0] =	vst v10  }
0x6b: {  	v12 =	vmul.f32 $1.442695020e+00, v12;
	v7 =	vsel vm3, v9, v7;
	v9 =	vsel vm4, v62, v8;
	v61 =	vld [tilespmem:s9+$0x0]  }
0x6c: {  	v14 =	vsub.f32 $0.0e+00, v14;
	vm1 =	vgt.f32 v10, v7;
	(erf) = vrcp.f32 v16  }
0x6d: {  	v7 =	vsel vm1, v10, v7;
	(erf) = vpow2.f32 v12;
	v12 =	vsub.f32 $0.0e+00, v13  }
0x6e: {  	s12 =	simm.s32 $0x30;
	v63 =	vmul.f32 $1.442695020e+00, v14;
	vm2 =	vgt.f32 v11, v7;
	v14 =	vsub.f32 $0.0e+00, v15  }
0x6f: {  	s11 =	simm.s32 $0x70;
	s14 =	simm.s32 $0x40;
	v10 =	vor.u32 s12, v2;
	v8 =	vpop (erf);
	v11 =	vsel vm2, v11, v7;
	v13 =	vmul.f32 $1.442695020e+00, v12  }
0x70: {  	s13 =	sadd.s32 $0x80, s9;
	s10 =	simm.s32 $0xF0;
	s12 =	simm.s32 $0x170;
	[tilespmem:s9+$0x20] =	vst v8;
	(erf) = vpow2.f32 v63;
	v7 =	vpop (erf);
	v12 =	vmul.f32 $1.442695020e+00, v14;
	v14 =	vsub.f32 $0.0e+00, v61  }
.LBB2_3:
0x71: {  	p1 =	sne.s32 s12, $0x3F0  }
0x72: {  	v15 =	vld [tilespmem:s13+$0x20];
	[tilespmem:s9+$0x30] =	vst v7;
	(erf) = vpow2.f32 v13;
	s23 =	sadd.s32 $0xFFFFFFE0, s11;
	v9 =	vsel vm3, v10, v9;
	vm3 =	vgt.f32 v5, v11;
	s24 =	smov.u32 s12;
	s12 =	sadd.s32 $0x80, s12  }
0x73: {  	v10 =	vld [tilespmem:s13+$0x30];
	v13 =	vmul.f32 $1.442695020e+00, v14;
	(erf) = vpow2.f32 v12;
	v12 =	vor.u32 s23, v2  }
0x74: {  	v16 =	vor.u32 s11, v2;
	v14 =	vor.u32 s14, v2;
	s14 =	sadd.s32 $0xFFFFFFF0, s11;
	v11 =	vsel vm3, v5, v11;
	v5 =	vmovc v8;
	s11 =	smov.u32 s10;
	s10 =	smov.u32 s24  }
0x75: {  	v8 =	vsel vm1, v14, v9;
	vm1 =	vgt.f32 v6, v11;
	(erf) = vpow2.f32 v13;
	v17 =	vpop (erf)  }
0x76: {  	v13 =	vor.u32 s14, v2;
	v8 =	vsel vm2, v12, v8;
	v11 =	vsel vm1, v6, v11;
	[tilespmem:s9+$0x10] =	vst v17;
	v9 =	vpop (erf)  }
0x77: {  	v6 =	vmovc v7;
	v8 =	vsel vm3, v13, v8;
	v12 =	vld [tilespmem:s13+$0x10];
	v14 =	vsub.f32 $0.0e+00, v15;
	v15 =	vadd.f32 $1.000000000e+00, v9  }
0x78: {  	v8 =	vsel vm1, v16, v8;
	v7 =	vsub.f32 $0.0e+00, v10  }
0x79: {  	v13 =	vmul.f32 $1.442695020e+00, v14;
	(erf) = vrcp.f32 v15  }
0x7a: {  	v7 =	vmul.f32 $1.442695020e+00, v7;
	v9 =	vpop (erf)  }
0x7b: {  	(erf) = vpow2.f32 v13;
	v9 =	vadd.f32 $1.000000000e+00, v9;
	v10 =	vpop (erf)  }
0x7c: {  	v12 =	vsub.f32 $0.0e+00, v12;
	(erf) = vpow2.f32 v7;
	v13 =	vadd.f32 $1.000000000e+00, v10;
	v10 =	vpop (erf)  }
0x7d: {  	v10 =	vadd.f32 $1.000000000e+00, v10;
	(erf) = vrcp.f32 v9  }
0x7e: {  	v9 =	vmul.f32 $1.442695020e+00, v12;
	(erf) = vrcp.f32 v13;
	v7 =	vpop (erf)  }
0x7f: {  	v12 =	vadd.f32 $1.000000000e+00, v7;
	(erf) = vrcp.f32 v10  }
0x80: {  	(erf) = vpow2.f32 v9  }
0x81: {  	(erf) = vrcp.f32 v12  }
0x82: {  	v7 =	vpop (erf)  }
0x83: {  	[tilespmem:s9+$0xFFFFFFC0] =	vst v7;
	vm1 =	vgt.f32 v7, v11  }
0x84: {  	v9 =	vld [tilespmem:s13+$0xFFFFFFC0];
	v10 =	vpop (erf);
	v7 =	vsel vm1, v7, v11  }
0x85: {  	v13 =	vadd.f32 $1.000000000e+00, v10;
	v11 =	vpop (erf)  }
0x86: {  	v11 =	vadd.f32 $1.000000000e+00, v11;
	v12 =	vpop (erf)  }
0x87: {  	s14 =	sadd.s32 $0xFFFFFF90, s11;
	(erf) = vrcp.f32 v13;
	[tilespmem:s9+$0xFFFFFFD0] =	vst v12;
	vm2 =	vgt.f32 v12, v7;
	v10 =	vpop (erf)  }
0x88: {  	v13 =	vld [tilespmem:s13+$0xFFFFFFD0];
	(erf) = vrcp.f32 v11;
	v11 =	vor.u32 s14, v2;
	s14 =	sadd.s32 $0xFFFFFFA0, s11;
	[tilespmem:s9+$0xFFFFFFE0] =	vst v10;
	v7 =	vsel vm2, v12, v7;
	v12 =	vpop (erf)  }
0x89: {  	v9 =	vsub.f32 $0.0e+00, v9;
	v14 =	vld [tilespmem:s13+$0xFFFFFFE0];
	v15 =	vpop (erf);
	[tilespmem:s9+$0xFFFFFFF0] =	vst v12;
	v8 =	vsel vm1, v11, v8;
	vm4 =	vgt.f32 v10, v7  }
0x8a: {  	v16 =	vor.u32 s14, v2;
	s14 =	sadd.s32 $0xFFFFFFB0, s11;
	v11 =	vld [tilespmem:s13+$0xFFFFFFF0];
	v15 =	vadd.f32 $1.000000000e+00, v15;
	v7 =	vsel vm4, v10, v7;
	v10 =	vpop (erf)  }
0x8b: {  	v8 =	vsel vm2, v16, v8;
	v9 =	vmul.f32 $1.442695020e+00, v9;
	[tilespmem:s9+$0x0] =	vst v10;
	vm3 =	vgt.f32 v12, v7;
	s9 =	smov.u32 s13  }
0x8c: {  	v16 =	vld [tilespmem:s13+$0x0];
	(erf) = vrcp.f32 v15;
	v15 =	vor.u32 s14, v2;
	v7 =	vsel vm3, v12, v7  }
.Ltmp2:
0x8d: {  	v12 =	vsub.f32 $0.0e+00, v13;
	(erf) = vpow2.f32 v9;
	vm1 =	vgt.f32 v10, v7;
	(pc) =	sbr.rel @p1 .LBB2_3-.Ltmp2, $4  }
0x8e: {  	s14 =	sadd.s32 $0xFFFFFFC0, s11;
	v9 =	vsel vm4, v15, v8;
	v13 =	vsub.f32 $0.0e+00, v14;
	v7 =	vsel vm1, v10, v7  }
0x8f: {  	v15 =	vmul.f32 $1.442695020e+00, v12;
	v12 =	vsub.f32 $0.0e+00, v11;
	vm2 =	vgt.f32 v17, v7  }
0x90: {  	v10 =	vor.u32 s14, v2;
	v13 =	vmul.f32 $1.442695020e+00, v13;
	v8 =	vpop (erf);
	v11 =	vsel vm2, v17, v7  }
0x91: {  	s13 =	sadd.s32 $0x80, s13;
	s14 =	sadd.s32 $0xFFFFFFD0, s11;
	v12 =	vmul.f32 $1.442695020e+00, v12;
	v14 =	vsub.f32 $0.0e+00, v16;
	[tilespmem:s9+$0x20] =	vst v8;
	(erf) = vpow2.f32 v15;
	v7 =	vpop (erf)  }
0x92: {  	_ = 	snop  }
0x93: {  	(erf) = vpow2.f32 v13;
	_ =	sdelay $0x1  }
0x94: {  	v33 =	vmul.f32 $1.442695020e+00, v14;
	(erf) = vpow2.f32 v12;
	_ =	sdelay $0x1  }
0x95: {  	(erf) = vpow2.f32 v33;
	v34 =	vpop (erf)  }
0x96: {  	v35 =	vpop (erf)  }
0x97: {  	v13 =	vadd.f32 $1.000000000e+00, v35  }
0x98: {  	v36 =	vpop (erf)  }
0x99: {  	(erf) = vrcp.f32 v13;
	v37 =	vadd.f32 $1.000000000e+00, v36  }
0x9a: {  	v38 =	vpop (erf)  }
0x9b: {  	v14 =	vadd.f32 $1.000000000e+00, v38;
	(erf) = vrcp.f32 v37  }
0x9c: {  	v39 =	vpop (erf)  }
0x9d: {  	v13 =	vadd.f32 $1.000000000e+00, v39;
	(erf) = vrcp.f32 v14  }
0x9e: {  	v40 =	vpop (erf)  }
0x9f: {  	vm4 =	vgt.f32 v5, v11;
	v14 =	vadd.f32 $1.000000000e+00, v40;
	(erf) = vrcp.f32 v13  }
0xa0: {  	v5 =	vsel vm4, v5, v11  }
0xa1: {  	vm5 =	vgt.f32 v6, v5;
	(erf) = vrcp.f32 v14  }
0xa2: {  	v5 =	vsel vm5, v6, v5;
	v6 =	vpop (erf)  }
0xa3: {  	vm6 =	vgt.f32 v6, v5  }
0xa4: {  	v5 =	vsel vm6, v6, v5;
	v41 =	vpop (erf)  }
0xa5: {  	vm7 =	vgt.f32 v41, v5  }
0xa6: {  	v42 =	vpop (erf);
	v5 =	vsel vm7, v41, v5  }
0xa7: {  	s12 =	sadd.s32 $0xFFFFFFE0, s11;
	v9 =	vsel vm3, v10, v9;
	v43 =	vor.u32 s14, v2;
	vm3 =	vgt.f32 v42, v5  }
0xa8: {  	s13 =	sadd.s32 $0xFFFFFFF0, s11;
	v9 =	vsel vm1, v43, v9;
	v44 =	vor.u32 s12, v2;
	v45 =	vpop (erf);
	v5 =	vsel vm3, v42, v5  }
0xa9: {  	v46 =	vor.u32 s13, v2;
	v9 =	vsel vm2, v44, v9;
	vm1 =	vgt.f32 v45, v5  }
0xaa: {  	v47 =	vor.u32 s11, v2;
	s14 =	sadd.s32 $0xFFFFFF90, s10;
	v9 =	vsel vm4, v46, v9;
	v15 =	vpop (erf);
	v5 =	vsel vm1, v45, v5  }
0xab: {  	s15 =	sadd.s32 $0xFFFFFFA0, s10;
	v48 =	vor.u32 s14, v2;
	v9 =	vsel vm5, v47, v9;
	vm2 =	vgt.f32 v15, v5  }
0xac: {  	[tilespmem:s9+$0x30] =	vst v7;
	s23 =	sadd.s32 $0xFFFFFFB0, s10;
	v49 =	vor.u32 s15, v2;
	v9 =	vsel vm6, v48, v9;
	v5 =	vsel vm2, v15, v5  }
0xad: {  	s24 =	sadd.s32 $0xFFFFFFC0, s10;
	v50 =	vor.u32 s23, v2;
	[tilespmem:s9+$0x10] =	vst v34;
	v9 =	vsel vm7, v49, v9;
	vm15 =	vgt.f32 v34, v5  }
0xae: {  	s26 =	sadd.s32 $0xFFFFFFD0, s10;
	[tilespmem:s9+$0xFFFFFFC0] =	vst v6;
	v6 =	vor.u32 s24, v2;
	v9 =	vsel vm3, v50, v9;
	v5 =	vsel vm15, v34, v5  }
0xaf: {  	s28 =	sadd.s32 $0xFFFFFFE0, s10;
	v51 =	vor.u32 s26, v2;
	[tilespmem:s9+$0xFFFFFFD0] =	vst v41;
	v6 =	vsel vm1, v6, v9;
	vm1 =	vgt.f32 v8, v5  }
0xb0: {  	s29 =	sadd.s32 $0xFFFFFFF0, s10;
	v52 =	vor.u32 s28, v2;
	[tilespmem:s9+$0xFFFFFFE0] =	vst v42;
	v6 =	vsel vm2, v51, v6;
	v5 =	vsel vm1, v8, v5  }
0xb1: {  	v53 =	vor.u32 s29, v2;
	[tilespmem:s9+$0xFFFFFFF0] =	vst v45;
	v6 =	vsel vm15, v52, v6;
	vm2 =	vgt.f32 v7, v5  }
0xb2: {  	v54 =	vor.u32 s10, v2;
	[tilespmem:s9+$0x0] =	vst v15;
	v6 =	vsel vm1, v53, v6;
	v5 =	vsel vm2, v7, v5  }
0xb3: {  	v6 =	vsel vm2, v54, v6;
	[tilespmem:$0x1A580] =	vst v5  }
0xb4: {  	[tilespmem:$0x1A600] =	vst v6;
	v5 =	vld [tilespmem:$0x1A580]  }
0xb5: {  	v7 =	vld [tilespmem:$0x1A608]  }
0xb6: {  	v55 =	vld [tilespmem:$0x1A588];
	_ =	sdelay $0x3  }
0xb7: {  	vm1 =	vlt.s32 v6, v7  }
0xb8: {  	vm2 =	veq.f32 v5, v55;
	v9 =	vsel vm1, v6, v7  }
0xb9: {  	vm1 =	vgt.f32 v5, v55;
	v5 =	vmax.f32 v5, v55;
	v7 =	vsel vm2, v9, v7  }
0xba: {  	[tilespmem:$0x1A580] =	vst v5;
	v5 =	vsel vm1, v6, v7  }
0xbb: {  	v6 =	vld [tilespmem:$0x1A580];
	[tilespmem:$0x1A600] =	vst v5  }
0xbc: {  	v7 =	vld [tilespmem:$0x1A604]  }
0xbd: {  	v56 =	vld [tilespmem:$0x1A584];
	_ =	sdelay $0x3  }
0xbe: {  	vm1 =	vlt.s32 v5, v7  }
0xbf: {  	vm2 =	veq.f32 v6, v56;
	v57 =	vsel vm1, v5, v7  }
0xc0: {  	vm1 =	vgt.f32 v6, v56;
	v6 =	vmax.f32 v6, v56;
	v7 =	vsel vm2, v57, v7  }
0xc1: {  	[tilespmem:$0x1A580] =	vst v6;
	v5 =	vsel vm1, v5, v7  }
0xc2: {  	v6 =	vld [tilespmem:$0x1A580];
	[tilespmem:$0x1A600] =	vst v5  }
0xc3: {  	v7 =	vld [tilespmem:$0x1A602]  }
0xc4: {  	v58 =	vld [tilespmem:$0x1A582];
	_ =	sdelay $0x3  }
0xc5: {  	vm1 =	vlt.s32 v5, v7  }
0xc6: {  	vm2 =	veq.f32 v6, v58;
	v59 =	vsel vm1, v5, v7  }
0xc7: {  	vm1 =	vgt.f32 v6, v58;
	v6 =	vmax.f32 v6, v58;
	v7 =	vsel vm2, v59, v7  }
0xc8: {  	[tilespmem:$0x1A580] =	vst v6;
	v5 =	vsel vm1, v5, v7  }
0xc9: {  	v6 =	vld [tilespmem:$0x1A580];
	[tilespmem:$0x1A600] =	vst v5  }
0xca: {  	v7 =	vld [tilespmem:$0x1A601]  }
0xcb: {  	v60 =	vld [tilespmem:$0x1A581];
	_ =	sdelay $0x3  }
0xcc: {  	vm1 =	vlt.s32 v5, v7  }
0xcd: {  	vm2 =	veq.f32 v6, v60;
	v61 =	vsel vm1, v5, v7  }
0xce: {  	vm1 =	vgt.f32 v6, v60;
	v6 =	vmax.f32 v6, v60;
	v7 =	vsel vm2, v61, v7  }
0xcf: {  	[tilespmem:$0x1A580] =	vst v6;
	v5 =	vsel vm1, v5, v7  }
0xd0: {  	s30 =	sand.u32 $0x10, s8;
	[tilespmem:$0x1A600] =	vst v5  }
0xd1: {  	v6 =	vld [tilespmem:s30+$0x1A680]  }
0xd2: {  	v7 =	vld.msk [tilespmem:$0x1A580 ss:$0x0], $0xffff  }
0xd3: {  	s31 =	sand.u32 $0xF, s8;
	s8 =	sadd.s32 $0x1, s8;
	v62 =	vld [tilespmem:s30+$0x1A700]  }
0xd4: {  	p1 =	sne.s32 s8, $0x18  }
.Ltmp3:
0xd5: {  	v63 =	vmov s31;
	(pc) =	sbr.rel @p1 .LBB2_2-.Ltmp3, $4  }
0xd6: {  	vm1 =	veq.s32 v63, v2;
	v5 =	vbroadcast v5, $0x0  }
0xd7: {  	v6 =	vsel vm1, v7, v6  }
0xd8: {  	v5 =	vsel vm1, v5, v62;
	[tilespmem:s30+$0x1A680] =	vst v6  }
0xd9: {  	s1 =	sadd.s32 $0x400, s1;
	[tilespmem:s30+$0x1A700] =	vst v5  }
.Ltmp4:
0xda: {  	(pc) =	sbr.rel @p0 .LBB2_7-.Ltmp4, $1  }
0xdb: {  	_ =	sdelay $0x3  }
0xdc: {  	[spmem:s5] =	stream.strided.scatter [tilespmem:s2], [sflag:$0x1], $0x6000, s22, s17, $0x38;
	[tilespmem:$0x1F0C0] =	vst v63  }
0xdd: {  	_ =	swait.ge [sflag:s19], $0x6000  }
0xde: {  	[sflag:s19] =	ssyncset.done $0x0  }
0xdf: {  	[sflag:s19] =	ssyncadd.s32 $0xFFFFA000  }
0xe0: {  	[spmem:s6] =	stream.linear.scatter [tilespmem:s20], [sflag:$0x1], $0x20, $0x38;
	[tilespmem:$0x1F0C0] =	vst v63  }
0xe1: {  	_ =	swait.ge [sflag:s19], $0x20  }
0xe2: {  	[sflag:s19] =	ssyncset.done $0x0  }
0xe3: {  	[sflag:s19] =	ssyncadd.s32 $0xFFFFFFE0  }
0xe4: {  	[spmem:s7] =	stream.linear.scatter [tilespmem:s21], [sflag:$0x1], $0x20, $0x38;
	[tilespmem:$0x1F0C0] =	vst v63  }
.Ltmp5:
0xe5: {  	_ =	swait.ge [sflag:s19], $0x20;
	(pc) =	sbr.rel .LBB2_22-.Ltmp5, $3  }
0xe6: {  	[sflag:s19] =	ssyncset.done $0x0  }
0xe7: {  	[sflag:s19] =	ssyncadd.s32 $0xFFFFFFE0  }
0xe8: {  	[bflag:$0x0] =	sbarrier.arrive $0xFFFF;
	_ =	sdelay $0x1  }
.LBB2_7:
0xe9: {  	[spmem:s6] =	stream.linear.scatter [tilespmem:s20], [sflag:$0x1], $0x20, $0x38;
	[tilespmem:$0x1F0C0] =	vst v63  }
0xea: {  	_ =	swait.ge [sflag:s19], $0x20  }
0xeb: {  	[sflag:s19] =	ssyncset.done $0x0  }
0xec: {  	[sflag:s19] =	ssyncadd.s32 $0xFFFFFFE0  }
0xed: {  	[spmem:s7] =	stream.linear.scatter [tilespmem:s21], [sflag:$0x1], $0x20, $0x38;
	[tilespmem:$0x1F0C0] =	vst v63  }
0xee: {  	_ =	swait.ge [sflag:s19], $0x20  }
0xef: {  	[sflag:s19] =	ssyncset.done $0x0  }
0xf0: {  	[sflag:s19] =	ssyncadd.s32 $0xFFFFFFE0  }
0xf1: {  	[bflag:$0x0] =	sbarrier.arrive $0xFFFF  }
0xf2: {  	s3 =	simm.s32 $0x6000;
	s1 =	rddreg [dreg:$0x8]  }
0xf3: {  	[tilespmem:s3], [sflag:$0x1] =	stream.strided.gather [spmem:s1], $0x12000, s22, s17, $0x38;
	[tilespmem:$0x1F0C0] =	vst v63  }
0xf4: {  	_ =	swait.ge [sflag:s19], $0x12000  }
0xf5: {  	[sflag:s19] =	ssyncset.done $0x0  }
0xf6: {  	s23 =	simm.s32 $0x1A780;
	s15 =	rddreg [dreg:$0x9];
	[sflag:s19] =	ssyncadd.s32 $0xFFFEE000  }
0xf7: {  	[tilespmem:s23], [sflag:$0x1] =	stream.linear.gather [spmem:s15], $0x80, $0x38;
	[tilespmem:$0x1F0C0] =	vst v63  }
0xf8: {  	_ =	swait.ge [sflag:s19], $0x80  }
0xf9: {  	[sflag:s19] =	ssyncset.done $0x0  }
0xfa: {  	s26 =	simm.s32 $0x1A800;
	s24 =	rddreg [dreg:$0xa];
	[sflag:s19] =	ssyncadd.s32 $0xFFFFFF80  }
0xfb: {  	[tilespmem:s26], [sflag:$0x1] =	stream.linear.gather [spmem:s24], $0x80, $0x38;
	[tilespmem:$0x1F0C0] =	vst v63  }
0xfc: {  	_ =	swait.ge [sflag:s19], $0x80  }
0xfd: {  	[sflag:s19] =	ssyncset.done $0x0  }
0xfe: {  	s29 =	simm.s32 $0x19080;
	s28 =	rddreg [dreg:$0xb];
	[sflag:s19] =	ssyncadd.s32 $0xFFFFFF80  }
0xff: {  	[tilespmem:s29], [sflag:$0x1] =	stream.strided.gather [hbm4b:s28+s17], $0x1000, s18, s17, $0x38;
	[tilespmem:$0x1F0C0] =	vst v63  }
0x100: {  	_ =	swait.ge [sflag:s19], $0x1000  }
0x101: {  	[sflag:s19] =	ssyncset.done $0x0  }
0x102: {  	s31 =	simm.s32 $0x1A500;
	s30 =	rddreg [dreg:$0xc];
	[sflag:s19] =	ssyncadd.s32 $0xFFFFF000  }
0x103: {  	[tilespmem:s31], [sflag:$0x1] =	stream.linear.gather [hbm4b:s30+s2], $0x80, $0x38;
	[tilespmem:$0x1F0C0] =	vst v63  }
0x104: {  	_ =	swait.ge [sflag:s19], $0x80  }
0x105: {  	[sflag:s19] =	ssyncset.done $0x0  }
0x106: {  	[sflag:s19] =	ssyncadd.s32 $0xFFFFFF80  }
0x107: {  	v5 =	vld [tilespmem:$0x1A780]  }
0x108: {  	v6 =	vld [tilespmem:$0x1A800]  }
0x109: {  	v7 =	vld [tilespmem:$0x1A790]  }
0x10a: {  	v8 =	vld [tilespmem:$0x1A810]  }
0x10b: {  	v9 =	vld [tilespmem:$0x1A798]  }
0x10c: {  	v10 =	vld [tilespmem:$0x1A818]  }
0x10d: {  	v11 =	vld [tilespmem:$0x1A7A8]  }
0x10e: {  	v12 =	vld [tilespmem:$0x1A828]  }
0x10f: {  	v13 =	vld [tilespmem:$0x1A7C0]  }
0x110: {  	v14 =	vld [tilespmem:$0x1A840]  }
0x111: {  	[tilespmem:$0x1A080] =	vst v5;
	v5 =	vld [tilespmem:$0x1A7D0]  }
0x112: {  	[tilespmem:$0x1A100] =	vst v6;
	v6 =	vsel vm0, v7, v9;
	v7 =	vld [tilespmem:$0x1A850]  }
0x113: {  	[tilespmem:$0x1A0A0] =	vst v11;
	v9 =	vld [tilespmem:$0x1A7E8]  }
0x114: {  	v8 =	vsel vm0, v8, v10;
	[tilespmem:$0x1A120] =	vst v12;
	v10 =	vld [tilespmem:$0x1A868]  }
0x115: {  	[tilespmem:$0x1A090] =	vst v6;
	v6 =	vld [tilespmem:$0x1A7D8]  }
0x116: {  	[tilespmem:$0x1A110] =	vst v8;
	v8 =	vld [tilespmem:$0x1A858]  }
0x117: {  	[tilespmem:$0x1A0B0] =	vst v13  }
0x118: {  	[tilespmem:$0x1A130] =	vst v14  }
0x119: {  	[tilespmem:$0x1A0D0] =	vst v9  }
0x11a: {  	[tilespmem:$0x1A150] =	vst v10;
	v5 =	vsel vm0, v5, v6  }
0x11b: {  	v6 =	vsel vm0, v7, v8;
	[tilespmem:$0x1A0C0] =	vst v5  }
0x11c: {  	s8 =	simm.s32 $0x19880;
	[tilespmem:$0x1A140] =	vst v6  }
0x11d: {  	v5 =	vld [tilespmem:s8+$0x430]  }
0x11e: {  	v6 =	vld [tilespmem:s8+$0x0]  }
0x11f: {  	v7 =	vld [tilespmem:s8+$0xFFFFFC30]  }
0x120: {  	v8 =	vld [tilespmem:s8+$0x400]  }
0x121: {  	v9 =	vld [tilespmem:s8+$0x10]  }
0x122: {  	v10 =	vld [tilespmem:s8+$0x410]  }
0x123: {  	v11 =	vld [tilespmem:s8+$0x20]  }
0x124: {  	v12 =	vld [tilespmem:s8+$0x420]  }
0x125: {  	v13 =	vld [tilespmem:s8+$0xFFFFF830]  }
0x126: {  	v14 =	vld [tilespmem:s8+$0x30]  }
0x127: {  	v15 =	vld [tilespmem:s8+$0xFFFFFC00]  }
0x128: {  	v16 =	vld [tilespmem:s8+$0xFFFFF810];
	v5 =	vmul.f32 $5.000000000e-01, v5  }
0x129: {  	v17 =	vld [tilespmem:s8+$0xFFFFFC10]  }
0x12a: {  	s10 =	simm.s32 $0x198C0;
	v19 =	vld [tilespmem:s8+$0xFFFFF820];
	v8 =	vmul.f32 $5.000000000e-01, v8;
	v18 =	vadd.f32 v5, v7  }
0x12b: {  	s1 =	simm.s32 $0x18800;
	v21 =	vld [tilespmem:s10+$0x0];
	v5 =	vsub.f32 v7, v5  }
0x12c: {  	v22 =	vld [tilespmem:s10+$0xFFFFFC30];
	v9 =	vmul.f32 $5.000000000e-01, v9;
	v20 =	vsub.f32 v15, v8;
	v8 =	vadd.f32 v8, v15;
	[tilespmem:s1+$0x430] =	vst v18  }
0x12d: {  	v10 =	vmul.f32 $5.000000000e-01, v10;
	v7 =	vld [tilespmem:s8+$0xFFFFFC20];
	[tilespmem:s1+$0xFFFFFC30] =	vst v5  }
0x12e: {  	v18 =	vld [tilespmem:s8+$0xFFFFF800];
	[tilespmem:s1+$0x400] =	vst v8;
	v8 =	vadd.f32 v9, v16  }
0x12f: {  	v15 =	vsub.f32 v16, v9;
	v5 =	vld [tilespmem:s10+$0x430];
	[tilespmem:s1+$0xFFFFFC00] =	vst v20;
	v20 =	vsub.f32 v17, v10  }
0x130: {  	v23 =	vld [tilespmem:s10+$0x30];
	v10 =	vadd.f32 v10, v17;
	[tilespmem:s1+$0x10] =	vst v8;
	v8 =	vmul.f32 $5.000000000e-01, v11;
	v11 =	vmul.f32 $5.000000000e-01, v12  }
0x131: {  	v24 =	vld [tilespmem:s10+$0x420];
	[tilespmem:s1+$0xFFFFF810] =	vst v15  }
0x132: {  	v25 =	vld [tilespmem:s10+$0xFFFFFC00];
	v6 =	vmul.f32 $5.000000000e-01, v6;
	[tilespmem:s1+$0x410] =	vst v10;
	v10 =	vsub.f32 v7, v11  }
0x133: {  	v9 =	vld [tilespmem:s10+$0x400];
	[tilespmem:s1+$0xFFFFFC10] =	vst v20;
	v7 =	vadd.f32 v11, v7  }
0x134: {  	v16 =	vld [tilespmem:s10+$0x10];
	v15 =	vsub.f32 v18, v6;
	v20 =	vmul.f32 $5.000000000e-01, v5;
	[tilespmem:s1+$0xFFFFFC20] =	vst v10  }
0x135: {  	v17 =	vld [tilespmem:s10+$0x20];
	v6 =	vadd.f32 v6, v18;
	[tilespmem:s1+$0x420] =	vst v7  }
0x136: {  	v18 =	vld [tilespmem:s10+$0x410];
	[tilespmem:s1+$0xFFFFF800] =	vst v15;
	v12 =	vadd.f32 v20, v22  }
0x137: {  	s8 =	simm.s32 $0x18840;
	v5 =	vld [tilespmem:s10+$0xFFFFF830];
	[tilespmem:s1+$0x0] =	vst v6;
	v6 =	vsub.f32 v19, v8  }
0x138: {  	v8 =	vadd.f32 v8, v19;
	v19 =	vmul.f32 $5.000000000e-01, v14;
	v15 =	vld [tilespmem:s10+$0xFFFFF810];
	[tilespmem:s8+$0x430] =	vst v12  }
0x139: {  	v63 =	vmul.f32 $5.000000000e-01, v9;
	v16 =	vmul.f32 $5.000000000e-01, v16;
	v14 =	vld [tilespmem:s10+$0xFFFFFC10];
	v20 =	vsub.f32 v22, v20;
	[tilespmem:s1+$0xFFFFF820] =	vst v6  }
0x13a: {  	v9 =	vmul.f32 $5.000000000e-01, v17;
	v7 =	vmul.f32 $5.000000000e-01, v23;
	v26 =	vsub.f32 v13, v19;
	[tilespmem:s1+$0x20] =	vst v8;
	v12 =	vld [tilespmem:s10+$0xFFFFF820]  }
0x13b: {  	v6 =	vmul.f32 $5.000000000e-01, v21;
	v10 =	vadd.f32 v19, v13;
	v8 =	vmul.f32 $5.000000000e-01, v24;
	v13 =	vld [tilespmem:s10+$0xFFFFFC20];
	[tilespmem:s8+$0xFFFFFC30] =	vst v20  }
0x13c: {  	s9 =	simm.s32 $0x4;
	v17 =	vld [tilespmem:s10+$0xFFFFF800];
	v19 =	vsub.f32 v25, v63;
	s10 =	simm.s32 $0x19900;
	v11 =	vmul.f32 $5.000000000e-01, v18;
	v18 =	vadd.f32 v63, v25;
	[tilespmem:s1+$0xFFFFF830] =	vst v26  }
.LBB2_8:
0x13d: {  	v20 =	vld [tilespmem:s10+$0x430];
	s9 =	sadd.s32 $0x4, s9;
	v21 =	vsub.f32 v15, v16;
	v15 =	vadd.f32 v16, v15;
	[tilespmem:s1+$0x30] =	vst v10;
	s1 =	smov.u32 s8  }
0x13e: {  	v16 =	vld [tilespmem:s10+$0x0];
	p1 =	slt.u32 s9, $0x3C;
	[tilespmem:s8+$0xFFFFFC00] =	vst v19;
	v10 =	vsub.f32 v14, v11;
	v11 =	vadd.f32 v11, v14  }
0x13f: {  	v14 =	vld [tilespmem:s10+$0xFFFFFC30];
	[tilespmem:s8+$0x400] =	vst v18;
	v18 =	vsub.f32 v12, v9;
	v12 =	vadd.f32 v9, v12  }
0x140: {  	v9 =	vld [tilespmem:s10+$0x400];
	[tilespmem:s8+$0xFFFFF810] =	vst v21;
	v19 =	vsub.f32 v13, v8;
	v13 =	vadd.f32 v8, v13  }
0x141: {  	v8 =	vld [tilespmem:s10+$0x10];
	v21 =	vsub.f32 v17, v6;
	v17 =	vadd.f32 v6, v17;
	[tilespmem:s8+$0xFFFFFC10] =	vst v10  }
0x142: {  	v23 =	vsub.f32 v5, v7;
	v10 =	vadd.f32 v7, v5;
	v22 =	vld [tilespmem:s10+$0x410];
	v20 =	vmul.f32 $5.000000000e-01, v20;
	[tilespmem:s8+$0x10] =	vst v15  }
0x143: {  	v6 =	vmul.f32 $5.000000000e-01, v16;
	v7 =	vld [tilespmem:s10+$0x20];
	[tilespmem:s8+$0xFFFFF800] =	vst v21  }
0x144: {  	v21 =	vld [tilespmem:s10+$0x420];
	v24 =	vsub.f32 v14, v20;
	v14 =	vadd.f32 v20, v14;
	[tilespmem:s8+$0x0] =	vst v17  }
0x145: {  	s8 =	sadd.s32 $0x40, s8;
	v20 =	vmul.f32 $5.000000000e-01, v9;
	v5 =	vld [tilespmem:s10+$0xFFFFF830];
	[tilespmem:s1+$0x410] =	vst v11  }
0x146: {  	v16 =	vmul.f32 $5.000000000e-01, v8;
	v17 =	vld [tilespmem:s10+$0x30];
	[tilespmem:s8+$0x430] =	vst v14  }
0x147: {  	v25 =	vld [tilespmem:s10+$0xFFFFFC00];
	v11 =	vmul.f32 $5.000000000e-01, v22;
	[tilespmem:s1+$0xFFFFF820] =	vst v18  }
.Ltmp6:
0x148: {  	v15 =	vld [tilespmem:s10+$0xFFFFF810];
	v9 =	vmul.f32 $5.000000000e-01, v7;
	[tilespmem:s1+$0xFFFFFC20] =	vst v19;
	(pc) =	sbr.rel @p1 .LBB2_8-.Ltmp6, $4  }
0x149: {  	v14 =	vld [tilespmem:s10+$0xFFFFFC10];
	v8 =	vmul.f32 $5.000000000e-01, v21;
	[tilespmem:s1+$0x20] =	vst v12  }
0x14a: {  	v12 =	vld [tilespmem:s10+$0xFFFFF820];
	[tilespmem:s1+$0x420] =	vst v13  }
0x14b: {  	v13 =	vld [tilespmem:s10+$0xFFFFFC20];
	v7 =	vmul.f32 $5.000000000e-01, v17;
	[tilespmem:s1+$0xFFFFF830] =	vst v23  }
0x14c: {  	v17 =	vld [tilespmem:s10+$0xFFFFF800];
	v19 =	vsub.f32 v25, v20;
	v18 =	vadd.f32 v20, v25;
	[tilespmem:s8+$0xFFFFFC30] =	vst v24;
	s10 =	sadd.s32 $0x40, s10  }
0x14d: {  	[tilespmem:s1+$0x30] =	vst v10  }
0x14e: {  	v56 =	vsub.f32 v15, v16;
	[tilespmem:s8+$0xFFFFFC00] =	vst v19  }
0x14f: {  	v58 =	vadd.f32 v16, v15;
	[tilespmem:s8+$0x400] =	vst v18  }
0x150: {  	v57 =	vsub.f32 v14, v11;
	[tilespmem:s8+$0xFFFFF810] =	vst v56  }
0x151: {  	v60 =	vadd.f32 v11, v14;
	[tilespmem:s8+$0x10] =	vst v58  }
0x152: {  	v61 =	vsub.f32 v12, v9;
	[tilespmem:s8+$0xFFFFFC10] =	vst v57  }
0x153: {  	v62 =	vadd.f32 v9, v12;
	[tilespmem:s8+$0x410] =	vst v60  }
0x154: {  	v59 =	vsub.f32 v17, v6;
	v6 =	vadd.f32 v6, v17;
	[tilespmem:s8+$0xFFFFF820] =	vst v61  }
0x155: {  	v63 =	vadd.f32 v8, v13;
	[tilespmem:s8+$0x20] =	vst v62  }
0x156: {  	[tilespmem:s8+$0x0] =	vst v6;
	v6 =	vsub.f32 v13, v8  }
0x157: {  	[tilespmem:s8+$0x420] =	vst v63  }
0x158: {  	[tilespmem:s8+$0xFFFFFC20] =	vst v6;
	v6 =	vsub.f32 v5, v7  }
0x159: {  	[tilespmem:s8+$0xFFFFF800] =	vst v59;
	v5 =	vadd.f32 v7, v5  }
0x15a: {  	[tilespmem:s8+$0xFFFFF830] =	vst v6  }
0x15b: {  	s1 =	simm.s32 $0x40;
	[tilespmem:s8+$0x30] =	vst v5;
	s8 =	simm.s32 $0x0  }
.LBB2_10:
0x15c: {  	p1 =	sne.s32 s1, $0x1C0;
	[tilespmem:s8+$0x1A480] =	vst v4;
	s9 =	smov.u32 s1;
	s1 =	sadd.s32 $0x40, s1  }
.Ltmp7:
0x15d: {  	[tilespmem:s8+$0x1A180] =	vst v3;
	(pc) =	sbr.rel @p1 .LBB2_10-.Ltmp7, $2  }
0x15e: {  	[tilespmem:s8+$0x1A200] =	vst v4;
	_ =	sdelay $0x2  }
0x15f: {  	s8 =	sshra.s32 s9, $0x2  }
0x160: {  	[tilespmem:s8+$0x1A480] =	vst v4  }
0x161: {  	[tilespmem:s8+$0x1A180] =	vst v3  }
0x162: {  	[tilespmem:s8+$0x1A200] =	vst v4;
	s1 =	simm.s32 $0x40;
	s8 =	simm.s32 $0x0  }
.LBB2_12:
0x163: {  	p1 =	sne.s32 s1, $0x7C0;
	[tilespmem:s8+$0x1A280] =	vst v3;
	s8 =	smov.u32 s1;
	s1 =	sadd.s32 $0x40, s1  }
.Ltmp8:
0x164: {  	(pc) =	sbr.rel @p1 .LBB2_12-.Ltmp8, $2  }
0x165: {  	_ =	sdelay $0x2  }
0x166: {  	s8 =	sshra.s32 s8, $0x2  }
0x167: {  	[tilespmem:s8+$0x1A280] =	vst v3  }
0x168: {  	v5 =	vld [tilespmem:$0x1A500];
	_ =	sdelay $0x4  }
0x169: {  	(v2sf) =	vpush v5, $0x0  }
0x16a: {  	(v2sf) =	vpush v5, $0x1;
	_ =	sdelay $0xb  }
.Ltmp9:
0x16b: {  	_ = 	snop;
	(pc) =	sbr.rel .LBB2_14-.Ltmp9, $4  }
0x16c: {  	_ = 	snop  }
0x16d: {  	s1 =	spop (v2sf)  }
0x16e: {  	s31 =	spop (v2sf)  }
0x16f: {  	s26 =	simm.s32 $0x0;
	s23 =	scvt.s32.f32 s1;
	s24 =	scvt.s32.f32 s31  }
.LBB2_20:
0x170: {  	s26 =	sadd.s32 $0x1, s26  }
0x171: {  	p1 =	sne.s32 s26, $0x64  }
.Ltmp10:
0x172: {  	_ = 	snop;
	(pc) =	sbr.rel @!p1 .LBB2_21-.Ltmp10, $1  }
0x173: {  	_ =	sdelay $0x3  }
.LBB2_14:
0x174: {  	s1 =	simm.s32 $0x1A100  }
0x175: {  	v5 =	vld [tilespmem:s1+$0x0];
	_ =	sdelay $0x2  }
0x176: {  	s30 =	simm.s32 $0x1A080  }
0x177: {  	v6 =	vld [tilespmem:s30+$0x0]  }
0x178: {  	s31 =	simm.s32 $0x1A110;
	v5 =	vshll.u32 v5, $0x7  }
0x179: {  	v8 =	vld [tilespmem:s31+$0x0];
	v5 =	vadd.s32 s25, v5  }
0x17a: {  	v9 =	vimm.s32 $0x40000000;
	v10 =	vadd.s32 v2, v5  }
0x17b: {  	v7 =	vimm.f32 $-1.000000020e+30;
	vm1 =	vlt.s32 v9, v10  }
0x17c: {  	s8 =	simm.s32 $0x1A090;
	vm2 =	veq.f32 v6, v7;
	v5 =	vsel vm1, v9, v10  }
0x17d: {  	vm1 =	vgt.f32 v6, v7;
	v11 =	vsel vm2, v5, v9;
	v5 =	vld [tilespmem:s8+$0x0]  }
0x17e: {  	s9 =	simm.s32 $0x20;
	s10 =	simm.s32 $0x1A120;
	s1 =	simm.s32 $0x10;
	v9 =	vshll.u32 v8, $0x7;
	v8 =	vsel vm1, v10, v11  }
.LBB2_15:
0x17f: {  	v10 =	vld [tilespmem:s10+$0x0];
	p1 =	sne.s32 s9, $0x50;
	v9 =	vadd.s32 s1, v9;
	s1 =	smov.u32 s9;
	s9 =	sadd.s32 $0x10, s9  }
.Ltmp11:
0x180: {  	v11 =	vadd.s32 v2, v9;
	(pc) =	sbr.rel @p1 .LBB2_15-.Ltmp11, $4  }
0x181: {  	v7 =	vmax.f32 v6, v7;
	vm1 =	vlt.s32 v8, v11  }
0x182: {  	s8 =	sadd.s32 $0x10, s8;
	vm2 =	veq.f32 v5, v7;
	v9 =	vsel vm1, v8, v11;
	v6 =	vmov v5  }
0x183: {  	v5 =	vld [tilespmem:s8+$0x0];
	vm1 =	vgt.f32 v6, v7;
	v8 =	vsel vm2, v9, v8  }
0x184: {  	s10 =	sadd.s32 $0x10, s10;
	v9 =	vshll.u32 v10, $0x7;
	v8 =	vsel vm1, v11, v8  }
0x185: {  	_ =	sdelay $0x1  }
0x186: {  	v6 =	vmax.f32 v6, v7  }
0x187: {  	v7 =	vmax.f32 v5, v6  }
0x188: {  	[tilespmem:$0x1A580] =	vst v7  }
0x189: {  	v7 =	vld [tilespmem:$0x1A580]  }
0x18a: {  	v10 =	vld [tilespmem:$0x1A588];
	_ =	sdelay $0x4  }
0x18b: {  	v11 =	vmax.f32 v7, v10  }
0x18c: {  	[tilespmem:$0x1A580] =	vst v11  }
0x18d: {  	v9 =	vadd.s32 s1, v9;
	v11 =	vld [tilespmem:$0x1A580]  }
0x18e: {  	v9 =	vadd.s32 v2, v9;
	v12 =	vld [tilespmem:$0x1A584]  }
0x18f: {  	vm1 =	vlt.s32 v8, v9  }
0x190: {  	vm2 =	veq.f32 v5, v6;
	v13 =	vsel vm1, v8, v9  }
0x191: {  	vm1 =	vgt.f32 v5, v6;
	v5 =	vsel vm2, v13, v8  }
0x192: {  	v5 =	vsel vm1, v9, v5  }
0x193: {  	[tilespmem:$0x1A600] =	vst v5;
	v6 =	vmax.f32 v11, v12  }
0x194: {  	v8 =	vld [tilespmem:$0x1A608];
	[tilespmem:$0x1A580] =	vst v6  }
0x195: {  	v6 =	vld [tilespmem:$0x1A580]  }
0x196: {  	v55 =	vld [tilespmem:$0x1A582];
	_ =	sdelay $0x4  }
0x197: {  	vm1 =	vlt.s32 v5, v8;
	v14 =	vmax.f32 v6, v55  }
0x198: {  	vm2 =	veq.f32 v7, v10;
	v56 =	vsel vm1, v5, v8;
	[tilespmem:$0x1A580] =	vst v14  }
0x199: {  	vm1 =	vgt.f32 v7, v10;
	v7 =	vsel vm2, v56, v8;
	v8 =	vld [tilespmem:$0x1A580]  }
0x19a: {  	v57 =	vld [tilespmem:$0x1A581];
	_ =	sdelay $0x1  }
0x19b: {  	v7 =	vsel vm1, v5, v7  }
0x19c: {  	[tilespmem:$0x1A600] =	vst v7  }
0x19d: {  	v58 =	vld [tilespmem:$0x1A604]  }
0x19e: {  	v5 =	vmax.f32 v8, v57  }
0x19f: {  	[tilespmem:$0x1A580] =	vst v5  }
0x1a0: {  	v5 =	vld [tilespmem:$0x1A580];
	_ =	sdelay $0x1  }
0x1a1: {  	vm1 =	vlt.s32 v7, v58  }
0x1a2: {  	vm2 =	veq.f32 v11, v12;
	v59 =	vsel vm1, v7, v58  }
0x1a3: {  	vm1 =	vgt.f32 v11, v12;
	v60 =	vsel vm2, v59, v58  }
0x1a4: {  	v7 =	vsel vm1, v7, v60;
	(v2sf) =	vpush v5, $0x0  }
0x1a5: {  	[tilespmem:$0x1A600] =	vst v7  }
0x1a6: {  	v61 =	vld [tilespmem:$0x1A602];
	_ =	sdelay $0x4  }
0x1a7: {  	vm1 =	vlt.s32 v7, v61  }
0x1a8: {  	vm2 =	veq.f32 v6, v55;
	v62 =	vsel vm1, v7, v61  }
0x1a9: {  	vm1 =	vgt.f32 v6, v55;
	v6 =	vsel vm2, v62, v61  }
0x1aa: {  	v6 =	vsel vm1, v7, v6  }
0x1ab: {  	[tilespmem:$0x1A600] =	vst v6  }
0x1ac: {  	v7 =	vld [tilespmem:$0x1A601];
	_ =	sdelay $0x2  }
0x1ad: {  	s31 =	spop (v2sf)  }
0x1ae: {  	p1 =	sgt.f32 s31, $1.000000050e-03  }
.Ltmp12:
0x1af: {  	vm1 =	vlt.s32 v6, v7;
	(pc) =	sbr.rel @!p1 .LBB2_20-.Ltmp12, $4  }
0x1b0: {  	vm2 =	veq.f32 v8, v57;
	v63 =	vsel vm1, v6, v7  }
0x1b1: {  	vm1 =	vgt.f32 v8, v57;
	v7 =	vsel vm2, v63, v7  }
0x1b2: {  	v6 =	vsel vm1, v6, v7  }
0x1b3: {  	[tilespmem:$0x1A600] =	vst v6  }
0x1b4: {  	(v2sf) =	vpush v6, $0x0;
	_ =	sdelay $0xe  }
0x1b5: {  	s1 =	spop (v2sf)  }
0x1b6: {  	s8 =	sand.u32 $0x7F, s1  }
0x1b7: {  	s9 =	sshra.s32 s1, $0x1F;
	p1 =	slt.s32 s1, $0x1;
	p2 =	sne.s32 s8, $0x0  }
0x1b8: {  	s12 =	sshrl.u32 s9, $0x19;
	p1 =	por !p1, !p2  }
0x1b9: {  	s9 =	simm.s32 $0x1;
	s8 =	sadd.s32 s12, s1;
	p1 =	por !p1, !p1  }
0x1ba: {  	s8 =	sshra.s32 s8, $0x7;
	s9 =	simm.s32 @!p1 $0x0  }
0x1bb: {  	s9 =	ssub.s32 s8, s9  }
0x1bc: {  	v7 =	vld [tilespmem:s9+$0x18000]  }
0x1bd: {  	v9 =	vld [tilespmem:s9+$0x18400]  }
0x1be: {  	v6 =	vld [tilespmem:s9+$0x18800]  }
0x1bf: {  	v8 =	vld [tilespmem:s9+$0x18C00];
	_ =	sdelay $0x1  }
0x1c0: {  	(v2sf) =	vpush v7, $0x0  }
0x1c1: {  	s8 =	simm.s32 $0x18800;
	(v2sf) =	vpush v9, $0x0  }
0x1c2: {  	v12 =	vld [tilespmem:s8+$0xFFFFF830];
	(v2sf) =	vpush v6, $0x0  }
0x1c3: {  	v14 =	vld [tilespmem:s8+$0xFFFFFC30];
	(v2sf) =	vpush v8, $0x0  }
0x1c4: {  	v15 =	vld [tilespmem:s8+$0x30]  }
0x1c5: {  	v16 =	vld [tilespmem:s8+$0x430]  }
0x1c6: {  	v17 =	vld [tilespmem:s8+$0xFFFFF870]  }
0x1c7: {  	v18 =	vld [tilespmem:s8+$0x70]  }
0x1c8: {  	v33 =	vld [tilespmem:s8+$0x10]  }
0x1c9: {  	v37 =	vld [tilespmem:s8+$0xFFFFF810]  }
0x1ca: {  	v19 =	vld [tilespmem:s8+$0x470]  }
0x1cb: {  	v40 =	vld [tilespmem:s8+$0xFFFFFC20]  }
0x1cc: {  	v29 =	vld [tilespmem:s8+$0x40]  }
0x1cd: {  	v51 =	vld [tilespmem:s8+$0x0];
	v7 =	vbroadcast v7, $0x0;
	v21 =	vsub.f32 v16, v14;
	v24 =	vsub.f32 v18, v17  }
0x1ce: {  	v20 =	vld [tilespmem:s8+$0xFFFFFC70];
	v54 =	vsub.f32 v33, v37;
	v9 =	vbroadcast v9, $0x0;
	v6 =	vbroadcast v6, $0x0  }
0x1cf: {  	v25 =	vld [tilespmem:s8+$0x460];
	v17 =	vmax.f32 v17, v7;
	v55 =	vmax.f32 v37, v7;
	v8 =	vbroadcast v8, $0x0;
	s31 =	spop (v2sf)  }
0x1d0: {  	v26 =	vld [tilespmem:s8+$0x450];
	v14 =	vmax.f32 v14, v9;
	v56 =	vmax.f32 v40, v9;
	v22 =	vmin.f32 v15, v6;
	s30 =	spop (v2sf)  }
0x1d1: {  	v28 =	vld [tilespmem:s8+$0x440];
	v15 =	vsub.f32 v15, v12;
	v12 =	vmax.f32 v12, v7;
	v18 =	vmin.f32 v18, v6;
	s29 =	spop (v2sf)  }
0x1d2: {  	v23 =	vld [tilespmem:s8+$0x60];
	v32 =	vmin.f32 v29, v6;
	v36 =	vmin.f32 v33, v6;
	v38 =	vmin.f32 v51, v6;
	s28 =	spop (v2sf);
	s10 =	ssub.f32 s29, s31  }
0x1d3: {  	v49 =	vld [tilespmem:s8+$0x420];
	v16 =	vmin.f32 v16, v8;
	v12 =	vsub.f32 v22, v12;
	v22 =	vsub.f32 v19, v20;
	s11 =	ssub.f32 s28, s30  }
0x1d4: {  	v20 =	vmax.f32 v20, v9;
	v19 =	vmin.f32 v19, v8;
	v14 =	vsub.f32 v16, v14;
	v16 =	vld [tilespmem:s8+$0xFFFFFC60]  }
0x1d5: {  	v27 =	vmin.f32 v25, v8;
	v17 =	vsub.f32 v18, v17;
	v15 =	vmul.f32 v21, v15;
	v21 =	vld [tilespmem:s8+$0xFFFFF860];
	s10 =	smul.f32 s11, s10  }
0x1d6: {  	v30 =	vmin.f32 v26, v8;
	v48 =	vmin.f32 v28, v8;
	v19 =	vsub.f32 v19, v20;
	v20 =	vld [tilespmem:s8+$0xFFFFFC50]  }
0x1d7: {  	v18 =	vld [tilespmem:s8+$0xFFFFF850];
	v12 =	vmax.f32 v12, $0.0e+00;
	v14 =	vmax.f32 v14, $0.0e+00;
	v10 =	vmov s10  }
0x1d8: {  	v52 =	vmin.f32 v49, v8;
	v14 =	vmul.f32 v14, v12;
	v12 =	vadd.f32 v15, v10;
	v15 =	vld [tilespmem:s8+$0x50]  }
0x1d9: {  	v22 =	vmul.f32 v22, v24;
	v24 =	vmin.f32 v23, v6;
	v25 =	vsub.f32 v25, v16  }
0x1da: {  	v16 =	vmax.f32 v16, v9;
	v23 =	vsub.f32 v23, v21;
	v21 =	vmax.f32 v21, v7  }
0x1db: {  	v26 =	vsub.f32 v26, v20;
	v20 =	vmax.f32 v20, v9;
	v21 =	vsub.f32 v24, v21  }
0x1dc: {  	v24 =	vld [tilespmem:s8+$0xFFFFFC40];
	v16 =	vsub.f32 v27, v16;
	v20 =	vsub.f32 v30, v20;
	v23 =	vmul.f32 v25, v23  }
0x1dd: {  	v25 =	vld [tilespmem:s8+$0xFFFFF840];
	v31 =	vmin.f32 v15, v6;
	v15 =	vsub.f32 v15, v18;
	v18 =	vmax.f32 v18, v7  }
0x1de: {  	v57 =	vsub.f32 v36, v55;
	v17 =	vmax.f32 v17, $0.0e+00;
	v18 =	vsub.f32 v31, v18  }
0x1df: {  	v50 =	vld [tilespmem:s8+$0x400];
	v16 =	vmax.f32 v16, $0.0e+00;
	v21 =	vmax.f32 v21, $0.0e+00;
	v20 =	vmax.f32 v20, $0.0e+00  }
0x1e0: {  	v16 =	vmul.f32 v16, v21;
	v21 =	vld [tilespmem:s8+$0xFFFFFC00];
	v23 =	vadd.f32 v23, v10;
	v18 =	vmax.f32 v18, $0.0e+00  }
0x1e1: {  	v28 =	vsub.f32 v28, v24;
	v12 =	vsub.f32 v12, v14;
	v18 =	vmul.f32 v20, v18;
	v20 =	vld [tilespmem:s8+$0xFFFFF800]  }
0x1e2: {  	v24 =	vmax.f32 v24, v9;
	v29 =	vsub.f32 v29, v25;
	v23 =	vsub.f32 v23, v16  }
0x1e3: {  	v25 =	vmax.f32 v25, v7;
	v24 =	vsub.f32 v48, v24;
	v12 =	vmax.f32 v12, $9.999999710e-10  }
0x1e4: {  	v25 =	vsub.f32 v32, v25;
	v23 =	vmax.f32 v23, $9.999999710e-10;
	(erf) = vrcp.f32 v12  }
0x1e5: {  	v12 =	vmin.f32 v50, v8;
	(erf) = vrcp.f32 v23;
	v23 =	vsub.f32 v50, v21  }
0x1e6: {  	v53 =	vld [tilespmem:s8+$0xFFFFF820];
	v21 =	vmax.f32 v21, v9;
	v32 =	vsub.f32 v51, v20;
	v20 =	vmax.f32 v20, v7  }
0x1e7: {  	v19 =	vmax.f32 v19, $0.0e+00;
	v27 =	vld [tilespmem:s8+$0x20];
	v12 =	vsub.f32 v12, v21;
	v20 =	vsub.f32 v38, v20  }
0x1e8: {  	v28 =	vmul.f32 v28, v29;
	v24 =	vmax.f32 v24, $0.0e+00;
	v23 =	vmul.f32 v23, v32  }
0x1e9: {  	v15 =	vmul.f32 v26, v15;
	v26 =	vld [tilespmem:s8+$0x410];
	v12 =	vmax.f32 v12, $0.0e+00;
	v20 =	vmax.f32 v20, $0.0e+00  }
0x1ea: {  	v35 =	vld [tilespmem:s8+$0xFFFFFC10];
	v25 =	vmax.f32 v25, $0.0e+00;
	v20 =	vmul.f32 v12, v20;
	v12 =	vadd.f32 v23, v10  }
0x1eb: {  	v19 =	vmul.f32 v19, v17;
	v24 =	vmul.f32 v24, v25;
	v17 =	vadd.f32 v28, v10  }
0x1ec: {  	v39 =	vmin.f32 v27, v6;
	v27 =	vsub.f32 v27, v53;
	v12 =	vsub.f32 v12, v20  }
0x1ed: {  	v29 =	vsub.f32 v52, v56;
	v17 =	vsub.f32 v17, v24  }
0x1ee: {  	v15 =	vadd.f32 v15, v10;
	v34 =	vmin.f32 v26, v8;
	v12 =	vmax.f32 v12, $9.999999710e-10  }
0x1ef: {  	v21 =	vsub.f32 v26, v35;
	v26 =	vmax.f32 v35, v9;
	(erf) = vrcp.f32 v12  }
0x1f0: {  	v23 =	vsub.f32 v34, v26;
	v26 =	vsub.f32 v49, v40  }
0x1f1: {  	v25 =	vmax.f32 v57, $0.0e+00;
	v15 =	vsub.f32 v15, v18;
	v21 =	vmul.f32 v21, v54  }
0x1f2: {  	v22 =	vadd.f32 v22, v10;
	v17 =	vmax.f32 v17, $9.999999710e-10;
	v26 =	vmul.f32 v26, v27  }
0x1f3: {  	v15 =	vmax.f32 v15, $9.999999710e-10;
	v21 =	vadd.f32 v21, v10;
	v23 =	vmax.f32 v23, $0.0e+00  }
0x1f4: {  	v27 =	vmax.f32 v53, v7;
	v23 =	vmul.f32 v23, v25;
	(erf) = vrcp.f32 v15  }
0x1f5: {  	v11 =	vmov s9;
	v22 =	vsub.f32 v22, v19;
	v12 =	vsub.f32 v39, v27  }
0x1f6: {  	s10 =	sshll.u32 s9, $0x7;
	v27 =	vmax.f32 v29, $0.0e+00;
	v21 =	vsub.f32 v21, v23;
	v15 =	vadd.f32 v26, v10;
	v26 =	vpop (erf)  }
0x1f7: {  	s9 =	ssub.s32 s1, s10;
	v12 =	vmax.f32 v12, $0.0e+00;
	(erf) = vrcp.f32 v17;
	v14 =	vmul.f32 v26, v14;
	v17 =	vpop (erf)  }
0x1f8: {  	s12 =	sshll.u32 s9, $0xC;
	v22 =	vmax.f32 v22, $9.999999710e-10;
	v21 =	vmax.f32 v21, $9.999999710e-10;
	v25 =	vmul.f32 v27, v12;
	v26 =	vpop (erf)  }
0x1f9: {  	s13 =	simm.s32 $0x30;
	s14 =	sshra.s32 s12, $0x2;
	v16 =	vmul.f32 v17, v16;
	vm2 =	vgt.f32 v14, $5.000000000e-01;
	v14 =	vmul.f32 v26, v20  }
0x1fa: {  	v12 =	vor.u32 s13, v2;
	s13 =	sor.u32 $0x40, s14;
	(erf) = vrcp.f32 v22;
	v15 =	vsub.f32 v15, v25  }
0x1fb: {  	s3 =	simm.s32 $0x0;
	(erf) = vrcp.f32 v21;
	vm1 =	veq.s32 v12, v11;
	v21 =	vld [tilespmem:s13+$0xFFFFFFC0];
	vm3 =	vgt.f32 v16, $5.000000000e-01  }
0x1fc: {  	s15 =	simm.s32 $0x60;
	v17 =	vld [tilespmem:s13+$0x20];
	vm1 =	vmor vm1, vm2;
	v16 =	vor.u32 s3, v2;
	v15 =	vmax.f32 v15, $9.999999710e-10  }
0x1fd: {  	(erf) = vrcp.f32 v15;
	v15 =	vor.u32 s15, v2;
	vm4 =	vgt.f32 v14, $5.000000000e-01;
	v14 =	vpop (erf)  }
0x1fe: {  	vm5 =	veq.s32 v16, v11;
	vm2 =	veq.s32 v15, v11;
	v14 =	vmul.f32 v14, v18  }
0x1ff: {  	v62 =	vld [tilespmem:s13+$0x10];
	vm2 =	vmor vm2, vm3;
	vm3 =	vmor vm5, vm4  }
0x200: {  	v13 =	vimm.f32 $-1.000000020e+30;
	v22 =	vimm.s32 $0x0;
	s14 =	simm.s32 $0x50;
	v20 =	vsel vm3, $0xF149F2CA, v21  }
0x201: {  	v17 =	vsel vm2, $0xF149F2CA, v17;
	v18 =	vor.u32 s14, v2;
	vm2 =	vgt.f32 v20, v13  }
0x202: {  	s14 =	simm.s32 $0x10;
	vm13 =	veq.s32 v18, v11;
	v27 =	vsel vm2, v20, v13;
	vm3 =	vgt.f32 v14, $5.000000000e-01;
	v14 =	vpop (erf)  }
0x203: {  	[tilespmem:s13+$0xFFFFFFC0] =	vst v20;
	v61 =	vor.u32 s14, v2;
	vm3 =	vmor vm13, vm3;
	v20 =	vmul.f32 v14, v24  }
0x204: {  	s3 =	simm.s32 $0x40;
	s15 =	simm.s32 $0x70;
	v21 =	vld [tilespmem:s13+$0x30];
	v63 =	vsel vm2, v16, v22;
	vm12 =	veq.s32 v61, v11;
	v16 =	vsel vm3, $0xF149F2CA, v62;
	v13 =	vpop (erf)  }
0x205: {  	v24 =	vld [tilespmem:s13+$0xFFFFFFD0];
	v14 =	vor.u32 s3, v2;
	v19 =	vmul.f32 v13, v19;
	v13 =	vor.u32 s15, v2;
	v58 =	vpop (erf)  }
0x206: {  	v59 =	vld [tilespmem:s13+$0x0];
	vm6 =	veq.s32 v14, v11;
	v23 =	vmul.f32 v58, v23;
	vm14 =	vgt.f32 v20, $5.000000000e-01  }
0x207: {  	v60 =	vld [tilespmem:s13+$0xFFFFFFE0];
	vm15 =	veq.s32 v13, v11;
	vm7 =	vgt.f32 v19, $5.000000000e-01;
	vm4 =	vmor vm6, vm14;
	v20 =	vpop (erf)  }
0x208: {  	v26 =	vld [tilespmem:s13+$0xFFFFFFF0];
	s15 =	simm.s32 $0x20;
	vm8 =	vgt.f32 v23, $5.000000000e-01;
	vm5 =	vmor vm15, vm7;
	v25 =	vmul.f32 v20, v25  }
0x209: {  	[tilespmem:s13+$0x20] =	vst v17;
	v20 =	vor.u32 s15, v2;
	v19 =	vsel vm5, $0xF149F2CA, v21;
	vm5 =	vmor vm12, vm8  }
0x20a: {  	[tilespmem:s13+$0x10] =	vst v16;
	vm14 =	veq.s32 v20, v11;
	v24 =	vsel vm5, $0xF149F2CA, v24;
	vm13 =	vgt.f32 v25, $5.000000000e-01  }
0x20b: {  	v21 =	vsel vm4, $0xF149F2CA, v59;
	[tilespmem:s13+$0x30] =	vst v19;
	vm15 =	vgt.f32 v24, v27;
	vm2 =	vmor vm14, vm13  }
0x20c: {  	[tilespmem:s13+$0x0] =	vst v21;
	v25 =	vsel vm15, v24, v27;
	v23 =	vsel vm2, $0xF149F2CA, v60  }
0x20d: {  	s12 =	simm.s32 $0xF0;
	s11 =	smov.u32 s13;
	v22 =	vsel vm1, $0xF149F2CA, v26;
	[tilespmem:s13+$0xFFFFFFD0] =	vst v24;
	v24 =	vsel vm15, v61, v63;
	vm1 =	vgt.f32 v23, v25  }
.LBB2_18:
0x20e: {  	p1 =	sne.s32 s12, $0x3F0;
	[tilespmem:s13+$0xFFFFFFF0] =	vst v22;
	v25 =	vsel vm1, v23, v25;
	s11 =	sadd.s32 $0x80, s11;
	s8 =	sadd.s32 $0x80, s8  }
0x20f: {  	v20 =	vsel vm1, v20, v24;
	s14 =	smov.u32 s12;
	s12 =	sadd.s32 $0x80, s12;
	[tilespmem:s13+$0xFFFFFFE0] =	vst v23;
	vm1 =	vgt.f32 v22, v25;
	s13 =	smov.u32 s11  }
0x210: {  	v23 =	vld [tilespmem:s8+$0xFFFFF830];
	v22 =	vsel vm1, v22, v25;
	v12 =	vsel vm1, v12, v20  }
0x211: {  	v20 =	vld [tilespmem:s8+$0xFFFFFC30];
	vm1 =	vgt.f32 v21, v22  }
0x212: {  	v24 =	vld [tilespmem:s8+$0x30];
	v21 =	vsel vm1, v21, v22;
	v12 =	vsel vm1, v14, v12  }
0x213: {  	v22 =	vld [tilespmem:s8+$0x430];
	vm1 =	vgt.f32 v16, v21  }
0x214: {  	v25 =	vld [tilespmem:s8+$0xFFFFF870];
	v14 =	vsel vm1, v16, v21;
	v12 =	vsel vm1, v18, v12  }
0x215: {  	v16 =	vld [tilespmem:s8+$0x70];
	vm1 =	vgt.f32 v17, v14  }
0x216: {  	v18 =	vld [tilespmem:s8+$0x470];
	v14 =	vsel vm1, v17, v14;
	v12 =	vsel vm1, v15, v12  }
0x217: {  	v15 =	vld [tilespmem:s8+$0xFFFFFC70];
	vm1 =	vgt.f32 v19, v14  }
0x218: {  	v17 =	vsub.f32 v22, v20;
	v14 =	vsel vm1, v19, v14;
	v13 =	vsel vm1, v13, v12  }
0x219: {  	v12 =	vmin.f32 v22, v8;
	v19 =	vmax.f32 v25, v7  }
0x21a: {  	v21 =	vmin.f32 v24, v6;
	v20 =	vmax.f32 v20, v9;
	v22 =	vld [tilespmem:s8+$0x60];
	v25 =	vsub.f32 v16, v25  }
0x21b: {  	v24 =	vsub.f32 v24, v23;
	v23 =	vmax.f32 v23, v7;
	v12 =	vsub.f32 v12, v20;
	v20 =	vld [tilespmem:s8+$0x460]  }
0x21c: {  	v21 =	vsub.f32 v21, v23;
	v23 =	vld [tilespmem:s8+$0xFFFFFC60];
	v26 =	vsub.f32 v18, v15;
	v15 =	vmax.f32 v15, v9  }
0x21d: {  	v17 =	vmul.f32 v17, v24;
	v16 =	vmin.f32 v16, v6;
	v18 =	vmin.f32 v18, v8;
	v24 =	vld [tilespmem:s8+$0xFFFFF860]  }
0x21e: {  	v21 =	vmax.f32 v21, $0.0e+00;
	v12 =	vmax.f32 v12, $0.0e+00;
	v27 =	vld [tilespmem:s8+$0x450];
	v25 =	vmul.f32 v26, v25  }
0x21f: {  	v21 =	vmul.f32 v12, v21;
	v12 =	vadd.f32 v17, v10;
	v15 =	vsub.f32 v18, v15;
	v17 =	vld [tilespmem:s8+$0x50]  }
0x220: {  	v16 =	vsub.f32 v16, v19;
	v26 =	vmin.f32 v22, v6;
	v18 =	vld [tilespmem:s8+$0xFFFFFC50];
	v28 =	vmin.f32 v20, v8  }
0x221: {  	v12 =	vsub.f32 v12, v21;
	v19 =	vld [tilespmem:s8+$0xFFFFF850];
	v20 =	vsub.f32 v20, v23;
	v23 =	vmax.f32 v23, v9  }
0x222: {  	v30 =	vmax.f32 v16, $0.0e+00;
	v29 =	vld [tilespmem:s8+$0x440];
	v22 =	vsub.f32 v22, v24;
	v24 =	vmax.f32 v24, v7  }
0x223: {  	v31 =	vmax.f32 v12, $9.999999710e-10;
	v12 =	vld [tilespmem:s8+$0x40];
	v32 =	vmin.f32 v27, v8;
	v24 =	vsub.f32 v26, v24  }
0x224: {  	v26 =	vld [tilespmem:s8+$0xFFFFFC40];
	v33 =	vmin.f32 v17, v6;
	v20 =	vmul.f32 v20, v22;
	v22 =	vsub.f32 v28, v23  }
0x225: {  	v15 =	vmax.f32 v15, $0.0e+00;
	v23 =	vld [tilespmem:s8+$0xFFFFF840];
	v27 =	vsub.f32 v27, v18;
	v18 =	vmax.f32 v18, v9  }
0x226: {  	v16 =	vld [tilespmem:s11+$0xFFFFFFF0];
	v17 =	vsub.f32 v17, v19;
	v19 =	vmax.f32 v19, v7;
	v18 =	vsub.f32 v32, v18  }
0x227: {  	v22 =	vmax.f32 v22, $0.0e+00;
	v28 =	vld [tilespmem:s8+$0x20];
	v32 =	vmin.f32 v29, v8;
	v19 =	vsub.f32 v33, v19  }
0x228: {  	v20 =	vadd.f32 v20, v10;
	v33 =	vld [tilespmem:s8+$0x420];
	v34 =	vmin.f32 v12, v6;
	v17 =	vmul.f32 v27, v17  }
0x229: {  	v24 =	vmax.f32 v24, $0.0e+00;
	v27 =	vld [tilespmem:s8+$0x410];
	v29 =	vsub.f32 v29, v26;
	v26 =	vmax.f32 v26, v9  }
0x22a: {  	v35 =	vld [tilespmem:s8+$0x10];
	v12 =	vsub.f32 v12, v23;
	v23 =	vmax.f32 v23, v7;
	v26 =	vsub.f32 v32, v26  }
0x22b: {  	v18 =	vmax.f32 v18, $0.0e+00;
	v19 =	vmax.f32 v19, $0.0e+00;
	v32 =	vld [tilespmem:s8+$0x400];
	v23 =	vsub.f32 v34, v23  }
0x22c: {  	v22 =	vmul.f32 v22, v24;
	v34 =	vld [tilespmem:s8+$0x0];
	v29 =	vmul.f32 v29, v12;
	v26 =	vmax.f32 v26, $0.0e+00  }
0x22d: {  	v18 =	vmul.f32 v18, v19;
	v24 =	vld [tilespmem:s8+$0xFFFFFC00];
	v36 =	vmin.f32 v33, v8;
	v23 =	vmax.f32 v23, $0.0e+00  }
0x22e: {  	s15 =	sadd.s32 $0xFFFFFFC0, s14;
	v20 =	vsub.f32 v20, v22;
	v17 =	vadd.f32 v17, v10;
	v19 =	vld [tilespmem:s8+$0xFFFFF800];
	v37 =	vmin.f32 v27, v8  }
0x22f: {  	v12 =	vor.u32 s15, v2;
	v38 =	vld [tilespmem:s8+$0xFFFFFC10];
	v39 =	vmin.f32 v35, v6;
	(erf) = vrcp.f32 v31  }
0x230: {  	v20 =	vmax.f32 v20, $9.999999710e-10;
	v17 =	vsub.f32 v17, v18;
	v31 =	vmin.f32 v32, v8;
	v40 =	vld [tilespmem:s8+$0xFFFFF810]  }
0x231: {  	v43 =	vmin.f32 v28, v6;
	v41 =	vmin.f32 v34, v6;
	v42 =	vld [tilespmem:s8+$0xFFFFFC20];
	(erf) = vrcp.f32 v20  }
0x232: {  	vm1 =	veq.s32 v12, v11;
	v20 =	vsub.f32 v32, v24;
	v24 =	vmax.f32 v24, v9;
	v32 =	vld [tilespmem:s8+$0xFFFFF820]  }
0x233: {  	v34 =	vsub.f32 v34, v19;
	v19 =	vmax.f32 v19, v7;
	v24 =	vsub.f32 v31, v24  }
0x234: {  	v19 =	vsub.f32 v41, v19;
	v27 =	vsub.f32 v27, v38;
	v31 =	vmax.f32 v38, v9  }
0x235: {  	v25 =	vadd.f32 v25, v10;
	v20 =	vmul.f32 v20, v34;
	v34 =	vsub.f32 v35, v40  }
0x236: {  	v24 =	vmax.f32 v24, $0.0e+00;
	v35 =	vmax.f32 v40, v7;
	v19 =	vmax.f32 v19, $0.0e+00  }
0x237: {  	v19 =	vmul.f32 v24, v19;
	v20 =	vadd.f32 v20, v10;
	v24 =	vsub.f32 v33, v42  }
0x238: {  	v31 =	vsub.f32 v37, v31;
	v27 =	vmul.f32 v27, v34;
	v28 =	vsub.f32 v28, v32;
	v33 =	vpop (erf)  }
0x239: {  	v34 =	vmax.f32 v42, v9;
	v20 =	vsub.f32 v20, v19;
	v21 =	vmul.f32 v33, v21  }
0x23a: {  	v31 =	vmax.f32 v31, $0.0e+00;
	v24 =	vmul.f32 v24, v28;
	v28 =	vmax.f32 v32, v7;
	v32 =	vpop (erf)  }
0x23b: {  	v27 =	vadd.f32 v27, v10;
	v33 =	vsub.f32 v36, v34;
	v20 =	vmax.f32 v20, $9.999999710e-10  }
0x23c: {  	v34 =	vsub.f32 v39, v35;
	v24 =	vadd.f32 v24, v10;
	(erf) = vrcp.f32 v20  }
0x23d: {  	v30 =	vmul.f32 v15, v30;
	v20 =	vsub.f32 v43, v28;
	v28 =	vmax.f32 v33, $0.0e+00  }
0x23e: {  	v15 =	vadd.f32 v29, v10;
	vm2 =	vgt.f32 v21, $5.000000000e-01;
	v21 =	vmul.f32 v26, v23  }
0x23f: {  	v17 =	vmax.f32 v17, $9.999999710e-10;
	v23 =	vmax.f32 v34, $0.0e+00;
	v22 =	vmul.f32 v32, v22  }
0x240: {  	s15 =	sadd.s32 $0xFFFFFFF0, s14;
	v15 =	vsub.f32 v15, v21;
	v20 =	vmax.f32 v20, $0.0e+00;
	(erf) = vrcp.f32 v17  }
0x241: {  	v23 =	vmul.f32 v31, v23;
	vm3 =	vgt.f32 v22, $5.000000000e-01;
	v20 =	vmul.f32 v28, v20  }
0x242: {  	v25 =	vsub.f32 v25, v30;
	v17 =	vmax.f32 v15, $9.999999710e-10;
	v15 =	vor.u32 s15, v2;
	v22 =	vld [tilespmem:s11+$0x20]  }
0x243: {  	vm1 =	vmor vm1, vm2;
	v28 =	vsub.f32 v27, v23;
	vm2 =	veq.s32 v15, v11  }
0x244: {  	v25 =	vmax.f32 v25, $9.999999710e-10;
	v24 =	vsub.f32 v24, v20;
	(erf) = vrcp.f32 v17  }
0x245: {  	vm2 =	vmor vm2, vm3;
	v17 =	vmax.f32 v28, $9.999999710e-10;
	v27 =	vld [tilespmem:s11+$0xFFFFFFC0];
	v26 =	vpop (erf);
	(erf) = vrcp.f32 v25  }
0x246: {  	s15 =	sadd.s32 $0xFFFFFF90, s14;
	v24 =	vmax.f32 v24, $9.999999710e-10;
	v26 =	vmul.f32 v26, v19;
	(erf) = vrcp.f32 v17  }
0x247: {  	v25 =	vor.u32 s15, v2;
	v17 =	vsel vm2, $0xF149F2CA, v22;
	(erf) = vrcp.f32 v24  }
0x248: {  	vm3 =	veq.s32 v25, v11;
	vm2 =	vgt.f32 v26, $5.000000000e-01;
	[tilespmem:s11+$0x20] =	vst v17  }
0x249: {  	vm2 =	vmor vm3, vm2;
	v19 =	vpop (erf)  }
0x24a: {  	s15 =	sadd.s32 $0xFFFFFFE0, s14;
	v22 =	vsel vm2, $0xF149F2CA, v27;
	v19 =	vmul.f32 v19, v18  }
0x24b: {  	v18 =	vor.u32 s15, v2;
	[tilespmem:s11+$0xFFFFFFC0] =	vst v22;
	vm3 =	vgt.f32 v22, v14  }
0x24c: {  	vm4 =	veq.s32 v18, v11;
	vm2 =	vgt.f32 v19, $5.000000000e-01;
	v24 =	vsel vm3, v22, v14  }
0x24d: {  	v26 =	vsel vm3, v25, v13;
	v22 =	vld [tilespmem:s11+$0xFFFFFFD0];
	vm2 =	vmor vm4, vm2;
	v13 =	vpop (erf)  }
0x24e: {  	s15 =	sadd.s32 $0xFFFFFFD0, s14;
	v29 =	vmul.f32 v13, v21;
	v21 =	vld [tilespmem:s11+$0x30];
	v13 =	vpop (erf)  }
0x24f: {  	s3 =	sadd.s32 $0xFFFFFFA0, s14;
	v14 =	vor.u32 s15, v2;
	v25 =	vld [tilespmem:s11+$0x0];
	v27 =	vmul.f32 v13, v30;
	v13 =	vor.u32 s14, v2;
	v28 =	vpop (erf)  }
0x250: {  	v23 =	vmul.f32 v28, v23;
	v28 =	vld [tilespmem:s11+$0xFFFFFFE0];
	vm3 =	vgt.f32 v29, $5.000000000e-01;
	vm4 =	veq.s32 v13, v11;
	v19 =	vpop (erf)  }
0x251: {  	vm5 =	veq.s32 v14, v11;
	s14 =	sadd.s32 $0xFFFFFFB0, s14;
	v19 =	vmul.f32 v19, v20;
	vm6 =	vgt.f32 v27, $5.000000000e-01  }
0x252: {  	v20 =	vor.u32 s14, v2;
	vm7 =	vgt.f32 v23, $5.000000000e-01;
	vm4 =	vmor vm4, vm6  }
0x253: {  	v27 =	vor.u32 s3, v2;
	vm6 =	vgt.f32 v19, $5.000000000e-01;
	v29 =	vld [tilespmem:s11+$0x10];
	v19 =	vsel vm4, $0xF149F2CA, v21  }
0x254: {  	vm3 =	vmor vm5, vm3;
	vm8 =	veq.s32 v20, v11;
	vm4 =	veq.s32 v27, v11;
	[tilespmem:s11+$0x30] =	vst v19  }
.Ltmp13:
0x255: {  	vm4 =	vmor vm4, vm7;
	vm5 =	vmor vm8, vm6;
	v21 =	vsel vm3, $0xF149F2CA, v25;
	(pc) =	sbr.rel @p1 .LBB2_18-.Ltmp13, $4  }
0x256: {  	v25 =	vsel vm4, $0xF149F2CA, v22  }
0x257: {  	v22 =	vsel vm1, $0xF149F2CA, v16;
	vm1 =	vgt.f32 v25, v24;
	[tilespmem:s11+$0x0] =	vst v21  }
0x258: {  	v23 =	vsel vm5, $0xF149F2CA, v28;
	v16 =	vsel vm2, $0xF149F2CA, v29;
	[tilespmem:s11+$0xFFFFFFD0] =	vst v25;
	v25 =	vsel vm1, v25, v24  }
0x259: {  	v24 =	vsel vm1, v27, v26;
	[tilespmem:s11+$0x10] =	vst v16;
	vm1 =	vgt.f32 v23, v25  }
0x25a: {  	v6 =	vsel vm1, v23, v25  }
0x25b: {  	vm2 =	vgt.f32 v22, v6  }
0x25c: {  	v6 =	vsel vm2, v22, v6  }
0x25d: {  	vm3 =	vgt.f32 v21, v6  }
0x25e: {  	v6 =	vsel vm3, v21, v6  }
0x25f: {  	vm4 =	vgt.f32 v16, v6  }
0x260: {  	v7 =	vsel vm1, v20, v24;
	v6 =	vsel vm4, v16, v6  }
0x261: {  	v7 =	vsel vm2, v12, v7;
	vm1 =	vgt.f32 v17, v6  }
0x262: {  	v7 =	vsel vm3, v14, v7;
	v6 =	vsel vm1, v17, v6  }
0x263: {  	[tilespmem:s13+$0xFFFFFFF0] =	vst v22;
	v7 =	vsel vm4, v18, v7;
	vm2 =	vgt.f32 v19, v6  }
0x264: {  	[tilespmem:s13+$0xFFFFFFE0] =	vst v23;
	v7 =	vsel vm1, v15, v7;
	v6 =	vsel vm2, v19, v6  }
0x265: {  	v7 =	vsel vm2, v13, v7;
	[tilespmem:$0x1A580] =	vst v6  }
0x266: {  	[tilespmem:$0x1A600] =	vst v7;
	v6 =	vld [tilespmem:$0x1A580]  }
0x267: {  	v8 =	vld [tilespmem:$0x1A608]  }
0x268: {  	v9 =	vld [tilespmem:$0x1A588];
	_ =	sdelay $0x3  }
0x269: {  	vm1 =	vlt.s32 v7, v8  }
0x26a: {  	vm2 =	veq.f32 v6, v9;
	v10 =	vsel vm1, v7, v8  }
0x26b: {  	vm1 =	vgt.f32 v6, v9;
	v6 =	vmax.f32 v6, v9;
	v8 =	vsel vm2, v10, v8  }
0x26c: {  	[tilespmem:$0x1A580] =	vst v6;
	v6 =	vsel vm1, v7, v8  }
0x26d: {  	v7 =	vld [tilespmem:$0x1A580];
	[tilespmem:$0x1A600] =	vst v6  }
0x26e: {  	v50 =	vld [tilespmem:$0x1A604]  }
0x26f: {  	v51 =	vld [tilespmem:$0x1A584];
	_ =	sdelay $0x3  }
0x270: {  	vm1 =	vlt.s32 v6, v50  }
0x271: {  	vm2 =	veq.f32 v7, v51;
	v52 =	vsel vm1, v6, v50  }
0x272: {  	vm1 =	vgt.f32 v7, v51;
	v7 =	vmax.f32 v7, v51;
	v8 =	vsel vm2, v52, v50  }
0x273: {  	[tilespmem:$0x1A580] =	vst v7;
	v6 =	vsel vm1, v6, v8  }
0x274: {  	v7 =	vld [tilespmem:$0x1A580];
	[tilespmem:$0x1A600] =	vst v6  }
0x275: {  	v53 =	vld [tilespmem:$0x1A602]  }
0x276: {  	v54 =	vld [tilespmem:$0x1A582];
	_ =	sdelay $0x3  }
0x277: {  	vm1 =	vlt.s32 v6, v53  }
0x278: {  	vm2 =	veq.f32 v7, v54;
	v55 =	vsel vm1, v6, v53  }
0x279: {  	vm1 =	vgt.f32 v7, v54;
	v7 =	vmax.f32 v7, v54;
	v8 =	vsel vm2, v55, v53  }
0x27a: {  	[tilespmem:$0x1A580] =	vst v7;
	v6 =	vsel vm1, v6, v8  }
0x27b: {  	v7 =	vld [tilespmem:$0x1A580];
	[tilespmem:$0x1A600] =	vst v6  }
0x27c: {  	v56 =	vld [tilespmem:$0x1A601]  }
0x27d: {  	p1 =	sne.s32 s1, s10;
	s3 =	simm.s32 $0x1;
	v57 =	vld [tilespmem:$0x1A581]  }
0x27e: {  	s8 =	sshra.s32 s9, $0x1F;
	s3 =	simm.s32 @!p1 $0x0  }
0x27f: {  	s12 =	sand.u32 $0xF, s1;
	s3 =	sor.u32 s3, s8  }
0x280: {  	p2 =	sne.s32 s12, $0x0;
	p6 =	sne.s32 s3, $0x1  }
0x281: {  	s13 =	sshrl.u32 s8, $0x1C;
	p1 =	por !p2, !p6;
	vm1 =	vlt.s32 v6, v56  }
0x282: {  	s1 =	sadd.s32 s13, s9;
	s3 =	simm.s32 $0x1;
	p1 =	por !p1, !p1;
	vm2 =	veq.f32 v7, v57;
	v58 =	vsel vm1, v6, v56  }
0x283: {  	s1 =	sshrl.u32 s1, $0x4;
	s3 =	simm.s32 @!p1 $0x0;
	vm1 =	vgt.f32 v7, v57;
	v7 =	vmax.f32 v7, v57;
	v8 =	vsel vm2, v58, v56  }
0x284: {  	s1 =	ssub.s32 s1, s3;
	[tilespmem:$0x1A580] =	vst v7;
	v6 =	vsel vm1, v6, v8  }
0x285: {  	s1 =	sshll.u32 s1, $0x4;
	[tilespmem:$0x1A600] =	vst v6  }
0x286: {  	v7 =	vld [tilespmem:s1+$0x1A080]  }
0x287: {  	v59 =	vld.msk [tilespmem:$0x1A580 ss:$0x0], $0xffff  }
0x288: {  	v60 =	vld [tilespmem:s1+$0x1A100]  }
0x289: {  	s14 =	ssub.s32 s9, s1  }
0x28a: {  	v61 =	vmov s14  }
0x28b: {  	vm1 =	veq.s32 v61, v2;
	v6 =	vbroadcast v6, $0x0  }
0x28c: {  	v7 =	vsel vm1, v59, v7  }
0x28d: {  	v6 =	vsel vm1, v6, v60;
	[tilespmem:s1+$0x1A080] =	vst v7  }
0x28e: {  	s15 =	sand.u32 $0x70, s26;
	[tilespmem:s1+$0x1A100] =	vst v6  }
0x28f: {  	v6 =	vld [tilespmem:s15+$0x1A180]  }
0x290: {  	v7 =	vld [tilespmem:s15+$0x1A200]  }
0x291: {  	s8 =	sand.u32 $0xF, s26;
	v62 =	vld [tilespmem:s15+$0x1A480]  }
0x292: {  	v5 =	vbroadcast v5, $0x0;
	v63 =	vmov s8  }
0x293: {  	vm1 =	veq.s32 v63, v2  }
0x294: {  	v5 =	vsel vm1, v5, v6  }
0x295: {  	[tilespmem:s15+$0x1A180] =	vst v5;
	v5 =	vsel vm1, s9, v7  }
0x296: {  	s10 =	sshll.u32 s26, $0x2;
	[tilespmem:s15+$0x1A200] =	vst v5;
	v5 =	vsel vm1, $0x1, v62  }
0x297: {  	s11 =	sand.u32 $0x1F0, s10;
	[tilespmem:s15+$0x1A480] =	vst v5  }
0x298: {  	v5 =	vld [tilespmem:s11+$0x1A280];
	_ =	sdelay $0x1  }
0x299: {  	s12 =	smul.f32 s24, s31;
	s3 =	sand.u32 $0xC, s10  }
0x29a: {  	s13 =	sor.u32 $0x1, s3;
	s14 =	smul.f32 s23, s30;
	v6 =	vmov s3  }
0x29b: {  	s30 =	smul.f32 s24, s29;
	vm1 =	veq.s32 v6, v2;
	v6 =	vmov s13;
	s15 =	sor.u32 $0x2, s3  }
.Ltmp14:
0x29c: {  	s3 =	sor.u32 $0x3, s3;
	v5 =	vsel vm1, s12, v5;
	vm1 =	veq.s32 v6, v2;
	v6 =	vmov s15;
	(pc) =	sbr.rel .LBB2_20-.Ltmp14, $4  }
0x29d: {  	s31 =	smul.f32 s23, s28;
	v5 =	vsel vm1, s14, v5;
	vm1 =	veq.s32 v6, v2;
	v6 =	vmov s3  }
0x29e: {  	v5 =	vsel vm1, s30, v5;
	vm1 =	veq.s32 v6, v2  }
0x29f: {  	v5 =	vsel vm1, s31, v5  }
0x2a0: {  	[tilespmem:s11+$0x1A280] =	vst v5  }
.LBB2_23:
0x2a1: {  	_ =	sfence.sel $0x180000  }
0x2a2: {  	[bflag:$0x0] =	sbarrier.arrive $0xFFFF  }
0x2a3: {  	_ =	strace $0x90000047  }
0x2a4: {  	s0 =	stileid.u32;
	[bflag:$0x2] =	sbarrier.arrive $0xFFFF  }
0x2a5: {  	p0 =	sne.s32 s0, $0x0;
	s0 =	rddreg [dreg:$0x7]  }
0x2a6: {  	s0 =	sadd.s32 @!p0 $0x100000, s0  }
0x2a7: {  	[sflag:s0] =	ssyncadd.tile.s32 @!p0 $0x1;
	_ =	shalt  }
.Lfunc_end2:
_tile_overlayer_lowered:
.L_overlay_start_2:
0x2a8: {  	(tag) =	ssettag $0x2  }
0x2a9: {  	s0 =	rddreg [dreg:$0x0];
	s2 =	stileid.u32  }
0x2aa: {  	s1 =	rddreg [dreg:$0x1];
	p0 =	sne.s32 s2, $0x0  }
0x2ab: {  	s3 =	rddreg [dreg:$0x2];
	[bflag:$0x3] =	sbarrier.arrive $0xFFFF;
	s2 =	simm.s32 @!p0 $0x1C01  }
0x2ac: {  	[timem:s3], [sflag:s2] =	dma.local @!p0 [hbm:s0], s1  }
0x2ad: {  	s0 =	simm.s32 @!p0 $0x1  }
0x2ae: {  	_ =	swait.ge @!p0 [sflag:s0], s1  }
0x2af: {  	s1 =	ssub.s32 @!p0 $0x0, s1;
	[sflag:s0] =	ssyncset.done @!p0 $0x0  }
0x2b0: {  	[sflag:s0] =	ssyncadd.s32 @!p0 s1  }
0x2b1: {  	[bflag:$0x3] =	sbarrier.arrive $0xFFFF  }
0x2b2: {  	_ =	shalt  }

</sc_bundles>
